<compile_context>
chip_gen: v7x
topology: tpu7x:2x2x1
jax: 0.10.2.dev20260603
libtpu: 0.0.44.dev20260713+nightly
codegen_flags: <defaults>
</compile_context>

<pallas_src>
import functools

import jax
import jax.numpy as jnp
from jax import lax
from jax.experimental import pallas as pl
from jax.experimental.pallas import tpu as pltpu
from jax.experimental.pallas import tpu_sc as plsc

CUTOFF = 0.5
E_PARENT = 6400000
E_FILTER = 1600000

NW = 32
NBLK = E_FILTER // 128
BASE_BLKS = NBLK // NW
EXTRA = NBLK - BASE_BLKS * NW

CB_A = 78
CN_A = CB_A * 128
NCH_A = BASE_BLKS // CB_A

CB_B = 65
CN_B = CB_B * 128
NCH_B = BASE_BLKS // CB_B

def _expand_step(idx_v, idxf_v, g):
    a = idx_v[pl.ds(g * 16, 16)]
    p0 = (a >> 7) * 384 + (a & 127)
    b = g >> 3
    r = g & 7
    dst = b * 384 + r * 16
    idxf_v[pl.ds(dst, 16)] = p0
    idxf_v[pl.ds(dst + 128, 16)] = p0 + 128
    idxf_v[pl.ds(dst + 256, 16)] = p0 + 256


def _worker_start(_=None):
    wid = lax.axis_index("s") * 2 + lax.axis_index("c")
    return wid, wid * BASE_BLKS + jnp.minimum(wid, EXTRA)


@functools.partial(
    pl.kernel,
    out_type=jax.ShapeDtypeStruct((E_FILTER,), jnp.float32),
    mesh=plsc.VectorSubcoreMesh(core_axis_name="c", subcore_axis_name="s"),
    scratch_types=[
        pltpu.VMEM((CN_A,), jnp.int32),
        pltpu.VMEM((CN_A,), jnp.int32),
        pltpu.VMEM((CN_A,), jnp.float32),
        pltpu.VMEM((CN_A,), jnp.float32),
        pltpu.SemaphoreType.DMA,
        pltpu.SemaphoreType.DMA,
        pltpu.SemaphoreType.DMA,
        pltpu.SemaphoreType.DMA,
    ],
)
def _dist_gather(dist_hbm, idx_hbm, d_out,
                 idx0, idx1, d0, d1, sem0, sem1, osem0, osem1):
    wid, start_blk = _worker_start()
    idxs = (idx0, idx1)
    ds = (d0, d1)
    sems = (sem0, sem1)
    osems = (osem0, osem1)

    def stage_fire(j):
        p = j % 2
        base_i = (start_blk + j * CB_A) * 128
        pltpu.sync_copy(idx_hbm.at[pl.ds(base_i, CN_A)], idxs[p])
        return pltpu.async_copy(dist_hbm.at[idxs[p]], ds[p], sems[p])

    cps = [stage_fire(0), None]
    outs = [None, None]
    for j in range(NCH_A):
        p = j % 2
        q = (j + 1) % 2
        if j + 1 < NCH_A:
            if outs[q] is not None:
                outs[q].wait()
                outs[q] = None
            cps[q] = stage_fire(j + 1)
        cps[p].wait()
        if outs[p] is not None:
            outs[p].wait()
            outs[p] = None
        base_i = (start_blk + j * CB_A) * 128
        outs[p] = pltpu.async_copy(ds[p], d_out.at[pl.ds(base_i, CN_A)],
                                   osems[p])

    for h in outs:
        if h is not None:
            h.wait()

    @pl.when(wid < EXTRA)
    def _():
        base_i = (start_blk + BASE_BLKS) * 128
        pltpu.sync_copy(idx_hbm.at[pl.ds(base_i, 128)], idx0.at[pl.ds(0, 128)])
        pltpu.async_copy(dist_hbm.at[idx0.at[pl.ds(0, 128)]],
                         d0.at[pl.ds(0, 128)], sem0).wait()
        pltpu.sync_copy(d0.at[pl.ds(0, 128)], d_out.at[pl.ds(base_i, 128)])


def _switch_tc_body(d_ref, sw_ref, m_ref):
    d = d_ref[...]
    mask = d < CUTOFF
    sw_ref[...] = jnp.where(mask, 0.5 * jnp.cos((jnp.pi / CUTOFF) * d) + 0.5,
                            0.0)
    m_ref[...] = mask.astype(jnp.int32)


_switch_tc = pl.pallas_call(
    _switch_tc_body,
    out_shape=[
        jax.ShapeDtypeStruct((E_FILTER,), jnp.float32),
        jax.ShapeDtypeStruct((E_FILTER,), jnp.int32),
    ],
)


@functools.partial(
    pl.kernel,
    out_type=jax.ShapeDtypeStruct((3 * E_FILTER,), jnp.float32),
    mesh=plsc.VectorSubcoreMesh(core_axis_name="c", subcore_axis_name="s"),
    scratch_types=[
        pltpu.VMEM((CN_B,), jnp.int32),
        pltpu.VMEM((3 * CN_B,), jnp.int32),
        pltpu.VMEM((3 * CN_B,), jnp.int32),
        pltpu.VMEM((3 * CN_B,), jnp.float32),
        pltpu.VMEM((3 * CN_B,), jnp.float32),
        pltpu.SemaphoreType.DMA,
        pltpu.SemaphoreType.DMA,
        pltpu.SemaphoreType.DMA,
        pltpu.SemaphoreType.DMA,
    ],
)
def _vec_gather(vpf_hbm, idx_hbm, v_out,
                idx_v, idxf0, idxf1, v0, v1, sem0, sem1, osem0, osem1):
    wid, start_blk = _worker_start()
    idxfs = (idxf0, idxf1)
    vs = (v0, v1)
    sems = (sem0, sem1)
    osems = (osem0, osem1)

    def stage_expand(j, idxf_v):
        base_i = (start_blk + j * CB_B) * 128
        pltpu.sync_copy(idx_hbm.at[pl.ds(base_i, CN_B)], idx_v)

        def expand(g, carry2):
            _expand_step(idx_v, idxf_v, g)
            return carry2

        lax.fori_loop(0, CN_B // 16, expand, 0, unroll=4)

    stage_expand(0, idxf0)
    cps = [pltpu.async_copy(vpf_hbm.at[idxf0], v0, sem0), None]
    outs = [None, None]
    for j in range(NCH_B):
        p = j % 2
        q = (j + 1) % 2
        if j + 1 < NCH_B:
            stage_expand(j + 1, idxfs[q])
            if outs[q] is not None:
                outs[q].wait()
                outs[q] = None
            cps[q] = pltpu.async_copy(vpf_hbm.at[idxfs[q]], vs[q], sems[q])
        else:
            if outs[q] is not None:
                outs[q].wait()
                outs[q] = None

            @pl.when(wid < EXTRA)
            def _():
                base_i = (start_blk + BASE_BLKS) * 128
                pltpu.sync_copy(idx_hbm.at[pl.ds(base_i, 128)],
                                idx_v.at[pl.ds(0, 128)])

                def expand2(g, carry2):
                    _expand_step(idx_v, idxfs[q], g)
                    return carry2

                lax.fori_loop(0, 8, expand2, 0, unroll=4)
                pltpu.async_copy(vpf_hbm.at[idxfs[q].at[pl.ds(0, 384)]],
                                 vs[q].at[pl.ds(0, 384)], sems[q]).wait()
                pltpu.sync_copy(vs[q].at[pl.ds(0, 384)],
                                v_out.at[pl.ds(base_i * 3, 384)])
        base_i = (start_blk + j * CB_B) * 128
        cps[p].wait()
        outs[p] = pltpu.async_copy(vs[p], v_out.at[pl.ds(base_i * 3, 3 * CN_B)],
                                   osems[p])

    for h in outs:
        if h is not None:
            h.wait()


def kernel(vec, distances, filter_indices):
    vpf = vec.T.reshape(3, E_PARENT // 128, 128).transpose(1, 0, 2).reshape(-1)
    d = _dist_gather(distances, filter_indices)
    vflat = _vec_gather(vpf, filter_indices)
    sw, m = _switch_tc(d)
    v = vflat.reshape(E_FILTER // 128, 3, 128).transpose(1, 0, 2)
    v = v.reshape(3, E_FILTER).T
    return v, d, sw, m.astype(jnp.bool_)

# --- scband reference (transcript-rebuilt; emitter-appended) ---
"""Pipeline reference for scband-graph-filter-processor-64012192579963 (READ-ONLY COPY).

The authoritative reference and input builder live on the scoring server;
editing this copy changes nothing except your own understanding.
"""

import jax, jax.numpy as jnp
import numpy as np

CUTOFF = 0.5
E_PARENT = 6400000
E_FILTER = 1600000

def setup_inputs(seed: int = 0):
    key = jax.random.key(seed)
    k1, k2, k3 = jax.random.split(key, 3)
    vec = jax.random.normal(k1, (E_PARENT, 3), dtype=jnp.float32)
    distances = jax.random.uniform(k2, (E_PARENT,), dtype=jnp.float32)
    filter_indices = jax.random.randint(k3, (E_FILTER,), 0, E_PARENT, dtype=jnp.int32)
    return {"vec": vec, "distances": distances, "filter_indices": filter_indices}

def reference(vec, distances, filter_indices):
    # gather edges of the parent graph selected by the filter
    v = jnp.take(vec, filter_indices, axis=0)
    d = jnp.take(distances, filter_indices, axis=0)
    edge_mask = d < CUTOFF
    # cosine switch function (FENNIX default): 0.5*cos(pi*d/cutoff)+0.5, masked outside cutoff
    x = d / CUTOFF
    switch = jnp.where(edge_mask, 0.5 * jnp.cos(jnp.pi * x) + 0.5, 0.0)
    return v, d, switch, edge_mask

if __name__ == "__main__":
    import jax
    _d = setup_inputs()
    print(jax.jit(kernel)(*tuple(_d.values())))

</pallas_src>

<mosaic_0001>
#map = affine_map<(d0, d1) -> (0)>
module attributes {stable_mosaic.version = 14 : i64} {
  func.func @_vec_gather(%arg0: i32, %arg1: i32, %arg2: memref<19200000xf32, #tpu.memory_space<hbm>>, %arg3: memref<1600000xi32, #tpu.memory_space<hbm>>, %arg4: memref<4800000xf32, #tpu.memory_space<hbm>>, %arg5: memref<8320xi32, #tpu.memory_space<vmem>>, %arg6: memref<24960xi32, #tpu.memory_space<vmem>>, %arg7: memref<24960xi32, #tpu.memory_space<vmem>>, %arg8: memref<24960xf32, #tpu.memory_space<vmem>>, %arg9: memref<24960xf32, #tpu.memory_space<vmem>>, %arg10: memref<!tpu.dma_semaphore, #tpu.memory_space<semaphore_mem>>, %arg11: memref<!tpu.dma_semaphore, #tpu.memory_space<semaphore_mem>>, %arg12: memref<!tpu.dma_semaphore, #tpu.memory_space<semaphore_mem>>, %arg13: memref<!tpu.dma_semaphore, #tpu.memory_space<semaphore_mem>>) attributes {dimension_semantics = [#tpu.dimension_semantics<core_parallel>, #tpu.dimension_semantics<subcore_parallel>], iteration_bounds = array<i64: 2, 16>, scalar_prefetch = 0 : i64, scratch_operands = 9 : i64, tpu.core_type = #tpu.core_type<sc_vector_subcore>, window_params = [{transform_indices = #map}, {transform_indices = #map}, {transform_indices = #map}]} {
    %mul3A = arith.constant 2 : i32
    %mul3A_0 = arith.muli %arg1, %mul3A : i32
    %add3A = arith.addi %mul3A_0, %arg0 : i32
    %mul3A_1 = arith.constant 390 : i32
    %mul3A_2 = arith.muli %add3A, %mul3A_1 : i32
    %min3A = arith.constant 20 : i32
    %min3A_3 = arith.minsi %add3A, %min3A : i32
    %add3A_4 = arith.addi %mul3A_2, %min3A_3 : i32
    %add3A_5 = arith.constant 0 : i32
    %add3A_6 = arith.addi %add3A_4, %add3A_5 : i32
    %mul3A_7 = arith.constant 128 : i32
    %mul3A_8 = arith.muli %add3A_6, %mul3A_7 : i32
    "tpu.region"() ({
      %run_scoped3A = tpu.sem_alloc : memref<!tpu.dma_semaphore, #tpu.memory_space<semaphore_mem>>
      %dma_start3A_148 = tpu.memref_slice %arg3[%mul3A_8] : memref<1600000xi32, #tpu.memory_space<hbm>> -> memref<8320xi32, #tpu.memory_space<hbm>>
      %dma_start3A_149 = tpu.memref_slice %arg3[%mul3A_8] : memref<1600000xi32, #tpu.memory_space<hbm>> -> memref<8320xi32, #tpu.memory_space<hbm>>
      tpu.enqueue_dma source(%dma_start3A_149 : memref<8320xi32, #tpu.memory_space<hbm>>) target(%arg5 : memref<8320xi32, #tpu.memory_space<vmem>>) target_semaphore(%run_scoped3A : memref<!tpu.dma_semaphore, #tpu.memory_space<semaphore_mem>>)
      %dma_wait3A_150 = tpu.memref_slice %arg3[%mul3A_8] : memref<1600000xi32, #tpu.memory_space<hbm>> -> memref<8320xi32, #tpu.memory_space<hbm>>
      %dma_wait3A_151 = tpu.memref_slice %arg3[%mul3A_8] : memref<1600000xi32, #tpu.memory_space<hbm>> -> memref<8320xi32, #tpu.memory_space<hbm>>
      tpu.wait_dma2 semaphore(%run_scoped3A : memref<!tpu.dma_semaphore, #tpu.memory_space<semaphore_mem>>) src(%dma_wait3A_151 : memref<8320xi32, #tpu.memory_space<hbm>>) dst(%arg5 : memref<8320xi32, #tpu.memory_space<vmem>>)
      tpu.yield
    }) : () -> ()
    %scan3A = arith.constant 0 : i32
    %scan3A_9 = arith.constant 0 : i32
    %scan3A_10 = arith.constant 520 : i32
    %scan3A_11 = arith.addi %scan3A_9, %scan3A_10 : i32
    %scan3A_12 = arith.constant 4 : i32
    scf.for %scan3A_148 = %scan3A_9 to %scan3A_11 step %scan3A_12  : i32 {
      %mul3A_149 = arith.constant 16 : i32
      %mul3A_150 = arith.muli %scan3A_148, %mul3A_149 : i32
      %get3A = arith.index_cast %mul3A_150 : i32 to index
      %get3A_151 = tpu.vector_load %arg5[%get3A] {strides = array<i32>} : memref<8320xi32, #tpu.memory_space<vmem>>, vector<16xi32>,
      %get3A_152 = vector.shape_cast %get3A_151 : vector<16xi32> to vector<16xi32>
      %shift_right_arithmetic3A = arith.constant 7 : i32
      %shift_right_arithmetic3A_153 = vector.broadcast %shift_right_arithmetic3A : i32 to vector<16xi32>
      %shift_right_arithmetic3A_154 = arith.shrsi %get3A_152, %shift_right_arithmetic3A_153 : vector<16xi32>
      %mul3A_155 = arith.constant 384 : i32
      %mul3A_156 = vector.broadcast %mul3A_155 : i32 to vector<16xi32>
      %mul3A_157 = arith.muli %shift_right_arithmetic3A_154, %mul3A_156 : vector<16xi32>
      %and3A = arith.constant 127 : i32
      %and3A_158 = vector.broadcast %and3A : i32 to vector<16xi32>
      %and3A_159 = arith.andi %get3A_152, %and3A_158 : vector<16xi32>
      %add3A_160 = arith.addi %mul3A_157, %and3A_159 : vector<16xi32>
      %shift_right_arithmetic3A_161 = arith.constant 3 : i32
      %shift_right_arithmetic3A_162 = arith.shrsi %scan3A_148, %shift_right_arithmetic3A_161 : i32
      %and3A_163 = arith.constant 7 : i32
      %and3A_164 = arith.andi %scan3A_148, %and3A_163 : i32
      %mul3A_165 = arith.constant 384 : i32
      %mul3A_166 = arith.muli %shift_right_arithmetic3A_162, %mul3A_165 : i32
      %mul3A_167 = arith.constant 16 : i32
      %mul3A_168 = arith.muli %and3A_164, %mul3A_167 : i32
      %add3A_169 = arith.addi %mul3A_166, %mul3A_168 : i32
      %swap3A = arith.index_cast %add3A_169 : i32 to index
      %swap3A_170 = tpu.vector_load %arg6[%swap3A] {strides = array<i32>} : memref<24960xi32, #tpu.memory_space<vmem>>, vector<16xi32>,
      %swap3A_171 = vector.shape_cast %swap3A_170 : vector<16xi32> to vector<16xi32>
      %swap3A_172 = vector.shape_cast %add3A_160 : vector<16xi32> to vector<16xi32>
      tpu.vector_store %arg6[%swap3A], %swap3A_172 {strides = array<i32>} : memref<24960xi32, #tpu.memory_space<vmem>>, vector<16xi32>,
      %add3A_173 = arith.constant 128 : i32
      %add3A_174 = vector.broadcast %add3A_173 : i32 to vector<16xi32>
      %add3A_175 = arith.addi %add3A_160, %add3A_174 : vector<16xi32>
      %add3A_176 = arith.constant 128 : i32
      %add3A_177 = arith.addi %add3A_169, %add3A_176 : i32
      %swap3A_178 = arith.index_cast %add3A_177 : i32 to index
      %swap3A_179 = tpu.vector_load %arg6[%swap3A_178] {strides = array<i32>} : memref<24960xi32, #tpu.memory_space<vmem>>, vector<16xi32>,
      %swap3A_180 = vector.shape_cast %swap3A_179 : vector<16xi32> to vector<16xi32>
      %swap3A_181 = vector.shape_cast %add3A_175 : vector<16xi32> to vector<16xi32>
      tpu.vector_store %arg6[%swap3A_178], %swap3A_181 {strides = array<i32>} : memref<24960xi32, #tpu.memory_space<vmem>>, vector<16xi32>,
      %add3A_182 = arith.constant 256 : i32
      %add3A_183 = vector.broadcast %add3A_182 : i32 to vector<16xi32>
      %add3A_184 = arith.addi %add3A_160, %add3A_183 : vector<16xi32>
      %add3A_185 = arith.constant 256 : i32
      %add3A_186 = arith.addi %add3A_169, %add3A_185 : i32
      %swap3A_187 = arith.index_cast %add3A_186 : i32 to index
      %swap3A_188 = tpu.vector_load %arg6[%swap3A_187] {strides = array<i32>} : memref<24960xi32, #tpu.memory_space<vmem>>, vector<16xi32>,
      %swap3A_189 = vector.shape_cast %swap3A_188 : vector<16xi32> to vector<16xi32>
      %swap3A_190 = vector.shape_cast %add3A_184 : vector<16xi32> to vector<16xi32>
      tpu.vector_store %arg6[%swap3A_187], %swap3A_190 {strides = array<i32>} : memref<24960xi32, #tpu.memory_space<vmem>>, vector<16xi32>,
      %scan3A_191 = arith.constant 1 : i32
      %scan3A_192 = arith.addi %scan3A_148, %scan3A_191 : i32
      %mul3A_193 = arith.constant 16 : i32
      %mul3A_194 = arith.muli %scan3A_192, %mul3A_193 : i32
      %get3A_195 = arith.index_cast %mul3A_194 : i32 to index
      %get3A_196 = tpu.vector_load %arg5[%get3A_195] {strides = array<i32>} : memref<8320xi32, #tpu.memory_space<vmem>>, vector<16xi32>,
      %get3A_197 = vector.shape_cast %get3A_196 : vector<16xi32> to vector<16xi32>
      %shift_right_arithmetic3A_198 = arith.constant 7 : i32
      %shift_right_arithmetic3A_199 = vector.broadcast %shift_right_arithmetic3A_198 : i32 to vector<16xi32>
      %shift_right_arithmetic3A_200 = arith.shrsi %get3A_197, %shift_right_arithmetic3A_199 : vector<16xi32>
      %mul3A_201 = arith.constant 384 : i32
      %mul3A_202 = vector.broadcast %mul3A_201 : i32 to vector<16xi32>
      %mul3A_203 = arith.muli %shift_right_arithmetic3A_200, %mul3A_202 : vector<16xi32>
      %and3A_204 = arith.constant 127 : i32
      %and3A_205 = vector.broadcast %and3A_204 : i32 to vector<16xi32>
      %and3A_206 = arith.andi %get3A_197, %and3A_205 : vector<16xi32>
      %add3A_207 = arith.addi %mul3A_203, %and3A_206 : vector<16xi32>
      %shift_right_arithmetic3A_208 = arith.constant 3 : i32
      %shift_right_arithmetic3A_209 = arith.shrsi %scan3A_192, %shift_right_arithmetic3A_208 : i32
      %and3A_210 = arith.constant 7 : i32
      %and3A_211 = arith.andi %scan3A_192, %and3A_210 : i32
      %mul3A_212 = arith.constant 384 : i32
      %mul3A_213 = arith.muli %shift_right_arithmetic3A_209, %mul3A_212 : i32
      %mul3A_214 = arith.constant 16 : i32
      %mul3A_215 = arith.muli %and3A_211, %mul3A_214 : i32
      %add3A_216 = arith.addi %mul3A_213, %mul3A_215 : i32
      %swap3A_217 = arith.index_cast %add3A_216 : i32 to index
      %swap3A_218 = tpu.vector_load %arg6[%swap3A_217] {strides = array<i32>} : memref<24960xi32, #tpu.memory_space<vmem>>, vector<16xi32>,
      %swap3A_219 = vector.shape_cast %swap3A_218 : vector<16xi32> to vector<16xi32>
      %swap3A_220 = vector.shape_cast %add3A_207 : vector<16xi32> to vector<16xi32>
      tpu.vector_store %arg6[%swap3A_217], %swap3A_220 {strides = array<i32>} : memref<24960xi32, #tpu.memory_space<vmem>>, vector<16xi32>,
      %add3A_221 = arith.constant 128 : i32
      %add3A_222 = vector.broadcast %add3A_221 : i32 to vector<16xi32>
      %add3A_223 = arith.addi %add3A_207, %add3A_222 : vector<16xi32>
      %add3A_224 = arith.constant 128 : i32
      %add3A_225 = arith.addi %add3A_216, %add3A_224 : i32
      %swap3A_226 = arith.index_cast %add3A_225 : i32 to index
      %swap3A_227 = tpu.vector_load %arg6[%swap3A_226] {strides = array<i32>} : memref<24960xi32, #tpu.memory_space<vmem>>, vector<16xi32>,
      %swap3A_228 = vector.shape_cast %swap3A_227 : vector<16xi32> to vector<16xi32>
      %swap3A_229 = vector.shape_cast %add3A_223 : vector<16xi32> to vector<16xi32>
      tpu.vector_store %arg6[%swap3A_226], %swap3A_229 {strides = array<i32>} : memref<24960xi32, #tpu.memory_space<vmem>>, vector<16xi32>,
      %add3A_230 = arith.constant 256 : i32
      %add3A_231 = vector.broadcast %add3A_230 : i32 to vector<16xi32>
      %add3A_232 = arith.addi %add3A_207, %add3A_231 : vector<16xi32>
      %add3A_233 = arith.constant 256 : i32
      %add3A_234 = arith.addi %add3A_216, %add3A_233 : i32
      %swap3A_235 = arith.index_cast %add3A_234 : i32 to index
      %swap3A_236 = tpu.vector_load %arg6[%swap3A_235] {strides = array<i32>} : memref<24960xi32, #tpu.memory_space<vmem>>, vector<16xi32>,
      %swap3A_237 = vector.shape_cast %swap3A_236 : vector<16xi32> to vector<16xi32>
      %swap3A_238 = vector.shape_cast %add3A_232 : vector<16xi32> to vector<16xi32>
      tpu.vector_store %arg6[%swap3A_235], %swap3A_238 {strides = array<i32>} : memref<24960xi32, #tpu.memory_space<vmem>>, vector<16xi32>,
      %scan3A_239 = arith.constant 2 : i32
      %scan3A_240 = arith.addi %scan3A_148, %scan3A_239 : i32
      %mul3A_241 = arith.constant 16 : i32
      %mul3A_242 = arith.muli %scan3A_240, %mul3A_241 : i32
      %get3A_243 = arith.index_cast %mul3A_242 : i32 to index
      %get3A_244 = tpu.vector_load %arg5[%get3A_243] {strides = array<i32>} : memref<8320xi32, #tpu.memory_space<vmem>>, vector<16xi32>,
      %get3A_245 = vector.shape_cast %get3A_244 : vector<16xi32> to vector<16xi32>
      %shift_right_arithmetic3A_246 = arith.constant 7 : i32
      %shift_right_arithmetic3A_247 = vector.broadcast %shift_right_arithmetic3A_246 : i32 to vector<16xi32>
      %shift_right_arithmetic3A_248 = arith.shrsi %get3A_245, %shift_right_arithmetic3A_247 : vector<16xi32>
      %mul3A_249 = arith.constant 384 : i32
      %mul3A_250 = vector.broadcast %mul3A_249 : i32 to vector<16xi32>
      %mul3A_251 = arith.muli %shift_right_arithmetic3A_248, %mul3A_250 : vector<16xi32>
      %and3A_252 = arith.constant 127 : i32
      %and3A_253 = vector.broadcast %and3A_252 : i32 to vector<16xi32>
      %and3A_254 = arith.andi %get3A_245, %and3A_253 : vector<16xi32>
      %add3A_255 = arith.addi %mul3A_251, %and3A_254 : vector<16xi32>
      %shift_right_arithmetic3A_256 = arith.constant 3 : i32
      %shift_right_arithmetic3A_257 = arith.shrsi %scan3A_240, %shift_right_arithmetic3A_256 : i32
      %and3A_258 = arith.constant 7 : i32
      %and3A_259 = arith.andi %scan3A_240, %and3A_258 : i32
      %mul3A_260 = arith.constant 384 : i32
      %mul3A_261 = arith.muli %shift_right_arithmetic3A_257, %mul3A_260 : i32
      %mul3A_262 = arith.constant 16 : i32
      %mul3A_263 = arith.muli %and3A_259, %mul3A_262 : i32
      %add3A_264 = arith.addi %mul3A_261, %mul3A_263 : i32
      %swap3A_265 = arith.index_cast %add3A_264 : i32 to index
      %swap3A_266 = tpu.vector_load %arg6[%swap3A_265] {strides = array<i32>} : memref<24960xi32, #tpu.memory_space<vmem>>, vector<16xi32>,
      %swap3A_267 = vector.shape_cast %swap3A_266 : vector<16xi32> to vector<16xi32>
      %swap3A_268 = vector.shape_cast %add3A_255 : vector<16xi32> to vector<16xi32>
      tpu.vector_store %arg6[%swap3A_265], %swap3A_268 {strides = array<i32>} : memref<24960xi32, #tpu.memory_space<vmem>>, vector<16xi32>,
      %add3A_269 = arith.constant 128 : i32
      %add3A_270 = vector.broadcast %add3A_269 : i32 to vector<16xi32>
      %add3A_271 = arith.addi %add3A_255, %add3A_270 : vector<16xi32>
      %add3A_272 = arith.constant 128 : i32
      %add3A_273 = arith.addi %add3A_264, %add3A_272 : i32
      %swap3A_274 = arith.index_cast %add3A_273 : i32 to index
      %swap3A_275 = tpu.vector_load %arg6[%swap3A_274] {strides = array<i32>} : memref<24960xi32, #tpu.memory_space<vmem>>, vector<16xi32>,
      %swap3A_276 = vector.shape_cast %swap3A_275 : vector<16xi32> to vector<16xi32>
      %swap3A_277 = vector.shape_cast %add3A_271 : vector<16xi32> to vector<16xi32>
      tpu.vector_store %arg6[%swap3A_274], %swap3A_277 {strides = array<i32>} : memref<24960xi32, #tpu.memory_space<vmem>>, vector<16xi32>,
      %add3A_278 = arith.constant 256 : i32
      %add3A_279 = vector.broadcast %add3A_278 : i32 to vector<16xi32>
      %add3A_280 = arith.addi %add3A_255, %add3A_279 : vector<16xi32>
      %add3A_281 = arith.constant 256 : i32
      %add3A_282 = arith.addi %add3A_264, %add3A_281 : i32
      %swap3A_283 = arith.index_cast %add3A_282 : i32 to index
      %swap3A_284 = tpu.vector_load %arg6[%swap3A_283] {strides = array<i32>} : memref<24960xi32, #tpu.memory_space<vmem>>, vector<16xi32>,
      %swap3A_285 = vector.shape_cast %swap3A_284 : vector<16xi32> to vector<16xi32>
      %swap3A_286 = vector.shape_cast %add3A_280 : vector<16xi32> to vector<16xi32>
      tpu.vector_store %arg6[%swap3A_283], %swap3A_286 {strides = array<i32>} : memref<24960xi32, #tpu.memory_space<vmem>>, vector<16xi32>,
      %scan3A_287 = arith.constant 3 : i32
      %scan3A_288 = arith.addi %scan3A_148, %scan3A_287 : i32
      %mul3A_289 = arith.constant 16 : i32
      %mul3A_290 = arith.muli %scan3A_288, %mul3A_289 : i32
      %get3A_291 = arith.index_cast %mul3A_290 : i32 to index
      %get3A_292 = tpu.vector_load %arg5[%get3A_291] {strides = array<i32>} : memref<8320xi32, #tpu.memory_space<vmem>>, vector<16xi32>,
      %get3A_293 = vector.shape_cast %get3A_292 : vector<16xi32> to vector<16xi32>
      %shift_right_arithmetic3A_294 = arith.constant 7 : i32
      %shift_right_arithmetic3A_295 = vector.broadcast %shift_right_arithmetic3A_294 : i32 to vector<16xi32>
      %shift_right_arithmetic3A_296 = arith.shrsi %get3A_293, %shift_right_arithmetic3A_295 : vector<16xi32>
      %mul3A_297 = arith.constant 384 : i32
      %mul3A_298 = vector.broadcast %mul3A_297 : i32 to vector<16xi32>
      %mul3A_299 = arith.muli %shift_right_arithmetic3A_296, %mul3A_298 : vector<16xi32>
      %and3A_300 = arith.constant 127 : i32
      %and3A_301 = vector.broadcast %and3A_300 : i32 to vector<16xi32>
      %and3A_302 = arith.andi %get3A_293, %and3A_301 : vector<16xi32>
      %add3A_303 = arith.addi %mul3A_299, %and3A_302 : vector<16xi32>
      %shift_right_arithmetic3A_304 = arith.constant 3 : i32
      %shift_right_arithmetic3A_305 = arith.shrsi %scan3A_288, %shift_right_arithmetic3A_304 : i32
      %and3A_306 = arith.constant 7 : i32
      %and3A_307 = arith.andi %scan3A_288, %and3A_306 : i32
      %mul3A_308 = arith.constant 384 : i32
      %mul3A_309 = arith.muli %shift_right_arithmetic3A_305, %mul3A_308 : i32
      %mul3A_310 = arith.constant 16 : i32
      %mul3A_311 = arith.muli %and3A_307, %mul3A_310 : i32
      %add3A_312 = arith.addi %mul3A_309, %mul3A_311 : i32
      %swap3A_313 = arith.index_cast %add3A_312 : i32 to index
      %swap3A_314 = tpu.vector_load %arg6[%swap3A_313] {strides = array<i32>} : memref<24960xi32, #tpu.memory_space<vmem>>, vector<16xi32>,
      %swap3A_315 = vector.shape_cast %swap3A_314 : vector<16xi32> to vector<16xi32>
      %swap3A_316 = vector.shape_cast %add3A_303 : vector<16xi32> to vector<16xi32>
      tpu.vector_store %arg6[%swap3A_313], %swap3A_316 {strides = array<i32>} : memref<24960xi32, #tpu.memory_space<vmem>>, vector<16xi32>,
      %add3A_317 = arith.constant 128 : i32
      %add3A_318 = vector.broadcast %add3A_317 : i32 to vector<16xi32>
      %add3A_319 = arith.addi %add3A_303, %add3A_318 : vector<16xi32>
      %add3A_320 = arith.constant 128 : i32
      %add3A_321 = arith.addi %add3A_312, %add3A_320 : i32
      %swap3A_322 = arith.index_cast %add3A_321 : i32 to index
      %swap3A_323 = tpu.vector_load %arg6[%swap3A_322] {strides = array<i32>} : memref<24960xi32, #tpu.memory_space<vmem>>, vector<16xi32>,
      %swap3A_324 = vector.shape_cast %swap3A_323 : vector<16xi32> to vector<16xi32>
      %swap3A_325 = vector.shape_cast %add3A_319 : vector<16xi32> to vector<16xi32>
      tpu.vector_store %arg6[%swap3A_322], %swap3A_325 {strides = array<i32>} : memref<24960xi32, #tpu.memory_space<vmem>>, vector<16xi32>,
      %add3A_326 = arith.constant 256 : i32
      %add3A_327 = vector.broadcast %add3A_326 : i32 to vector<16xi32>
      %add3A_328 = arith.addi %add3A_303, %add3A_327 : vector<16xi32>
      %add3A_329 = arith.constant 256 : i32
      %add3A_330 = arith.addi %add3A_312, %add3A_329 : i32
      %swap3A_331 = arith.index_cast %add3A_330 : i32 to index
      %swap3A_332 = tpu.vector_load %arg6[%swap3A_331] {strides = array<i32>} : memref<24960xi32, #tpu.memory_space<vmem>>, vector<16xi32>,
      %swap3A_333 = vector.shape_cast %swap3A_332 : vector<16xi32> to vector<16xi32>
      %swap3A_334 = vector.shape_cast %add3A_328 : vector<16xi32> to vector<16xi32>
      tpu.vector_store %arg6[%swap3A_331], %swap3A_334 {strides = array<i32>} : memref<24960xi32, #tpu.memory_space<vmem>>, vector<16xi32>,
    }
    %scan3A_13 = arith.constant 520 : i32
    %dma_start3A = arith.constant 0 : i32
    %dma_start3A_14 = tpu.memref_slice %arg2[%dma_start3A] : memref<19200000xf32, #tpu.memory_space<hbm>> -> memref<19200000xf32, #tpu.memory_space<hbm>>
    tpu.enqueue_indirect_dma source(%dma_start3A_14 : memref<19200000xf32, #tpu.memory_space<hbm>>) target(%arg8 : memref<24960xf32, #tpu.memory_space<vmem>>) offsets(%arg6 : memref<24960xi32, #tpu.memory_space<vmem>>) semaphore(%arg10 : memref<!tpu.dma_semaphore, #tpu.memory_space<semaphore_mem>>)
    %add3A_15 = arith.constant 65 : i32
    %add3A_16 = arith.addi %add3A_4, %add3A_15 : i32
    %mul3A_17 = arith.constant 128 : i32
    %mul3A_18 = arith.muli %add3A_16, %mul3A_17 : i32
    "tpu.region"() ({
      %run_scoped3A = tpu.sem_alloc : memref<!tpu.dma_semaphore, #tpu.memory_space<semaphore_mem>>
      %dma_start3A_148 = tpu.memref_slice %arg3[%mul3A_18] : memref<1600000xi32, #tpu.memory_space<hbm>> -> memref<8320xi32, #tpu.memory_space<hbm>>
      %dma_start3A_149 = tpu.memref_slice %arg3[%mul3A_18] : memref<1600000xi32, #tpu.memory_space<hbm>> -> memref<8320xi32, #tpu.memory_space<hbm>>
      tpu.enqueue_dma source(%dma_start3A_149 : memref<8320xi32, #tpu.memory_space<hbm>>) target(%arg5 : memref<8320xi32, #tpu.memory_space<vmem>>) target_semaphore(%run_scoped3A : memref<!tpu.dma_semaphore, #tpu.memory_space<semaphore_mem>>)
      %dma_wait3A_150 = tpu.memref_slice %arg3[%mul3A_18] : memref<1600000xi32, #tpu.memory_space<hbm>> -> memref<8320xi32, #tpu.memory_space<hbm>>
      %dma_wait3A_151 = tpu.memref_slice %arg3[%mul3A_18] : memref<1600000xi32, #tpu.memory_space<hbm>> -> memref<8320xi32, #tpu.memory_space<hbm>>
      tpu.wait_dma2 semaphore(%run_scoped3A : memref<!tpu.dma_semaphore, #tpu.memory_space<semaphore_mem>>) src(%dma_wait3A_151 : memref<8320xi32, #tpu.memory_space<hbm>>) dst(%arg5 : memref<8320xi32, #tpu.memory_space<vmem>>)
      tpu.yield
    }) : () -> ()
    %scan3A_19 = arith.constant 0 : i32
    %scan3A_20 = arith.constant 0 : i32
    %scan3A_21 = arith.constant 520 : i32
    %scan3A_22 = arith.addi %scan3A_20, %scan3A_21 : i32
    %scan3A_23 = arith.constant 4 : i32
    scf.for %scan3A_148 = %scan3A_20 to %scan3A_22 step %scan3A_23  : i32 {
      %mul3A_149 = arith.constant 16 : i32
      %mul3A_150 = arith.muli %scan3A_148, %mul3A_149 : i32
      %get3A = arith.index_cast %mul3A_150 : i32 to index
      %get3A_151 = tpu.vector_load %arg5[%get3A] {strides = array<i32>} : memref<8320xi32, #tpu.memory_space<vmem>>, vector<16xi32>,
      %get3A_152 = vector.shape_cast %get3A_151 : vector<16xi32> to vector<16xi32>
      %shift_right_arithmetic3A = arith.constant 7 : i32
      %shift_right_arithmetic3A_153 = vector.broadcast %shift_right_arithmetic3A : i32 to vector<16xi32>
      %shift_right_arithmetic3A_154 = arith.shrsi %get3A_152, %shift_right_arithmetic3A_153 : vector<16xi32>
      %mul3A_155 = arith.constant 384 : i32
      %mul3A_156 = vector.broadcast %mul3A_155 : i32 to vector<16xi32>
      %mul3A_157 = arith.muli %shift_right_arithmetic3A_154, %mul3A_156 : vector<16xi32>
      %and3A = arith.constant 127 : i32
      %and3A_158 = vector.broadcast %and3A : i32 to vector<16xi32>
      %and3A_159 = arith.andi %get3A_152, %and3A_158 : vector<16xi32>
      %add3A_160 = arith.addi %mul3A_157, %and3A_159 : vector<16xi32>
      %shift_right_arithmetic3A_161 = arith.constant 3 : i32
      %shift_right_arithmetic3A_162 = arith.shrsi %scan3A_148, %shift_right_arithmetic3A_161 : i32
      %and3A_163 = arith.constant 7 : i32
      %and3A_164 = arith.andi %scan3A_148, %and3A_163 : i32
      %mul3A_165 = arith.constant 384 : i32
      %mul3A_166 = arith.muli %shift_right_arithmetic3A_162, %mul3A_165 : i32
      %mul3A_167 = arith.constant 16 : i32
      %mul3A_168 = arith.muli %and3A_164, %mul3A_167 : i32
      %add3A_169 = arith.addi %mul3A_166, %mul3A_168 : i32
      %swap3A = arith.index_cast %add3A_169 : i32 to index
      %swap3A_170 = tpu.vector_load %arg7[%swap3A] {strides = array<i32>} : memref<24960xi32, #tpu.memory_space<vmem>>, vector<16xi32>,
      %swap3A_171 = vector.shape_cast %swap3A_170 : vector<16xi32> to vector<16xi32>
      %swap3A_172 = vector.shape_cast %add3A_160 : vector<16xi32> to vector<16xi32>
      tpu.vector_store %arg7[%swap3A], %swap3A_172 {strides = array<i32>} : memref<24960xi32, #tpu.memory_space<vmem>>, vector<16xi32>,
      %add3A_173 = arith.constant 128 : i32
      %add3A_174 = vector.broadcast %add3A_173 : i32 to vector<16xi32>
      %add3A_175 = arith.addi %add3A_160, %add3A_174 : vector<16xi32>
      %add3A_176 = arith.constant 128 : i32
      %add3A_177 = arith.addi %add3A_169, %add3A_176 : i32
      %swap3A_178 = arith.index_cast %add3A_177 : i32 to index
      %swap3A_179 = tpu.vector_load %arg7[%swap3A_178] {strides = array<i32>} : memref<24960xi32, #tpu.memory_space<vmem>>, vector<16xi32>,
      %swap3A_180 = vector.shape_cast %swap3A_179 : vector<16xi32> to vector<16xi32>
      %swap3A_181 = vector.shape_cast %add3A_175 : vector<16xi32> to vector<16xi32>
      tpu.vector_store %arg7[%swap3A_178], %swap3A_181 {strides = array<i32>} : memref<24960xi32, #tpu.memory_space<vmem>>, vector<16xi32>,
      %add3A_182 = arith.constant 256 : i32
      %add3A_183 = vector.broadcast %add3A_182 : i32 to vector<16xi32>
      %add3A_184 = arith.addi %add3A_160, %add3A_183 : vector<16xi32>
      %add3A_185 = arith.constant 256 : i32
      %add3A_186 = arith.addi %add3A_169, %add3A_185 : i32
      %swap3A_187 = arith.index_cast %add3A_186 : i32 to index
      %swap3A_188 = tpu.vector_load %arg7[%swap3A_187] {strides = array<i32>} : memref<24960xi32, #tpu.memory_space<vmem>>, vector<16xi32>,
      %swap3A_189 = vector.shape_cast %swap3A_188 : vector<16xi32> to vector<16xi32>
      %swap3A_190 = vector.shape_cast %add3A_184 : vector<16xi32> to vector<16xi32>
      tpu.vector_store %arg7[%swap3A_187], %swap3A_190 {strides = array<i32>} : memref<24960xi32, #tpu.memory_space<vmem>>, vector<16xi32>,
      %scan3A_191 = arith.constant 1 : i32
      %scan3A_192 = arith.addi %scan3A_148, %scan3A_191 : i32
      %mul3A_193 = arith.constant 16 : i32
      %mul3A_194 = arith.muli %scan3A_192, %mul3A_193 : i32
      %get3A_195 = arith.index_cast %mul3A_194 : i32 to index
      %get3A_196 = tpu.vector_load %arg5[%get3A_195] {strides = array<i32>} : memref<8320xi32, #tpu.memory_space<vmem>>, vector<16xi32>,
      %get3A_197 = vector.shape_cast %get3A_196 : vector<16xi32> to vector<16xi32>
      %shift_right_arithmetic3A_198 = arith.constant 7 : i32
      %shift_right_arithmetic3A_199 = vector.broadcast %shift_right_arithmetic3A_198 : i32 to vector<16xi32>
      %shift_right_arithmetic3A_200 = arith.shrsi %get3A_197, %shift_right_arithmetic3A_199 : vector<16xi32>
      %mul3A_201 = arith.constant 384 : i32
      %mul3A_202 = vector.broadcast %mul3A_201 : i32 to vector<16xi32>
      %mul3A_203 = arith.muli %shift_right_arithmetic3A_200, %mul3A_202 : vector<16xi32>
      %and3A_204 = arith.constant 127 : i32
      %and3A_205 = vector.broadcast %and3A_204 : i32 to vector<16xi32>
      %and3A_206 = arith.andi %get3A_197, %and3A_205 : vector<16xi32>
      %add3A_207 = arith.addi %mul3A_203, %and3A_206 : vector<16xi32>
      %shift_right_arithmetic3A_208 = arith.constant 3 : i32
      %shift_right_arithmetic3A_209 = arith.shrsi %scan3A_192, %shift_right_arithmetic3A_208 : i32
      %and3A_210 = arith.constant 7 : i32
      %and3A_211 = arith.andi %scan3A_192, %and3A_210 : i32
      %mul3A_212 = arith.constant 384 : i32
      %mul3A_213 = arith.muli %shift_right_arithmetic3A_209, %mul3A_212 : i32
      %mul3A_214 = arith.constant 16 : i32
      %mul3A_215 = arith.muli %and3A_211, %mul3A_214 : i32
      %add3A_216 = arith.addi %mul3A_213, %mul3A_215 : i32
      %swap3A_217 = arith.index_cast %add3A_216 : i32 to index
      %swap3A_218 = tpu.vector_load %arg7[%swap3A_217] {strides = array<i32>} : memref<24960xi32, #tpu.memory_space<vmem>>, vector<16xi32>,
      %swap3A_219 = vector.shape_cast %swap3A_218 : vector<16xi32> to vector<16xi32>
      %swap3A_220 = vector.shape_cast %add3A_207 : vector<16xi32> to vector<16xi32>
      tpu.vector_store %arg7[%swap3A_217], %swap3A_220 {strides = array<i32>} : memref<24960xi32, #tpu.memory_space<vmem>>, vector<16xi32>,
      %add3A_221 = arith.constant 128 : i32
      %add3A_222 = vector.broadcast %add3A_221 : i32 to vector<16xi32>
      %add3A_223 = arith.addi %add3A_207, %add3A_222 : vector<16xi32>
      %add3A_224 = arith.constant 128 : i32
      %add3A_225 = arith.addi %add3A_216, %add3A_224 : i32
      %swap3A_226 = arith.index_cast %add3A_225 : i32 to index
      %swap3A_227 = tpu.vector_load %arg7[%swap3A_226] {strides = array<i32>} : memref<24960xi32, #tpu.memory_space<vmem>>, vector<16xi32>,
      %swap3A_228 = vector.shape_cast %swap3A_227 : vector<16xi32> to vector<16xi32>
      %swap3A_229 = vector.shape_cast %add3A_223 : vector<16xi32> to vector<16xi32>
      tpu.vector_store %arg7[%swap3A_226], %swap3A_229 {strides = array<i32>} : memref<24960xi32, #tpu.memory_space<vmem>>, vector<16xi32>,
      %add3A_230 = arith.constant 256 : i32
      %add3A_231 = vector.broadcast %add3A_230 : i32 to vector<16xi32>
      %add3A_232 = arith.addi %add3A_207, %add3A_231 : vector<16xi32>
      %add3A_233 = arith.constant 256 : i32
      %add3A_234 = arith.addi %add3A_216, %add3A_233 : i32
      %swap3A_235 = arith.index_cast %add3A_234 : i32 to index
      %swap3A_236 = tpu.vector_load %arg7[%swap3A_235] {strides = array<i32>} : memref<24960xi32, #tpu.memory_space<vmem>>, vector<16xi32>,
      %swap3A_237 = vector.shape_cast %swap3A_236 : vector<16xi32> to vector<16xi32>
      %swap3A_238 = vector.shape_cast %add3A_232 : vector<16xi32> to vector<16xi32>
      tpu.vector_store %arg7[%swap3A_235], %swap3A_238 {strides = array<i32>} : memref<24960xi32, #tpu.memory_space<vmem>>, vector<16xi32>,
      %scan3A_239 = arith.constant 2 : i32
      %scan3A_240 = arith.addi %scan3A_148, %scan3A_239 : i32
      %mul3A_241 = arith.constant 16 : i32
      %mul3A_242 = arith.muli %scan3A_240, %mul3A_241 : i32
      %get3A_243 = arith.index_cast %mul3A_242 : i32 to index
      %get3A_244 = tpu.vector_load %arg5[%get3A_243] {strides = array<i32>} : memref<8320xi32, #tpu.memory_space<vmem>>, vector<16xi32>,
      %get3A_245 = vector.shape_cast %get3A_244 : vector<16xi32> to vector<16xi32>
      %shift_right_arithmetic3A_246 = arith.constant 7 : i32
      %shift_right_arithmetic3A_247 = vector.broadcast %shift_right_arithmetic3A_246 : i32 to vector<16xi32>
      %shift_right_arithmetic3A_248 = arith.shrsi %get3A_245, %shift_right_arithmetic3A_247 : vector<16xi32>
      %mul3A_249 = arith.constant 384 : i32
      %mul3A_250 = vector.broadcast %mul3A_249 : i32 to vector<16xi32>
      %mul3A_251 = arith.muli %shift_right_arithmetic3A_248, %mul3A_250 : vector<16xi32>
      %and3A_252 = arith.constant 127 : i32
      %and3A_253 = vector.broadcast %and3A_252 : i32 to vector<16xi32>
      %and3A_254 = arith.andi %get3A_245, %and3A_253 : vector<16xi32>
      %add3A_255 = arith.addi %mul3A_251, %and3A_254 : vector<16xi32>
      %shift_right_arithmetic3A_256 = arith.constant 3 : i32
      %shift_right_arithmetic3A_257 = arith.shrsi %scan3A_240, %shift_right_arithmetic3A_256 : i32
      %and3A_258 = arith.constant 7 : i32
      %and3A_259 = arith.andi %scan3A_240, %and3A_258 : i32
      %mul3A_260 = arith.constant 384 : i32
      %mul3A_261 = arith.muli %shift_right_arithmetic3A_257, %mul3A_260 : i32
      %mul3A_262 = arith.constant 16 : i32
      %mul3A_263 = arith.muli %and3A_259, %mul3A_262 : i32
      %add3A_264 = arith.addi %mul3A_261, %mul3A_263 : i32
      %swap3A_265 = arith.index_cast %add3A_264 : i32 to index
      %swap3A_266 = tpu.vector_load %arg7[%swap3A_265] {strides = array<i32>} : memref<24960xi32, #tpu.memory_space<vmem>>, vector<16xi32>,
      %swap3A_267 = vector.shape_cast %swap3A_266 : vector<16xi32> to vector<16xi32>
      %swap3A_268 = vector.shape_cast %add3A_255 : vector<16xi32> to vector<16xi32>
      tpu.vector_store %arg7[%swap3A_265], %swap3A_268 {strides = array<i32>} : memref<24960xi32, #tpu.memory_space<vmem>>, vector<16xi32>,
      %add3A_269 = arith.constant 128 : i32
      %add3A_270 = vector.broadcast %add3A_269 : i32 to vector<16xi32>
      %add3A_271 = arith.addi %add3A_255, %add3A_270 : vector<16xi32>
      %add3A_272 = arith.constant 128 : i32
      %add3A_273 = arith.addi %add3A_264, %add3A_272 : i32
      %swap3A_274 = arith.index_cast %add3A_273 : i32 to index
      %swap3A_275 = tpu.vector_load %arg7[%swap3A_274] {strides = array<i32>} : memref<24960xi32, #tpu.memory_space<vmem>>, vector<16xi32>,
      %swap3A_276 = vector.shape_cast %swap3A_275 : vector<16xi32> to vector<16xi32>
      %swap3A_277 = vector.shape_cast %add3A_271 : vector<16xi32> to vector<16xi32>
      tpu.vector_store %arg7[%swap3A_274], %swap3A_277 {strides = array<i32>} : memref<24960xi32, #tpu.memory_space<vmem>>, vector<16xi32>,
      %add3A_278 = arith.constant 256 : i32
      %add3A_279 = vector.broadcast %add3A_278 : i32 to vector<16xi32>
      %add3A_280 = arith.addi %add3A_255, %add3A_279 : vector<16xi32>
      %add3A_281 = arith.constant 256 : i32
      %add3A_282 = arith.addi %add3A_264, %add3A_281 : i32
      %swap3A_283 = arith.index_cast %add3A_282 : i32 to index
      %swap3A_284 = tpu.vector_load %arg7[%swap3A_283] {strides = array<i32>} : memref<24960xi32, #tpu.memory_space<vmem>>, vector<16xi32>,
      %swap3A_285 = vector.shape_cast %swap3A_284 : vector<16xi32> to vector<16xi32>
      %swap3A_286 = vector.shape_cast %add3A_280 : vector<16xi32> to vector<16xi32>
      tpu.vector_store %arg7[%swap3A_283], %swap3A_286 {strides = array<i32>} : memref<24960xi32, #tpu.memory_space<vmem>>, vector<16xi32>,
      %scan3A_287 = arith.constant 3 : i32
      %scan3A_288 = arith.addi %scan3A_148, %scan3A_287 : i32
      %mul3A_289 = arith.constant 16 : i32
      %mul3A_290 = arith.muli %scan3A_288, %mul3A_289 : i32
      %get3A_291 = arith.index_cast %mul3A_290 : i32 to index
      %get3A_292 = tpu.vector_load %arg5[%get3A_291] {strides = array<i32>} : memref<8320xi32, #tpu.memory_space<vmem>>, vector<16xi32>,
      %get3A_293 = vector.shape_cast %get3A_292 : vector<16xi32> to vector<16xi32>
      %shift_right_arithmetic3A_294 = arith.constant 7 : i32
      %shift_right_arithmetic3A_295 = vector.broadcast %shift_right_arithmetic3A_294 : i32 to vector<16xi32>
      %shift_right_arithmetic3A_296 = arith.shrsi %get3A_293, %shift_right_arithmetic3A_295 : vector<16xi32>
      %mul3A_297 = arith.constant 384 : i32
      %mul3A_298 = vector.broadcast %mul3A_297 : i32 to vector<16xi32>
      %mul3A_299 = arith.muli %shift_right_arithmetic3A_296, %mul3A_298 : vector<16xi32>
      %and3A_300 = arith.constant 127 : i32
      %and3A_301 = vector.broadcast %and3A_300 : i32 to vector<16xi32>
      %and3A_302 = arith.andi %get3A_293, %and3A_301 : vector<16xi32>
      %add3A_303 = arith.addi %mul3A_299, %and3A_302 : vector<16xi32>
      %shift_right_arithmetic3A_304 = arith.constant 3 : i32
      %shift_right_arithmetic3A_305 = arith.shrsi %scan3A_288, %shift_right_arithmetic3A_304 : i32
      %and3A_306 = arith.constant 7 : i32
      %and3A_307 = arith.andi %scan3A_288, %and3A_306 : i32
      %mul3A_308 = arith.constant 384 : i32
      %mul3A_309 = arith.muli %shift_right_arithmetic3A_305, %mul3A_308 : i32
      %mul3A_310 = arith.constant 16 : i32
      %mul3A_311 = arith.muli %and3A_307, %mul3A_310 : i32
      %add3A_312 = arith.addi %mul3A_309, %mul3A_311 : i32
      %swap3A_313 = arith.index_cast %add3A_312 : i32 to index
      %swap3A_314 = tpu.vector_load %arg7[%swap3A_313] {strides = array<i32>} : memref<24960xi32, #tpu.memory_space<vmem>>, vector<16xi32>,
      %swap3A_315 = vector.shape_cast %swap3A_314 : vector<16xi32> to vector<16xi32>
      %swap3A_316 = vector.shape_cast %add3A_303 : vector<16xi32> to vector<16xi32>
      tpu.vector_store %arg7[%swap3A_313], %swap3A_316 {strides = array<i32>} : memref<24960xi32, #tpu.memory_space<vmem>>, vector<16xi32>,
      %add3A_317 = arith.constant 128 : i32
      %add3A_318 = vector.broadcast %add3A_317 : i32 to vector<16xi32>
      %add3A_319 = arith.addi %add3A_303, %add3A_318 : vector<16xi32>
      %add3A_320 = arith.constant 128 : i32
      %add3A_321 = arith.addi %add3A_312, %add3A_320 : i32
      %swap3A_322 = arith.index_cast %add3A_321 : i32 to index
      %swap3A_323 = tpu.vector_load %arg7[%swap3A_322] {strides = array<i32>} : memref<24960xi32, #tpu.memory_space<vmem>>, vector<16xi32>,
      %swap3A_324 = vector.shape_cast %swap3A_323 : vector<16xi32> to vector<16xi32>
      %swap3A_325 = vector.shape_cast %add3A_319 : vector<16xi32> to vector<16xi32>
      tpu.vector_store %arg7[%swap3A_322], %swap3A_325 {strides = array<i32>} : memref<24960xi32, #tpu.memory_space<vmem>>, vector<16xi32>,
      %add3A_326 = arith.constant 256 : i32
      %add3A_327 = vector.broadcast %add3A_326 : i32 to vector<16xi32>
      %add3A_328 = arith.addi %add3A_303, %add3A_327 : vector<16xi32>
      %add3A_329 = arith.constant 256 : i32
      %add3A_330 = arith.addi %add3A_312, %add3A_329 : i32
      %swap3A_331 = arith.index_cast %add3A_330 : i32 to index
      %swap3A_332 = tpu.vector_load %arg7[%swap3A_331] {strides = array<i32>} : memref<24960xi32, #tpu.memory_space<vmem>>, vector<16xi32>,
      %swap3A_333 = vector.shape_cast %swap3A_332 : vector<16xi32> to vector<16xi32>
      %swap3A_334 = vector.shape_cast %add3A_328 : vector<16xi32> to vector<16xi32>
      tpu.vector_store %arg7[%swap3A_331], %swap3A_334 {strides = array<i32>} : memref<24960xi32, #tpu.memory_space<vmem>>, vector<16xi32>,
    }
    %scan3A_24 = arith.constant 520 : i32
    %dma_start3A_25 = arith.constant 0 : i32
    %dma_start3A_26 = tpu.memref_slice %arg2[%dma_start3A_25] : memref<19200000xf32, #tpu.memory_space<hbm>> -> memref<19200000xf32, #tpu.memory_space<hbm>>
    tpu.enqueue_indirect_dma source(%dma_start3A_26 : memref<19200000xf32, #tpu.memory_space<hbm>>) target(%arg9 : memref<24960xf32, #tpu.memory_space<vmem>>) offsets(%arg7 : memref<24960xi32, #tpu.memory_space<vmem>>) semaphore(%arg11 : memref<!tpu.dma_semaphore, #tpu.memory_space<semaphore_mem>>)
    %add3A_27 = arith.constant 0 : i32
    %add3A_28 = arith.addi %add3A_4, %add3A_27 : i32
    %mul3A_29 = arith.constant 128 : i32
    %mul3A_30 = arith.muli %add3A_28, %mul3A_29 : i32
    %dma_wait3A = arith.constant 0 : i32
    %dma_wait3A_31 = tpu.memref_slice %arg2[%dma_wait3A] : memref<19200000xf32, #tpu.memory_space<hbm>> -> memref<19200000xf32, #tpu.memory_space<hbm>>
    tpu.wait_indirect_dma semaphore(%arg10 : memref<!tpu.dma_semaphore, #tpu.memory_space<semaphore_mem>>) src(%dma_wait3A_31 : memref<19200000xf32, #tpu.memory_space<hbm>>) dst(%arg8 : memref<24960xf32, #tpu.memory_space<vmem>>)
    %mul3A_32 = arith.constant 3 : i32
    %mul3A_33 = arith.muli %mul3A_30, %mul3A_32 : i32
    %dma_start3A_34 = tpu.memref_slice %arg4[%mul3A_33] : memref<4800000xf32, #tpu.memory_space<hbm>> -> memref<24960xf32, #tpu.memory_space<hbm>>
    %dma_start3A_35 = tpu.memref_slice %arg4[%mul3A_33] : memref<4800000xf32, #tpu.memory_space<hbm>> -> memref<24960xf32, #tpu.memory_space<hbm>>
    tpu.enqueue_dma source(%arg8 : memref<24960xf32, #tpu.memory_space<vmem>>) target(%dma_start3A_35 : memref<24960xf32, #tpu.memory_space<hbm>>) target_semaphore(%arg12 : memref<!tpu.dma_semaphore, #tpu.memory_space<semaphore_mem>>)
    %add3A_36 = arith.constant 130 : i32
    %add3A_37 = arith.addi %add3A_4, %add3A_36 : i32
    %mul3A_38 = arith.constant 128 : i32
    %mul3A_39 = arith.muli %add3A_37, %mul3A_38 : i32
    "tpu.region"() ({
      %run_scoped3A = tpu.sem_alloc : memref<!tpu.dma_semaphore, #tpu.memory_space<semaphore_mem>>
      %dma_start3A_148 = tpu.memref_slice %arg3[%mul3A_39] : memref<1600000xi32, #tpu.memory_space<hbm>> -> memref<8320xi32, #tpu.memory_space<hbm>>
      %dma_start3A_149 = tpu.memref_slice %arg3[%mul3A_39] : memref<1600000xi32, #tpu.memory_space<hbm>> -> memref<8320xi32, #tpu.memory_space<hbm>>
      tpu.enqueue_dma source(%dma_start3A_149 : memref<8320xi32, #tpu.memory_space<hbm>>) target(%arg5 : memref<8320xi32, #tpu.memory_space<vmem>>) target_semaphore(%run_scoped3A : memref<!tpu.dma_semaphore, #tpu.memory_space<semaphore_mem>>)
      %dma_wait3A_150 = tpu.memref_slice %arg3[%mul3A_39] : memref<1600000xi32, #tpu.memory_space<hbm>> -> memref<8320xi32, #tpu.memory_space<hbm>>
      %dma_wait3A_151 = tpu.memref_slice %arg3[%mul3A_39] : memref<1600000xi32, #tpu.memory_space<hbm>> -> memref<8320xi32, #tpu.memory_space<hbm>>
      tpu.wait_dma2 semaphore(%run_scoped3A : memref<!tpu.dma_semaphore, #tpu.memory_space<semaphore_mem>>) src(%dma_wait3A_151 : memref<8320xi32, #tpu.memory_space<hbm>>) dst(%arg5 : memref<8320xi32, #tpu.memory_space<vmem>>)
      tpu.yield
    }) : () -> ()
    %scan3A_40 = arith.constant 0 : i32
    %scan3A_41 = arith.constant 0 : i32
    %scan3A_42 = arith.constant 520 : i32
    %scan3A_43 = arith.addi %scan3A_41, %scan3A_42 : i32
    %scan3A_44 = arith.constant 4 : i32
    scf.for %scan3A_148 = %scan3A_41 to %scan3A_43 step %scan3A_44  : i32 {
      %mul3A_149 = arith.constant 16 : i32
      %mul3A_150 = arith.muli %scan3A_148, %mul3A_149 : i32
      %get3A = arith.index_cast %mul3A_150 : i32 to index
      %get3A_151 = tpu.vector_load %arg5[%get3A] {strides = array<i32>} : memref<8320xi32, #tpu.memory_space<vmem>>, vector<16xi32>,
      %get3A_152 = vector.shape_cast %get3A_151 : vector<16xi32> to vector<16xi32>
      %shift_right_arithmetic3A = arith.constant 7 : i32
      %shift_right_arithmetic3A_153 = vector.broadcast %shift_right_arithmetic3A : i32 to vector<16xi32>
      %shift_right_arithmetic3A_154 = arith.shrsi %get3A_152, %shift_right_arithmetic3A_153 : vector<16xi32>
      %mul3A_155 = arith.constant 384 : i32
      %mul3A_156 = vector.broadcast %mul3A_155 : i32 to vector<16xi32>
      %mul3A_157 = arith.muli %shift_right_arithmetic3A_154, %mul3A_156 : vector<16xi32>
      %and3A = arith.constant 127 : i32
      %and3A_158 = vector.broadcast %and3A : i32 to vector<16xi32>
      %and3A_159 = arith.andi %get3A_152, %and3A_158 : vector<16xi32>
      %add3A_160 = arith.addi %mul3A_157, %and3A_159 : vector<16xi32>
      %shift_right_arithmetic3A_161 = arith.constant 3 : i32
      %shift_right_arithmetic3A_162 = arith.shrsi %scan3A_148, %shift_right_arithmetic3A_161 : i32
      %and3A_163 = arith.constant 7 : i32
      %and3A_164 = arith.andi %scan3A_148, %and3A_163 : i32
      %mul3A_165 = arith.constant 384 : i32
      %mul3A_166 = arith.muli %shift_right_arithmetic3A_162, %mul3A_165 : i32
      %mul3A_167 = arith.constant 16 : i32
      %mul3A_168 = arith.muli %and3A_164, %mul3A_167 : i32
      %add3A_169 = arith.addi %mul3A_166, %mul3A_168 : i32
      %swap3A = arith.index_cast %add3A_169 : i32 to index
      %swap3A_170 = tpu.vector_load %arg6[%swap3A] {strides = array<i32>} : memref<24960xi32, #tpu.memory_space<vmem>>, vector<16xi32>,
      %swap3A_171 = vector.shape_cast %swap3A_170 : vector<16xi32> to vector<16xi32>
      %swap3A_172 = vector.shape_cast %add3A_160 : vector<16xi32> to vector<16xi32>
      tpu.vector_store %arg6[%swap3A], %swap3A_172 {strides = array<i32>} : memref<24960xi32, #tpu.memory_space<vmem>>, vector<16xi32>,
      %add3A_173 = arith.constant 128 : i32
      %add3A_174 = vector.broadcast %add3A_173 : i32 to vector<16xi32>
      %add3A_175 = arith.addi %add3A_160, %add3A_174 : vector<16xi32>
      %add3A_176 = arith.constant 128 : i32
      %add3A_177 = arith.addi %add3A_169, %add3A_176 : i32
      %swap3A_178 = arith.index_cast %add3A_177 : i32 to index
      %swap3A_179 = tpu.vector_load %arg6[%swap3A_178] {strides = array<i32>} : memref<24960xi32, #tpu.memory_space<vmem>>, vector<16xi32>,
      %swap3A_180 = vector.shape_cast %swap3A_179 : vector<16xi32> to vector<16xi32>
      %swap3A_181 = vector.shape_cast %add3A_175 : vector<16xi32> to vector<16xi32>
      tpu.vector_store %arg6[%swap3A_178], %swap3A_181 {strides = array<i32>} : memref<24960xi32, #tpu.memory_space<vmem>>, vector<16xi32>,
      %add3A_182 = arith.constant 256 : i32
      %add3A_183 = vector.broadcast %add3A_182 : i32 to vector<16xi32>
      %add3A_184 = arith.addi %add3A_160, %add3A_183 : vector<16xi32>
      %add3A_185 = arith.constant 256 : i32
      %add3A_186 = arith.addi %add3A_169, %add3A_185 : i32
      %swap3A_187 = arith.index_cast %add3A_186 : i32 to index
      %swap3A_188 = tpu.vector_load %arg6[%swap3A_187] {strides = array<i32>} : memref<24960xi32, #tpu.memory_space<vmem>>, vector<16xi32>,
      %swap3A_189 = vector.shape_cast %swap3A_188 : vector<16xi32> to vector<16xi32>
      %swap3A_190 = vector.shape_cast %add3A_184 : vector<16xi32> to vector<16xi32>
      tpu.vector_store %arg6[%swap3A_187], %swap3A_190 {strides = array<i32>} : memref<24960xi32, #tpu.memory_space<vmem>>, vector<16xi32>,
      %scan3A_191 = arith.constant 1 : i32
      %scan3A_192 = arith.addi %scan3A_148, %scan3A_191 : i32
      %mul3A_193 = arith.constant 16 : i32
      %mul3A_194 = arith.muli %scan3A_192, %mul3A_193 : i32
      %get3A_195 = arith.index_cast %mul3A_194 : i32 to index
      %get3A_196 = tpu.vector_load %arg5[%get3A_195] {strides = array<i32>} : memref<8320xi32, #tpu.memory_space<vmem>>, vector<16xi32>,
      %get3A_197 = vector.shape_cast %get3A_196 : vector<16xi32> to vector<16xi32>
      %shift_right_arithmetic3A_198 = arith.constant 7 : i32
      %shift_right_arithmetic3A_199 = vector.broadcast %shift_right_arithmetic3A_198 : i32 to vector<16xi32>
      %shift_right_arithmetic3A_200 = arith.shrsi %get3A_197, %shift_right_arithmetic3A_199 : vector<16xi32>
      %mul3A_201 = arith.constant 384 : i32
      %mul3A_202 = vector.broadcast %mul3A_201 : i32 to vector<16xi32>
      %mul3A_203 = arith.muli %shift_right_arithmetic3A_200, %mul3A_202 : vector<16xi32>
      %and3A_204 = arith.constant 127 : i32
      %and3A_205 = vector.broadcast %and3A_204 : i32 to vector<16xi32>
      %and3A_206 = arith.andi %get3A_197, %and3A_205 : vector<16xi32>
      %add3A_207 = arith.addi %mul3A_203, %and3A_206 : vector<16xi32>
      %shift_right_arithmetic3A_208 = arith.constant 3 : i32
      %shift_right_arithmetic3A_209 = arith.shrsi %scan3A_192, %shift_right_arithmetic3A_208 : i32
      %and3A_210 = arith.constant 7 : i32
      %and3A_211 = arith.andi %scan3A_192, %and3A_210 : i32
      %mul3A_212 = arith.constant 384 : i32
      %mul3A_213 = arith.muli %shift_right_arithmetic3A_209, %mul3A_212 : i32
      %mul3A_214 = arith.constant 16 : i32
      %mul3A_215 = arith.muli %and3A_211, %mul3A_214 : i32
      %add3A_216 = arith.addi %mul3A_213, %mul3A_215 : i32
      %swap3A_217 = arith.index_cast %add3A_216 : i32 to index
      %swap3A_218 = tpu.vector_load %arg6[%swap3A_217] {strides = array<i32>} : memref<24960xi32, #tpu.memory_space<vmem>>, vector<16xi32>,
      %swap3A_219 = vector.shape_cast %swap3A_218 : vector<16xi32> to vector<16xi32>
      %swap3A_220 = vector.shape_cast %add3A_207 : vector<16xi32> to vector<16xi32>
      tpu.vector_store %arg6[%swap3A_217], %swap3A_220 {strides = array<i32>} : memref<24960xi32, #tpu.memory_space<vmem>>, vector<16xi32>,
      %add3A_221 = arith.constant 128 : i32
      %add3A_222 = vector.broadcast %add3A_221 : i32 to vector<16xi32>
      %add3A_223 = arith.addi %add3A_207, %add3A_222 : vector<16xi32>
      %add3A_224 = arith.constant 128 : i32
      %add3A_225 = arith.addi %add3A_216, %add3A_224 : i32
      %swap3A_226 = arith.index_cast %add3A_225 : i32 to index
      %swap3A_227 = tpu.vector_load %arg6[%swap3A_226] {strides = array<i32>} : memref<24960xi32, #tpu.memory_space<vmem>>, vector<16xi32>,
      %swap3A_228 = vector.shape_cast %swap3A_227 : vector<16xi32> to vector<16xi32>
      %swap3A_229 = vector.shape_cast %add3A_223 : vector<16xi32> to vector<16xi32>
      tpu.vector_store %arg6[%swap3A_226], %swap3A_229 {strides = array<i32>} : memref<24960xi32, #tpu.memory_space<vmem>>, vector<16xi32>,
      %add3A_230 = arith.constant 256 : i32
      %add3A_231 = vector.broadcast %add3A_230 : i32 to vector<16xi32>
      %add3A_232 = arith.addi %add3A_207, %add3A_231 : vector<16xi32>
      %add3A_233 = arith.constant 256 : i32
      %add3A_234 = arith.addi %add3A_216, %add3A_233 : i32
      %swap3A_235 = arith.index_cast %add3A_234 : i32 to index
      %swap3A_236 = tpu.vector_load %arg6[%swap3A_235] {strides = array<i32>} : memref<24960xi32, #tpu.memory_space<vmem>>, vector<16xi32>,
      %swap3A_237 = vector.shape_cast %swap3A_236 : vector<16xi32> to vector<16xi32>
      %swap3A_238 = vector.shape_cast %add3A_232 : vector<16xi32> to vector<16xi32>
      tpu.vector_store %arg6[%swap3A_235], %swap3A_238 {strides = array<i32>} : memref<24960xi32, #tpu.memory_space<vmem>>, vector<16xi32>,
      %scan3A_239 = arith.constant 2 : i32
      %scan3A_240 = arith.addi %scan3A_148, %scan3A_239 : i32
      %mul3A_241 = arith.constant 16 : i32
      %mul3A_242 = arith.muli %scan3A_240, %mul3A_241 : i32
      %get3A_243 = arith.index_cast %mul3A_242 : i32 to index
      %get3A_244 = tpu.vector_load %arg5[%get3A_243] {strides = array<i32>} : memref<8320xi32, #tpu.memory_space<vmem>>, vector<16xi32>,
      %get3A_245 = vector.shape_cast %get3A_244 : vector<16xi32> to vector<16xi32>
      %shift_right_arithmetic3A_246 = arith.constant 7 : i32
      %shift_right_arithmetic3A_247 = vector.broadcast %shift_right_arithmetic3A_246 : i32 to vector<16xi32>
      %shift_right_arithmetic3A_248 = arith.shrsi %get3A_245, %shift_right_arithmetic3A_247 : vector<16xi32>
      %mul3A_249 = arith.constant 384 : i32
      %mul3A_250 = vector.broadcast %mul3A_249 : i32 to vector<16xi32>
      %mul3A_251 = arith.muli %shift_right_arithmetic3A_248, %mul3A_250 : vector<16xi32>
      %and3A_252 = arith.constant 127 : i32
      %and3A_253 = vector.broadcast %and3A_252 : i32 to vector<16xi32>
      %and3A_254 = arith.andi %get3A_245, %and3A_253 : vector<16xi32>
      %add3A_255 = arith.addi %mul3A_251, %and3A_254 : vector<16xi32>
      %shift_right_arithmetic3A_256 = arith.constant 3 : i32
      %shift_right_arithmetic3A_257 = arith.shrsi %scan3A_240, %shift_right_arithmetic3A_256 : i32
      %and3A_258 = arith.constant 7 : i32
      %and3A_259 = arith.andi %scan3A_240, %and3A_258 : i32
      %mul3A_260 = arith.constant 384 : i32
      %mul3A_261 = arith.muli %shift_right_arithmetic3A_257, %mul3A_260 : i32
      %mul3A_262 = arith.constant 16 : i32
      %mul3A_263 = arith.muli %and3A_259, %mul3A_262 : i32
      %add3A_264 = arith.addi %mul3A_261, %mul3A_263 : i32
      %swap3A_265 = arith.index_cast %add3A_264 : i32 to index
      %swap3A_266 = tpu.vector_load %arg6[%swap3A_265] {strides = array<i32>} : memref<24960xi32, #tpu.memory_space<vmem>>, vector<16xi32>,
      %swap3A_267 = vector.shape_cast %swap3A_266 : vector<16xi32> to vector<16xi32>
      %swap3A_268 = vector.shape_cast %add3A_255 : vector<16xi32> to vector<16xi32>
      tpu.vector_store %arg6[%swap3A_265], %swap3A_268 {strides = array<i32>} : memref<24960xi32, #tpu.memory_space<vmem>>, vector<16xi32>,
      %add3A_269 = arith.constant 128 : i32
      %add3A_270 = vector.broadcast %add3A_269 : i32 to vector<16xi32>
      %add3A_271 = arith.addi %add3A_255, %add3A_270 : vector<16xi32>
      %add3A_272 = arith.constant 128 : i32
      %add3A_273 = arith.addi %add3A_264, %add3A_272 : i32
      %swap3A_274 = arith.index_cast %add3A_273 : i32 to index
      %swap3A_275 = tpu.vector_load %arg6[%swap3A_274] {strides = array<i32>} : memref<24960xi32, #tpu.memory_space<vmem>>, vector<16xi32>,
      %swap3A_276 = vector.shape_cast %swap3A_275 : vector<16xi32> to vector<16xi32>
      %swap3A_277 = vector.shape_cast %add3A_271 : vector<16xi32> to vector<16xi32>
      tpu.vector_store %arg6[%swap3A_274], %swap3A_277 {strides = array<i32>} : memref<24960xi32, #tpu.memory_space<vmem>>, vector<16xi32>,
      %add3A_278 = arith.constant 256 : i32
      %add3A_279 = vector.broadcast %add3A_278 : i32 to vector<16xi32>
      %add3A_280 = arith.addi %add3A_255, %add3A_279 : vector<16xi32>
      %add3A_281 = arith.constant 256 : i32
      %add3A_282 = arith.addi %add3A_264, %add3A_281 : i32
      %swap3A_283 = arith.index_cast %add3A_282 : i32 to index
      %swap3A_284 = tpu.vector_load %arg6[%swap3A_283] {strides = array<i32>} : memref<24960xi32, #tpu.memory_space<vmem>>, vector<16xi32>,
      %swap3A_285 = vector.shape_cast %swap3A_284 : vector<16xi32> to vector<16xi32>
      %swap3A_286 = vector.shape_cast %add3A_280 : vector<16xi32> to vector<16xi32>
      tpu.vector_store %arg6[%swap3A_283], %swap3A_286 {strides = array<i32>} : memref<24960xi32, #tpu.memory_space<vmem>>, vector<16xi32>,
      %scan3A_287 = arith.constant 3 : i32
      %scan3A_288 = arith.addi %scan3A_148, %scan3A_287 : i32
      %mul3A_289 = arith.constant 16 : i32
      %mul3A_290 = arith.muli %scan3A_288, %mul3A_289 : i32
      %get3A_291 = arith.index_cast %mul3A_290 : i32 to index
      %get3A_292 = tpu.vector_load %arg5[%get3A_291] {strides = array<i32>} : memref<8320xi32, #tpu.memory_space<vmem>>, vector<16xi32>,
      %get3A_293 = vector.shape_cast %get3A_292 : vector<16xi32> to vector<16xi32>
      %shift_right_arithmetic3A_294 = arith.constant 7 : i32
      %shift_right_arithmetic3A_295 = vector.broadcast %shift_right_arithmetic3A_294 : i32 to vector<16xi32>
      %shift_right_arithmetic3A_296 = arith.shrsi %get3A_293, %shift_right_arithmetic3A_295 : vector<16xi32>
      %mul3A_297 = arith.constant 384 : i32
      %mul3A_298 = vector.broadcast %mul3A_297 : i32 to vector<16xi32>
      %mul3A_299 = arith.muli %shift_right_arithmetic3A_296, %mul3A_298 : vector<16xi32>
      %and3A_300 = arith.constant 127 : i32
      %and3A_301 = vector.broadcast %and3A_300 : i32 to vector<16xi32>
      %and3A_302 = arith.andi %get3A_293, %and3A_301 : vector<16xi32>
      %add3A_303 = arith.addi %mul3A_299, %and3A_302 : vector<16xi32>
      %shift_right_arithmetic3A_304 = arith.constant 3 : i32
      %shift_right_arithmetic3A_305 = arith.shrsi %scan3A_288, %shift_right_arithmetic3A_304 : i32
      %and3A_306 = arith.constant 7 : i32
      %and3A_307 = arith.andi %scan3A_288, %and3A_306 : i32
      %mul3A_308 = arith.constant 384 : i32
      %mul3A_309 = arith.muli %shift_right_arithmetic3A_305, %mul3A_308 : i32
      %mul3A_310 = arith.constant 16 : i32
      %mul3A_311 = arith.muli %and3A_307, %mul3A_310 : i32
      %add3A_312 = arith.addi %mul3A_309, %mul3A_311 : i32
      %swap3A_313 = arith.index_cast %add3A_312 : i32 to index
      %swap3A_314 = tpu.vector_load %arg6[%swap3A_313] {strides = array<i32>} : memref<24960xi32, #tpu.memory_space<vmem>>, vector<16xi32>,
      %swap3A_315 = vector.shape_cast %swap3A_314 : vector<16xi32> to vector<16xi32>
      %swap3A_316 = vector.shape_cast %add3A_303 : vector<16xi32> to vector<16xi32>
      tpu.vector_store %arg6[%swap3A_313], %swap3A_316 {strides = array<i32>} : memref<24960xi32, #tpu.memory_space<vmem>>, vector<16xi32>,
      %add3A_317 = arith.constant 128 : i32
      %add3A_318 = vector.broadcast %add3A_317 : i32 to vector<16xi32>
      %add3A_319 = arith.addi %add3A_303, %add3A_318 : vector<16xi32>
      %add3A_320 = arith.constant 128 : i32
      %add3A_321 = arith.addi %add3A_312, %add3A_320 : i32
      %swap3A_322 = arith.index_cast %add3A_321 : i32 to index
      %swap3A_323 = tpu.vector_load %arg6[%swap3A_322] {strides = array<i32>} : memref<24960xi32, #tpu.memory_space<vmem>>, vector<16xi32>,
      %swap3A_324 = vector.shape_cast %swap3A_323 : vector<16xi32> to vector<16xi32>
      %swap3A_325 = vector.shape_cast %add3A_319 : vector<16xi32> to vector<16xi32>
      tpu.vector_store %arg6[%swap3A_322], %swap3A_325 {strides = array<i32>} : memref<24960xi32, #tpu.memory_space<vmem>>, vector<16xi32>,
      %add3A_326 = arith.constant 256 : i32
      %add3A_327 = vector.broadcast %add3A_326 : i32 to vector<16xi32>
      %add3A_328 = arith.addi %add3A_303, %add3A_327 : vector<16xi32>
      %add3A_329 = arith.constant 256 : i32
      %add3A_330 = arith.addi %add3A_312, %add3A_329 : i32
      %swap3A_331 = arith.index_cast %add3A_330 : i32 to index
      %swap3A_332 = tpu.vector_load %arg6[%swap3A_331] {strides = array<i32>} : memref<24960xi32, #tpu.memory_space<vmem>>, vector<16xi32>,
      %swap3A_333 = vector.shape_cast %swap3A_332 : vector<16xi32> to vector<16xi32>
      %swap3A_334 = vector.shape_cast %add3A_328 : vector<16xi32> to vector<16xi32>
      tpu.vector_store %arg6[%swap3A_331], %swap3A_334 {strides = array<i32>} : memref<24960xi32, #tpu.memory_space<vmem>>, vector<16xi32>,
    }
    %scan3A_45 = arith.constant 520 : i32
    %dma_wait3A_46 = tpu.memref_slice %arg4[%mul3A_33] : memref<4800000xf32, #tpu.memory_space<hbm>> -> memref<24960xf32, #tpu.memory_space<hbm>>
    %dma_wait3A_47 = tpu.memref_slice %arg4[%mul3A_33] : memref<4800000xf32, #tpu.memory_space<hbm>> -> memref<24960xf32, #tpu.memory_space<hbm>>
    tpu.wait_dma2 semaphore(%arg12 : memref<!tpu.dma_semaphore, #tpu.memory_space<semaphore_mem>>) src(%arg8 : memref<24960xf32, #tpu.memory_space<vmem>>) dst(%dma_wait3A_47 : memref<24960xf32, #tpu.memory_space<hbm>>)
    %dma_start3A_48 = arith.constant 0 : i32
    %dma_start3A_49 = tpu.memref_slice %arg2[%dma_start3A_48] : memref<19200000xf32, #tpu.memory_space<hbm>> -> memref<19200000xf32, #tpu.memory_space<hbm>>
    tpu.enqueue_indirect_dma source(%dma_start3A_49 : memref<19200000xf32, #tpu.memory_space<hbm>>) target(%arg8 : memref<24960xf32, #tpu.memory_space<vmem>>) offsets(%arg6 : memref<24960xi32, #tpu.memory_space<vmem>>) semaphore(%arg10 : memref<!tpu.dma_semaphore, #tpu.memory_space<semaphore_mem>>)
    %add3A_50 = arith.constant 65 : i32
    %add3A_51 = arith.addi %add3A_4, %add3A_50 : i32
    %mul3A_52 = arith.constant 128 : i32
    %mul3A_53 = arith.muli %add3A_51, %mul3A_52 : i32
    %dma_wait3A_54 = arith.constant 0 : i32
    %dma_wait3A_55 = tpu.memref_slice %arg2[%dma_wait3A_54] : memref<19200000xf32, #tpu.memory_space<hbm>> -> memref<19200000xf32, #tpu.memory_space<hbm>>
    tpu.wait_indirect_dma semaphore(%arg11 : memref<!tpu.dma_semaphore, #tpu.memory_space<semaphore_mem>>) src(%dma_wait3A_55 : memref<19200000xf32, #tpu.memory_space<hbm>>) dst(%arg9 : memref<24960xf32, #tpu.memory_space<vmem>>)
    %mul3A_56 = arith.constant 3 : i32
    %mul3A_57 = arith.muli %mul3A_53, %mul3A_56 : i32
    %dma_start3A_58 = tpu.memref_slice %arg4[%mul3A_57] : memref<4800000xf32, #tpu.memory_space<hbm>> -> memref<24960xf32, #tpu.memory_space<hbm>>
    %dma_start3A_59 = tpu.memref_slice %arg4[%mul3A_57] : memref<4800000xf32, #tpu.memory_space<hbm>> -> memref<24960xf32, #tpu.memory_space<hbm>>
    tpu.enqueue_dma source(%arg9 : memref<24960xf32, #tpu.memory_space<vmem>>) target(%dma_start3A_59 : memref<24960xf32, #tpu.memory_space<hbm>>) target_semaphore(%arg13 : memref<!tpu.dma_semaphore, #tpu.memory_space<semaphore_mem>>)
    %add3A_60 = arith.constant 195 : i32
    %add3A_61 = arith.addi %add3A_4, %add3A_60 : i32
    %mul3A_62 = arith.constant 128 : i32
    %mul3A_63 = arith.muli %add3A_61, %mul3A_62 : i32
    "tpu.region"() ({
      %run_scoped3A = tpu.sem_alloc : memref<!tpu.dma_semaphore, #tpu.memory_space<semaphore_mem>>
      %dma_start3A_148 = tpu.memref_slice %arg3[%mul3A_63] : memref<1600000xi32, #tpu.memory_space<hbm>> -> memref<8320xi32, #tpu.memory_space<hbm>>
      %dma_start3A_149 = tpu.memref_slice %arg3[%mul3A_63] : memref<1600000xi32, #tpu.memory_space<hbm>> -> memref<8320xi32, #tpu.memory_space<hbm>>
      tpu.enqueue_dma source(%dma_start3A_149 : memref<8320xi32, #tpu.memory_space<hbm>>) target(%arg5 : memref<8320xi32, #tpu.memory_space<vmem>>) target_semaphore(%run_scoped3A : memref<!tpu.dma_semaphore, #tpu.memory_space<semaphore_mem>>)
      %dma_wait3A_150 = tpu.memref_slice %arg3[%mul3A_63] : memref<1600000xi32, #tpu.memory_space<hbm>> -> memref<8320xi32, #tpu.memory_space<hbm>>
      %dma_wait3A_151 = tpu.memref_slice %arg3[%mul3A_63] : memref<1600000xi32, #tpu.memory_space<hbm>> -> memref<8320xi32, #tpu.memory_space<hbm>>
      tpu.wait_dma2 semaphore(%run_scoped3A : memref<!tpu.dma_semaphore, #tpu.memory_space<semaphore_mem>>) src(%dma_wait3A_151 : memref<8320xi32, #tpu.memory_space<hbm>>) dst(%arg5 : memref<8320xi32, #tpu.memory_space<vmem>>)
      tpu.yield
    }) : () -> ()
    %scan3A_64 = arith.constant 0 : i32
    %scan3A_65 = arith.constant 0 : i32
    %scan3A_66 = arith.constant 520 : i32
    %scan3A_67 = arith.addi %scan3A_65, %scan3A_66 : i32
    %scan3A_68 = arith.constant 4 : i32
    scf.for %scan3A_148 = %scan3A_65 to %scan3A_67 step %scan3A_68  : i32 {
      %mul3A_149 = arith.constant 16 : i32
      %mul3A_150 = arith.muli %scan3A_148, %mul3A_149 : i32
      %get3A = arith.index_cast %mul3A_150 : i32 to index
      %get3A_151 = tpu.vector_load %arg5[%get3A] {strides = array<i32>} : memref<8320xi32, #tpu.memory_space<vmem>>, vector<16xi32>,
      %get3A_152 = vector.shape_cast %get3A_151 : vector<16xi32> to vector<16xi32>
      %shift_right_arithmetic3A = arith.constant 7 : i32
      %shift_right_arithmetic3A_153 = vector.broadcast %shift_right_arithmetic3A : i32 to vector<16xi32>
      %shift_right_arithmetic3A_154 = arith.shrsi %get3A_152, %shift_right_arithmetic3A_153 : vector<16xi32>
      %mul3A_155 = arith.constant 384 : i32
      %mul3A_156 = vector.broadcast %mul3A_155 : i32 to vector<16xi32>
      %mul3A_157 = arith.muli %shift_right_arithmetic3A_154, %mul3A_156 : vector<16xi32>
      %and3A = arith.constant 127 : i32
      %and3A_158 = vector.broadcast %and3A : i32 to vector<16xi32>
      %and3A_159 = arith.andi %get3A_152, %and3A_158 : vector<16xi32>
      %add3A_160 = arith.addi %mul3A_157, %and3A_159 : vector<16xi32>
      %shift_right_arithmetic3A_161 = arith.constant 3 : i32
      %shift_right_arithmetic3A_162 = arith.shrsi %scan3A_148, %shift_right_arithmetic3A_161 : i32
      %and3A_163 = arith.constant 7 : i32
      %and3A_164 = arith.andi %scan3A_148, %and3A_163 : i32
      %mul3A_165 = arith.constant 384 : i32
      %mul3A_166 = arith.muli %shift_right_arithmetic3A_162, %mul3A_165 : i32
      %mul3A_167 = arith.constant 16 : i32
      %mul3A_168 = arith.muli %and3A_164, %mul3A_167 : i32
      %add3A_169 = arith.addi %mul3A_166, %mul3A_168 : i32
      %swap3A = arith.index_cast %add3A_169 : i32 to index
      %swap3A_170 = tpu.vector_load %arg7[%swap3A] {strides = array<i32>} : memref<24960xi32, #tpu.memory_space<vmem>>, vector<16xi32>,
      %swap3A_171 = vector.shape_cast %swap3A_170 : vector<16xi32> to vector<16xi32>
      %swap3A_172 = vector.shape_cast %add3A_160 : vector<16xi32> to vector<16xi32>
      tpu.vector_store %arg7[%swap3A], %swap3A_172 {strides = array<i32>} : memref<24960xi32, #tpu.memory_space<vmem>>, vector<16xi32>,
      %add3A_173 = arith.constant 128 : i32
      %add3A_174 = vector.broadcast %add3A_173 : i32 to vector<16xi32>
      %add3A_175 = arith.addi %add3A_160, %add3A_174 : vector<16xi32>
      %add3A_176 = arith.constant 128 : i32
      %add3A_177 = arith.addi %add3A_169, %add3A_176 : i32
      %swap3A_178 = arith.index_cast %add3A_177 : i32 to index
      %swap3A_179 = tpu.vector_load %arg7[%swap3A_178] {strides = array<i32>} : memref<24960xi32, #tpu.memory_space<vmem>>, vector<16xi32>,
      %swap3A_180 = vector.shape_cast %swap3A_179 : vector<16xi32> to vector<16xi32>
      %swap3A_181 = vector.shape_cast %add3A_175 : vector<16xi32> to vector<16xi32>
      tpu.vector_store %arg7[%swap3A_178], %swap3A_181 {strides = array<i32>} : memref<24960xi32, #tpu.memory_space<vmem>>, vector<16xi32>,
      %add3A_182 = arith.constant 256 : i32
      %add3A_183 = vector.broadcast %add3A_182 : i32 to vector<16xi32>
      %add3A_184 = arith.addi %add3A_160, %add3A_183 : vector<16xi32>
      %add3A_185 = arith.constant 256 : i32
      %add3A_186 = arith.addi %add3A_169, %add3A_185 : i32
      %swap3A_187 = arith.index_cast %add3A_186 : i32 to index
      %swap3A_188 = tpu.vector_load %arg7[%swap3A_187] {strides = array<i32>} : memref<24960xi32, #tpu.memory_space<vmem>>, vector<16xi32>,
      %swap3A_189 = vector.shape_cast %swap3A_188 : vector<16xi32> to vector<16xi32>
      %swap3A_190 = vector.shape_cast %add3A_184 : vector<16xi32> to vector<16xi32>
      tpu.vector_store %arg7[%swap3A_187], %swap3A_190 {strides = array<i32>} : memref<24960xi32, #tpu.memory_space<vmem>>, vector<16xi32>,
      %scan3A_191 = arith.constant 1 : i32
      %scan3A_192 = arith.addi %scan3A_148, %scan3A_191 : i32
      %mul3A_193 = arith.constant 16 : i32
      %mul3A_194 = arith.muli %scan3A_192, %mul3A_193 : i32
      %get3A_195 = arith.index_cast %mul3A_194 : i32 to index
      %get3A_196 = tpu.vector_load %arg5[%get3A_195] {strides = array<i32>} : memref<8320xi32, #tpu.memory_space<vmem>>, vector<16xi32>,
      %get3A_197 = vector.shape_cast %get3A_196 : vector<16xi32> to vector<16xi32>
      %shift_right_arithmetic3A_198 = arith.constant 7 : i32
      %shift_right_arithmetic3A_199 = vector.broadcast %shift_right_arithmetic3A_198 : i32 to vector<16xi32>
      %shift_right_arithmetic3A_200 = arith.shrsi %get3A_197, %shift_right_arithmetic3A_199 : vector<16xi32>
      %mul3A_201 = arith.constant 384 : i32
      %mul3A_202 = vector.broadcast %mul3A_201 : i32 to vector<16xi32>
      %mul3A_203 = arith.muli %shift_right_arithmetic3A_200, %mul3A_202 : vector<16xi32>
      %and3A_204 = arith.constant 127 : i32
      %and3A_205 = vector.broadcast %and3A_204 : i32 to vector<16xi32>
      %and3A_206 = arith.andi %get3A_197, %and3A_205 : vector<16xi32>
      %add3A_207 = arith.addi %mul3A_203, %and3A_206 : vector<16xi32>
      %shift_right_arithmetic3A_208 = arith.constant 3 : i32
      %shift_right_arithmetic3A_209 = arith.shrsi %scan3A_192, %shift_right_arithmetic3A_208 : i32
      %and3A_210 = arith.constant 7 : i32
      %and3A_211 = arith.andi %scan3A_192, %and3A_210 : i32
      %mul3A_212 = arith.constant 384 : i32
      %mul3A_213 = arith.muli %shift_right_arithmetic3A_209, %mul3A_212 : i32
      %mul3A_214 = arith.constant 16 : i32
      %mul3A_215 = arith.muli %and3A_211, %mul3A_214 : i32
      %add3A_216 = arith.addi %mul3A_213, %mul3A_215 : i32
      %swap3A_217 = arith.index_cast %add3A_216 : i32 to index
      %swap3A_218 = tpu.vector_load %arg7[%swap3A_217] {strides = array<i32>} : memref<24960xi32, #tpu.memory_space<vmem>>, vector<16xi32>,
      %swap3A_219 = vector.shape_cast %swap3A_218 : vector<16xi32> to vector<16xi32>
      %swap3A_220 = vector.shape_cast %add3A_207 : vector<16xi32> to vector<16xi32>
      tpu.vector_store %arg7[%swap3A_217], %swap3A_220 {strides = array<i32>} : memref<24960xi32, #tpu.memory_space<vmem>>, vector<16xi32>,
      %add3A_221 = arith.constant 128 : i32
      %add3A_222 = vector.broadcast %add3A_221 : i32 to vector<16xi32>
      %add3A_223 = arith.addi %add3A_207, %add3A_222 : vector<16xi32>
      %add3A_224 = arith.constant 128 : i32
      %add3A_225 = arith.addi %add3A_216, %add3A_224 : i32
      %swap3A_226 = arith.index_cast %add3A_225 : i32 to index
      %swap3A_227 = tpu.vector_load %arg7[%swap3A_226] {strides = array<i32>} : memref<24960xi32, #tpu.memory_space<vmem>>, vector<16xi32>,
      %swap3A_228 = vector.shape_cast %swap3A_227 : vector<16xi32> to vector<16xi32>
      %swap3A_229 = vector.shape_cast %add3A_223 : vector<16xi32> to vector<16xi32>
      tpu.vector_store %arg7[%swap3A_226], %swap3A_229 {strides = array<i32>} : memref<24960xi32, #tpu.memory_space<vmem>>, vector<16xi32>,
      %add3A_230 = arith.constant 256 : i32
      %add3A_231 = vector.broadcast %add3A_230 : i32 to vector<16xi32>
      %add3A_232 = arith.addi %add3A_207, %add3A_231 : vector<16xi32>
      %add3A_233 = arith.constant 256 : i32
      %add3A_234 = arith.addi %add3A_216, %add3A_233 : i32
      %swap3A_235 = arith.index_cast %add3A_234 : i32 to index
      %swap3A_236 = tpu.vector_load %arg7[%swap3A_235] {strides = array<i32>} : memref<24960xi32, #tpu.memory_space<vmem>>, vector<16xi32>,
      %swap3A_237 = vector.shape_cast %swap3A_236 : vector<16xi32> to vector<16xi32>
      %swap3A_238 = vector.shape_cast %add3A_232 : vector<16xi32> to vector<16xi32>
      tpu.vector_store %arg7[%swap3A_235], %swap3A_238 {strides = array<i32>} : memref<24960xi32, #tpu.memory_space<vmem>>, vector<16xi32>,
      %scan3A_239 = arith.constant 2 : i32
      %scan3A_240 = arith.addi %scan3A_148, %scan3A_239 : i32
      %mul3A_241 = arith.constant 16 : i32
      %mul3A_242 = arith.muli %scan3A_240, %mul3A_241 : i32
      %get3A_243 = arith.index_cast %mul3A_242 : i32 to index
      %get3A_244 = tpu.vector_load %arg5[%get3A_243] {strides = array<i32>} : memref<8320xi32, #tpu.memory_space<vmem>>, vector<16xi32>,
      %get3A_245 = vector.shape_cast %get3A_244 : vector<16xi32> to vector<16xi32>
      %shift_right_arithmetic3A_246 = arith.constant 7 : i32
      %shift_right_arithmetic3A_247 = vector.broadcast %shift_right_arithmetic3A_246 : i32 to vector<16xi32>
      %shift_right_arithmetic3A_248 = arith.shrsi %get3A_245, %shift_right_arithmetic3A_247 : vector<16xi32>
      %mul3A_249 = arith.constant 384 : i32
      %mul3A_250 = vector.broadcast %mul3A_249 : i32 to vector<16xi32>
      %mul3A_251 = arith.muli %shift_right_arithmetic3A_248, %mul3A_250 : vector<16xi32>
      %and3A_252 = arith.constant 127 : i32
      %and3A_253 = vector.broadcast %and3A_252 : i32 to vector<16xi32>
      %and3A_254 = arith.andi %get3A_245, %and3A_253 : vector<16xi32>
      %add3A_255 = arith.addi %mul3A_251, %and3A_254 : vector<16xi32>
      %shift_right_arithmetic3A_256 = arith.constant 3 : i32
      %shift_right_arithmetic3A_257 = arith.shrsi %scan3A_240, %shift_right_arithmetic3A_256 : i32
      %and3A_258 = arith.constant 7 : i32
      %and3A_259 = arith.andi %scan3A_240, %and3A_258 : i32
      %mul3A_260 = arith.constant 384 : i32
      %mul3A_261 = arith.muli %shift_right_arithmetic3A_257, %mul3A_260 : i32
      %mul3A_262 = arith.constant 16 : i32
      %mul3A_263 = arith.muli %and3A_259, %mul3A_262 : i32
      %add3A_264 = arith.addi %mul3A_261, %mul3A_263 : i32
      %swap3A_265 = arith.index_cast %add3A_264 : i32 to index
      %swap3A_266 = tpu.vector_load %arg7[%swap3A_265] {strides = array<i32>} : memref<24960xi32, #tpu.memory_space<vmem>>, vector<16xi32>,
      %swap3A_267 = vector.shape_cast %swap3A_266 : vector<16xi32> to vector<16xi32>
      %swap3A_268 = vector.shape_cast %add3A_255 : vector<16xi32> to vector<16xi32>
      tpu.vector_store %arg7[%swap3A_265], %swap3A_268 {strides = array<i32>} : memref<24960xi32, #tpu.memory_space<vmem>>, vector<16xi32>,
      %add3A_269 = arith.constant 128 : i32
      %add3A_270 = vector.broadcast %add3A_269 : i32 to vector<16xi32>
      %add3A_271 = arith.addi %add3A_255, %add3A_270 : vector<16xi32>
      %add3A_272 = arith.constant 128 : i32
      %add3A_273 = arith.addi %add3A_264, %add3A_272 : i32
      %swap3A_274 = arith.index_cast %add3A_273 : i32 to index
      %swap3A_275 = tpu.vector_load %arg7[%swap3A_274] {strides = array<i32>} : memref<24960xi32, #tpu.memory_space<vmem>>, vector<16xi32>,
      %swap3A_276 = vector.shape_cast %swap3A_275 : vector<16xi32> to vector<16xi32>
      %swap3A_277 = vector.shape_cast %add3A_271 : vector<16xi32> to vector<16xi32>
      tpu.vector_store %arg7[%swap3A_274], %swap3A_277 {strides = array<i32>} : memref<24960xi32, #tpu.memory_space<vmem>>, vector<16xi32>,
      %add3A_278 = arith.constant 256 : i32
      %add3A_279 = vector.broadcast %add3A_278 : i32 to vector<16xi32>
      %add3A_280 = arith.addi %add3A_255, %add3A_279 : vector<16xi32>
      %add3A_281 = arith.constant 256 : i32
      %add3A_282 = arith.addi %add3A_264, %add3A_281 : i32
      %swap3A_283 = arith.index_cast %add3A_282 : i32 to index
      %swap3A_284 = tpu.vector_load %arg7[%swap3A_283] {strides = array<i32>} : memref<24960xi32, #tpu.memory_space<vmem>>, vector<16xi32>,
      %swap3A_285 = vector.shape_cast %swap3A_284 : vector<16xi32> to vector<16xi32>
      %swap3A_286 = vector.shape_cast %add3A_280 : vector<16xi32> to vector<16xi32>
      tpu.vector_store %arg7[%swap3A_283], %swap3A_286 {strides = array<i32>} : memref<24960xi32, #tpu.memory_space<vmem>>, vector<16xi32>,
      %scan3A_287 = arith.constant 3 : i32
      %scan3A_288 = arith.addi %scan3A_148, %scan3A_287 : i32
      %mul3A_289 = arith.constant 16 : i32
      %mul3A_290 = arith.muli %scan3A_288, %mul3A_289 : i32
      %get3A_291 = arith.index_cast %mul3A_290 : i32 to index
      %get3A_292 = tpu.vector_load %arg5[%get3A_291] {strides = array<i32>} : memref<8320xi32, #tpu.memory_space<vmem>>, vector<16xi32>,
      %get3A_293 = vector.shape_cast %get3A_292 : vector<16xi32> to vector<16xi32>
      %shift_right_arithmetic3A_294 = arith.constant 7 : i32
      %shift_right_arithmetic3A_295 = vector.broadcast %shift_right_arithmetic3A_294 : i32 to vector<16xi32>
      %shift_right_arithmetic3A_296 = arith.shrsi %get3A_293, %shift_right_arithmetic3A_295 : vector<16xi32>
      %mul3A_297 = arith.constant 384 : i32
      %mul3A_298 = vector.broadcast %mul3A_297 : i32 to vector<16xi32>
      %mul3A_299 = arith.muli %shift_right_arithmetic3A_296, %mul3A_298 : vector<16xi32>
      %and3A_300 = arith.constant 127 : i32
      %and3A_301 = vector.broadcast %and3A_300 : i32 to vector<16xi32>
      %and3A_302 = arith.andi %get3A_293, %and3A_301 : vector<16xi32>
      %add3A_303 = arith.addi %mul3A_299, %and3A_302 : vector<16xi32>
      %shift_right_arithmetic3A_304 = arith.constant 3 : i32
      %shift_right_arithmetic3A_305 = arith.shrsi %scan3A_288, %shift_right_arithmetic3A_304 : i32
      %and3A_306 = arith.constant 7 : i32
      %and3A_307 = arith.andi %scan3A_288, %and3A_306 : i32
      %mul3A_308 = arith.constant 384 : i32
      %mul3A_309 = arith.muli %shift_right_arithmetic3A_305, %mul3A_308 : i32
      %mul3A_310 = arith.constant 16 : i32
      %mul3A_311 = arith.muli %and3A_307, %mul3A_310 : i32
      %add3A_312 = arith.addi %mul3A_309, %mul3A_311 : i32
      %swap3A_313 = arith.index_cast %add3A_312 : i32 to index
      %swap3A_314 = tpu.vector_load %arg7[%swap3A_313] {strides = array<i32>} : memref<24960xi32, #tpu.memory_space<vmem>>, vector<16xi32>,
      %swap3A_315 = vector.shape_cast %swap3A_314 : vector<16xi32> to vector<16xi32>
      %swap3A_316 = vector.shape_cast %add3A_303 : vector<16xi32> to vector<16xi32>
      tpu.vector_store %arg7[%swap3A_313], %swap3A_316 {strides = array<i32>} : memref<24960xi32, #tpu.memory_space<vmem>>, vector<16xi32>,
      %add3A_317 = arith.constant 128 : i32
      %add3A_318 = vector.broadcast %add3A_317 : i32 to vector<16xi32>
      %add3A_319 = arith.addi %add3A_303, %add3A_318 : vector<16xi32>
      %add3A_320 = arith.constant 128 : i32
      %add3A_321 = arith.addi %add3A_312, %add3A_320 : i32
      %swap3A_322 = arith.index_cast %add3A_321 : i32 to index
      %swap3A_323 = tpu.vector_load %arg7[%swap3A_322] {strides = array<i32>} : memref<24960xi32, #tpu.memory_space<vmem>>, vector<16xi32>,
      %swap3A_324 = vector.shape_cast %swap3A_323 : vector<16xi32> to vector<16xi32>
      %swap3A_325 = vector.shape_cast %add3A_319 : vector<16xi32> to vector<16xi32>
      tpu.vector_store %arg7[%swap3A_322], %swap3A_325 {strides = array<i32>} : memref<24960xi32, #tpu.memory_space<vmem>>, vector<16xi32>,
      %add3A_326 = arith.constant 256 : i32
      %add3A_327 = vector.broadcast %add3A_326 : i32 to vector<16xi32>
      %add3A_328 = arith.addi %add3A_303, %add3A_327 : vector<16xi32>
      %add3A_329 = arith.constant 256 : i32
      %add3A_330 = arith.addi %add3A_312, %add3A_329 : i32
      %swap3A_331 = arith.index_cast %add3A_330 : i32 to index
      %swap3A_332 = tpu.vector_load %arg7[%swap3A_331] {strides = array<i32>} : memref<24960xi32, #tpu.memory_space<vmem>>, vector<16xi32>,
      %swap3A_333 = vector.shape_cast %swap3A_332 : vector<16xi32> to vector<16xi32>
      %swap3A_334 = vector.shape_cast %add3A_328 : vector<16xi32> to vector<16xi32>
      tpu.vector_store %arg7[%swap3A_331], %swap3A_334 {strides = array<i32>} : memref<24960xi32, #tpu.memory_space<vmem>>, vector<16xi32>,
    }
    %scan3A_69 = arith.constant 520 : i32
    %dma_wait3A_70 = tpu.memref_slice %arg4[%mul3A_57] : memref<4800000xf32, #tpu.memory_space<hbm>> -> memref<24960xf32, #tpu.memory_space<hbm>>
    %dma_wait3A_71 = tpu.memref_slice %arg4[%mul3A_57] : memref<4800000xf32, #tpu.memory_space<hbm>> -> memref<24960xf32, #tpu.memory_space<hbm>>
    tpu.wait_dma2 semaphore(%arg13 : memref<!tpu.dma_semaphore, #tpu.memory_space<semaphore_mem>>) src(%arg9 : memref<24960xf32, #tpu.memory_space<vmem>>) dst(%dma_wait3A_71 : memref<24960xf32, #tpu.memory_space<hbm>>)
    %dma_start3A_72 = arith.constant 0 : i32
    %dma_start3A_73 = tpu.memref_slice %arg2[%dma_start3A_72] : memref<19200000xf32, #tpu.memory_space<hbm>> -> memref<19200000xf32, #tpu.memory_space<hbm>>
    tpu.enqueue_indirect_dma source(%dma_start3A_73 : memref<19200000xf32, #tpu.memory_space<hbm>>) target(%arg9 : memref<24960xf32, #tpu.memory_space<vmem>>) offsets(%arg7 : memref<24960xi32, #tpu.memory_space<vmem>>) semaphore(%arg11 : memref<!tpu.dma_semaphore, #tpu.memory_space<semaphore_mem>>)
    %add3A_74 = arith.constant 130 : i32
    %add3A_75 = arith.addi %add3A_4, %add3A_74 : i32
    %mul3A_76 = arith.constant 128 : i32
    %mul3A_77 = arith.muli %add3A_75, %mul3A_76 : i32
    %dma_wait3A_78 = arith.constant 0 : i32
    %dma_wait3A_79 = tpu.memref_slice %arg2[%dma_wait3A_78] : memref<19200000xf32, #tpu.memory_space<hbm>> -> memref<19200000xf32, #tpu.memory_space<hbm>>
    tpu.wait_indirect_dma semaphore(%arg10 : memref<!tpu.dma_semaphore, #tpu.memory_space<semaphore_mem>>) src(%dma_wait3A_79 : memref<19200000xf32, #tpu.memory_space<hbm>>) dst(%arg8 : memref<24960xf32, #tpu.memory_space<vmem>>)
    %mul3A_80 = arith.constant 3 : i32
    %mul3A_81 = arith.muli %mul3A_77, %mul3A_80 : i32
    %dma_start3A_82 = tpu.memref_slice %arg4[%mul3A_81] : memref<4800000xf32, #tpu.memory_space<hbm>> -> memref<24960xf32, #tpu.memory_space<hbm>>
    %dma_start3A_83 = tpu.memref_slice %arg4[%mul3A_81] : memref<4800000xf32, #tpu.memory_space<hbm>> -> memref<24960xf32, #tpu.memory_space<hbm>>
    tpu.enqueue_dma source(%arg8 : memref<24960xf32, #tpu.memory_space<vmem>>) target(%dma_start3A_83 : memref<24960xf32, #tpu.memory_space<hbm>>) target_semaphore(%arg12 : memref<!tpu.dma_semaphore, #tpu.memory_space<semaphore_mem>>)
    %add3A_84 = arith.constant 260 : i32
    %add3A_85 = arith.addi %add3A_4, %add3A_84 : i32
    %mul3A_86 = arith.constant 128 : i32
    %mul3A_87 = arith.muli %add3A_85, %mul3A_86 : i32
    "tpu.region"() ({
      %run_scoped3A = tpu.sem_alloc : memref<!tpu.dma_semaphore, #tpu.memory_space<semaphore_mem>>
      %dma_start3A_148 = tpu.memref_slice %arg3[%mul3A_87] : memref<1600000xi32, #tpu.memory_space<hbm>> -> memref<8320xi32, #tpu.memory_space<hbm>>
      %dma_start3A_149 = tpu.memref_slice %arg3[%mul3A_87] : memref<1600000xi32, #tpu.memory_space<hbm>> -> memref<8320xi32, #tpu.memory_space<hbm>>
      tpu.enqueue_dma source(%dma_start3A_149 : memref<8320xi32, #tpu.memory_space<hbm>>) target(%arg5 : memref<8320xi32, #tpu.memory_space<vmem>>) target_semaphore(%run_scoped3A : memref<!tpu.dma_semaphore, #tpu.memory_space<semaphore_mem>>)
      %dma_wait3A_150 = tpu.memref_slice %arg3[%mul3A_87] : memref<1600000xi32, #tpu.memory_space<hbm>> -> memref<8320xi32, #tpu.memory_space<hbm>>
      %dma_wait3A_151 = tpu.memref_slice %arg3[%mul3A_87] : memref<1600000xi32, #tpu.memory_space<hbm>> -> memref<8320xi32, #tpu.memory_space<hbm>>
      tpu.wait_dma2 semaphore(%run_scoped3A : memref<!tpu.dma_semaphore, #tpu.memory_space<semaphore_mem>>) src(%dma_wait3A_151 : memref<8320xi32, #tpu.memory_space<hbm>>) dst(%arg5 : memref<8320xi32, #tpu.memory_space<vmem>>)
      tpu.yield
    }) : () -> ()
    %scan3A_88 = arith.constant 0 : i32
    %scan3A_89 = arith.constant 0 : i32
    %scan3A_90 = arith.constant 520 : i32
    %scan3A_91 = arith.addi %scan3A_89, %scan3A_90 : i32
    %scan3A_92 = arith.constant 4 : i32
    scf.for %scan3A_148 = %scan3A_89 to %scan3A_91 step %scan3A_92  : i32 {
      %mul3A_149 = arith.constant 16 : i32
      %mul3A_150 = arith.muli %scan3A_148, %mul3A_149 : i32
      %get3A = arith.index_cast %mul3A_150 : i32 to index
      %get3A_151 = tpu.vector_load %arg5[%get3A] {strides = array<i32>} : memref<8320xi32, #tpu.memory_space<vmem>>, vector<16xi32>,
      %get3A_152 = vector.shape_cast %get3A_151 : vector<16xi32> to vector<16xi32>
      %shift_right_arithmetic3A = arith.constant 7 : i32
      %shift_right_arithmetic3A_153 = vector.broadcast %shift_right_arithmetic3A : i32 to vector<16xi32>
      %shift_right_arithmetic3A_154 = arith.shrsi %get3A_152, %shift_right_arithmetic3A_153 : vector<16xi32>
      %mul3A_155 = arith.constant 384 : i32
      %mul3A_156 = vector.broadcast %mul3A_155 : i32 to vector<16xi32>
      %mul3A_157 = arith.muli %shift_right_arithmetic3A_154, %mul3A_156 : vector<16xi32>
      %and3A = arith.constant 127 : i32
      %and3A_158 = vector.broadcast %and3A : i32 to vector<16xi32>
      %and3A_159 = arith.andi %get3A_152, %and3A_158 : vector<16xi32>
      %add3A_160 = arith.addi %mul3A_157, %and3A_159 : vector<16xi32>
      %shift_right_arithmetic3A_161 = arith.constant 3 : i32
      %shift_right_arithmetic3A_162 = arith.shrsi %scan3A_148, %shift_right_arithmetic3A_161 : i32
      %and3A_163 = arith.constant 7 : i32
      %and3A_164 = arith.andi %scan3A_148, %and3A_163 : i32
      %mul3A_165 = arith.constant 384 : i32
      %mul3A_166 = arith.muli %shift_right_arithmetic3A_162, %mul3A_165 : i32
      %mul3A_167 = arith.constant 16 : i32
      %mul3A_168 = arith.muli %and3A_164, %mul3A_167 : i32
      %add3A_169 = arith.addi %mul3A_166, %mul3A_168 : i32
      %swap3A = arith.index_cast %add3A_169 : i32 to index
      %swap3A_170 = tpu.vector_load %arg6[%swap3A] {strides = array<i32>} : memref<24960xi32, #tpu.memory_space<vmem>>, vector<16xi32>,
      %swap3A_171 = vector.shape_cast %swap3A_170 : vector<16xi32> to vector<16xi32>
      %swap3A_172 = vector.shape_cast %add3A_160 : vector<16xi32> to vector<16xi32>
      tpu.vector_store %arg6[%swap3A], %swap3A_172 {strides = array<i32>} : memref<24960xi32, #tpu.memory_space<vmem>>, vector<16xi32>,
      %add3A_173 = arith.constant 128 : i32
      %add3A_174 = vector.broadcast %add3A_173 : i32 to vector<16xi32>
      %add3A_175 = arith.addi %add3A_160, %add3A_174 : vector<16xi32>
      %add3A_176 = arith.constant 128 : i32
      %add3A_177 = arith.addi %add3A_169, %add3A_176 : i32
      %swap3A_178 = arith.index_cast %add3A_177 : i32 to index
      %swap3A_179 = tpu.vector_load %arg6[%swap3A_178] {strides = array<i32>} : memref<24960xi32, #tpu.memory_space<vmem>>, vector<16xi32>,
      %swap3A_180 = vector.shape_cast %swap3A_179 : vector<16xi32> to vector<16xi32>
      %swap3A_181 = vector.shape_cast %add3A_175 : vector<16xi32> to vector<16xi32>
      tpu.vector_store %arg6[%swap3A_178], %swap3A_181 {strides = array<i32>} : memref<24960xi32, #tpu.memory_space<vmem>>, vector<16xi32>,
      %add3A_182 = arith.constant 256 : i32
      %add3A_183 = vector.broadcast %add3A_182 : i32 to vector<16xi32>
      %add3A_184 = arith.addi %add3A_160, %add3A_183 : vector<16xi32>
      %add3A_185 = arith.constant 256 : i32
      %add3A_186 = arith.addi %add3A_169, %add3A_185 : i32
      %swap3A_187 = arith.index_cast %add3A_186 : i32 to index
      %swap3A_188 = tpu.vector_load %arg6[%swap3A_187] {strides = array<i32>} : memref<24960xi32, #tpu.memory_space<vmem>>, vector<16xi32>,
      %swap3A_189 = vector.shape_cast %swap3A_188 : vector<16xi32> to vector<16xi32>
      %swap3A_190 = vector.shape_cast %add3A_184 : vector<16xi32> to vector<16xi32>
      tpu.vector_store %arg6[%swap3A_187], %swap3A_190 {strides = array<i32>} : memref<24960xi32, #tpu.memory_space<vmem>>, vector<16xi32>,
      %scan3A_191 = arith.constant 1 : i32
      %scan3A_192 = arith.addi %scan3A_148, %scan3A_191 : i32
      %mul3A_193 = arith.constant 16 : i32
      %mul3A_194 = arith.muli %scan3A_192, %mul3A_193 : i32
      %get3A_195 = arith.index_cast %mul3A_194 : i32 to index
      %get3A_196 = tpu.vector_load %arg5[%get3A_195] {strides = array<i32>} : memref<8320xi32, #tpu.memory_space<vmem>>, vector<16xi32>,
      %get3A_197 = vector.shape_cast %get3A_196 : vector<16xi32> to vector<16xi32>
      %shift_right_arithmetic3A_198 = arith.constant 7 : i32
      %shift_right_arithmetic3A_199 = vector.broadcast %shift_right_arithmetic3A_198 : i32 to vector<16xi32>
      %shift_right_arithmetic3A_200 = arith.shrsi %get3A_197, %shift_right_arithmetic3A_199 : vector<16xi32>
      %mul3A_201 = arith.constant 384 : i32
      %mul3A_202 = vector.broadcast %mul3A_201 : i32 to vector<16xi32>
      %mul3A_203 = arith.muli %shift_right_arithmetic3A_200, %mul3A_202 : vector<16xi32>
      %and3A_204 = arith.constant 127 : i32
      %and3A_205 = vector.broadcast %and3A_204 : i32 to vector<16xi32>
      %and3A_206 = arith.andi %get3A_197, %and3A_205 : vector<16xi32>
      %add3A_207 = arith.addi %mul3A_203, %and3A_206 : vector<16xi32>
      %shift_right_arithmetic3A_208 = arith.constant 3 : i32
      %shift_right_arithmetic3A_209 = arith.shrsi %scan3A_192, %shift_right_arithmetic3A_208 : i32
      %and3A_210 = arith.constant 7 : i32
      %and3A_211 = arith.andi %scan3A_192, %and3A_210 : i32
      %mul3A_212 = arith.constant 384 : i32
      %mul3A_213 = arith.muli %shift_right_arithmetic3A_209, %mul3A_212 : i32
      %mul3A_214 = arith.constant 16 : i32
      %mul3A_215 = arith.muli %and3A_211, %mul3A_214 : i32
      %add3A_216 = arith.addi %mul3A_213, %mul3A_215 : i32
      %swap3A_217 = arith.index_cast %add3A_216 : i32 to index
      %swap3A_218 = tpu.vector_load %arg6[%swap3A_217] {strides = array<i32>} : memref<24960xi32, #tpu.memory_space<vmem>>, vector<16xi32>,
      %swap3A_219 = vector.shape_cast %swap3A_218 : vector<16xi32> to vector<16xi32>
      %swap3A_220 = vector.shape_cast %add3A_207 : vector<16xi32> to vector<16xi32>
      tpu.vector_store %arg6[%swap3A_217], %swap3A_220 {strides = array<i32>} : memref<24960xi32, #tpu.memory_space<vmem>>, vector<16xi32>,
      %add3A_221 = arith.constant 128 : i32
      %add3A_222 = vector.broadcast %add3A_221 : i32 to vector<16xi32>
      %add3A_223 = arith.addi %add3A_207, %add3A_222 : vector<16xi32>
      %add3A_224 = arith.constant 128 : i32
      %add3A_225 = arith.addi %add3A_216, %add3A_224 : i32
      %swap3A_226 = arith.index_cast %add3A_225 : i32 to index
      %swap3A_227 = tpu.vector_load %arg6[%swap3A_226] {strides = array<i32>} : memref<24960xi32, #tpu.memory_space<vmem>>, vector<16xi32>,
      %swap3A_228 = vector.shape_cast %swap3A_227 : vector<16xi32> to vector<16xi32>
      %swap3A_229 = vector.shape_cast %add3A_223 : vector<16xi32> to vector<16xi32>
      tpu.vector_store %arg6[%swap3A_226], %swap3A_229 {strides = array<i32>} : memref<24960xi32, #tpu.memory_space<vmem>>, vector<16xi32>,
      %add3A_230 = arith.constant 256 : i32
      %add3A_231 = vector.broadcast %add3A_230 : i32 to vector<16xi32>
      %add3A_232 = arith.addi %add3A_207, %add3A_231 : vector<16xi32>
      %add3A_233 = arith.constant 256 : i32
      %add3A_234 = arith.addi %add3A_216, %add3A_233 : i32
      %swap3A_235 = arith.index_cast %add3A_234 : i32 to index
      %swap3A_236 = tpu.vector_load %arg6[%swap3A_235] {strides = array<i32>} : memref<24960xi32, #tpu.memory_space<vmem>>, vector<16xi32>,
      %swap3A_237 = vector.shape_cast %swap3A_236 : vector<16xi32> to vector<16xi32>
      %swap3A_238 = vector.shape_cast %add3A_232 : vector<16xi32> to vector<16xi32>
      tpu.vector_store %arg6[%swap3A_235], %swap3A_238 {strides = array<i32>} : memref<24960xi32, #tpu.memory_space<vmem>>, vector<16xi32>,
      %scan3A_239 = arith.constant 2 : i32
      %scan3A_240 = arith.addi %scan3A_148, %scan3A_239 : i32
      %mul3A_241 = arith.constant 16 : i32
      %mul3A_242 = arith.muli %scan3A_240, %mul3A_241 : i32
      %get3A_243 = arith.index_cast %mul3A_242 : i32 to index
      %get3A_244 = tpu.vector_load %arg5[%get3A_243] {strides = array<i32>} : memref<8320xi32, #tpu.memory_space<vmem>>, vector<16xi32>,
      %get3A_245 = vector.shape_cast %get3A_244 : vector<16xi32> to vector<16xi32>
      %shift_right_arithmetic3A_246 = arith.constant 7 : i32
      %shift_right_arithmetic3A_247 = vector.broadcast %shift_right_arithmetic3A_246 : i32 to vector<16xi32>
      %shift_right_arithmetic3A_248 = arith.shrsi %get3A_245, %shift_right_arithmetic3A_247 : vector<16xi32>
      %mul3A_249 = arith.constant 384 : i32
      %mul3A_250 = vector.broadcast %mul3A_249 : i32 to vector<16xi32>
      %mul3A_251 = arith.muli %shift_right_arithmetic3A_248, %mul3A_250 : vector<16xi32>
      %and3A_252 = arith.constant 127 : i32
      %and3A_253 = vector.broadcast %and3A_252 : i32 to vector<16xi32>
      %and3A_254 = arith.andi %get3A_245, %and3A_253 : vector<16xi32>
      %add3A_255 = arith.addi %mul3A_251, %and3A_254 : vector<16xi32>
      %shift_right_arithmetic3A_256 = arith.constant 3 : i32
      %shift_right_arithmetic3A_257 = arith.shrsi %scan3A_240, %shift_right_arithmetic3A_256 : i32
      %and3A_258 = arith.constant 7 : i32
      %and3A_259 = arith.andi %scan3A_240, %and3A_258 : i32
      %mul3A_260 = arith.constant 384 : i32
      %mul3A_261 = arith.muli %shift_right_arithmetic3A_257, %mul3A_260 : i32
      %mul3A_262 = arith.constant 16 : i32
      %mul3A_263 = arith.muli %and3A_259, %mul3A_262 : i32
      %add3A_264 = arith.addi %mul3A_261, %mul3A_263 : i32
      %swap3A_265 = arith.index_cast %add3A_264 : i32 to index
      %swap3A_266 = tpu.vector_load %arg6[%swap3A_265] {strides = array<i32>} : memref<24960xi32, #tpu.memory_space<vmem>>, vector<16xi32>,
      %swap3A_267 = vector.shape_cast %swap3A_266 : vector<16xi32> to vector<16xi32>
      %swap3A_268 = vector.shape_cast %add3A_255 : vector<16xi32> to vector<16xi32>
      tpu.vector_store %arg6[%swap3A_265], %swap3A_268 {strides = array<i32>} : memref<24960xi32, #tpu.memory_space<vmem>>, vector<16xi32>,
      %add3A_269 = arith.constant 128 : i32
      %add3A_270 = vector.broadcast %add3A_269 : i32 to vector<16xi32>
      %add3A_271 = arith.addi %add3A_255, %add3A_270 : vector<16xi32>
      %add3A_272 = arith.constant 128 : i32
      %add3A_273 = arith.addi %add3A_264, %add3A_272 : i32
      %swap3A_274 = arith.index_cast %add3A_273 : i32 to index
      %swap3A_275 = tpu.vector_load %arg6[%swap3A_274] {strides = array<i32>} : memref<24960xi32, #tpu.memory_space<vmem>>, vector<16xi32>,
      %swap3A_276 = vector.shape_cast %swap3A_275 : vector<16xi32> to vector<16xi32>
      %swap3A_277 = vector.shape_cast %add3A_271 : vector<16xi32> to vector<16xi32>
      tpu.vector_store %arg6[%swap3A_274], %swap3A_277 {strides = array<i32>} : memref<24960xi32, #tpu.memory_space<vmem>>, vector<16xi32>,
      %add3A_278 = arith.constant 256 : i32
      %add3A_279 = vector.broadcast %add3A_278 : i32 to vector<16xi32>
      %add3A_280 = arith.addi %add3A_255, %add3A_279 : vector<16xi32>
      %add3A_281 = arith.constant 256 : i32
      %add3A_282 = arith.addi %add3A_264, %add3A_281 : i32
      %swap3A_283 = arith.index_cast %add3A_282 : i32 to index
      %swap3A_284 = tpu.vector_load %arg6[%swap3A_283] {strides = array<i32>} : memref<24960xi32, #tpu.memory_space<vmem>>, vector<16xi32>,
      %swap3A_285 = vector.shape_cast %swap3A_284 : vector<16xi32> to vector<16xi32>
      %swap3A_286 = vector.shape_cast %add3A_280 : vector<16xi32> to vector<16xi32>
      tpu.vector_store %arg6[%swap3A_283], %swap3A_286 {strides = array<i32>} : memref<24960xi32, #tpu.memory_space<vmem>>, vector<16xi32>,
      %scan3A_287 = arith.constant 3 : i32
      %scan3A_288 = arith.addi %scan3A_148, %scan3A_287 : i32
      %mul3A_289 = arith.constant 16 : i32
      %mul3A_290 = arith.muli %scan3A_288, %mul3A_289 : i32
      %get3A_291 = arith.index_cast %mul3A_290 : i32 to index
      %get3A_292 = tpu.vector_load %arg5[%get3A_291] {strides = array<i32>} : memref<8320xi32, #tpu.memory_space<vmem>>, vector<16xi32>,
      %get3A_293 = vector.shape_cast %get3A_292 : vector<16xi32> to vector<16xi32>
      %shift_right_arithmetic3A_294 = arith.constant 7 : i32
      %shift_right_arithmetic3A_295 = vector.broadcast %shift_right_arithmetic3A_294 : i32 to vector<16xi32>
      %shift_right_arithmetic3A_296 = arith.shrsi %get3A_293, %shift_right_arithmetic3A_295 : vector<16xi32>
      %mul3A_297 = arith.constant 384 : i32
      %mul3A_298 = vector.broadcast %mul3A_297 : i32 to vector<16xi32>
      %mul3A_299 = arith.muli %shift_right_arithmetic3A_296, %mul3A_298 : vector<16xi32>
      %and3A_300 = arith.constant 127 : i32
      %and3A_301 = vector.broadcast %and3A_300 : i32 to vector<16xi32>
      %and3A_302 = arith.andi %get3A_293, %and3A_301 : vector<16xi32>
      %add3A_303 = arith.addi %mul3A_299, %and3A_302 : vector<16xi32>
      %shift_right_arithmetic3A_304 = arith.constant 3 : i32
      %shift_right_arithmetic3A_305 = arith.shrsi %scan3A_288, %shift_right_arithmetic3A_304 : i32
      %and3A_306 = arith.constant 7 : i32
      %and3A_307 = arith.andi %scan3A_288, %and3A_306 : i32
      %mul3A_308 = arith.constant 384 : i32
      %mul3A_309 = arith.muli %shift_right_arithmetic3A_305, %mul3A_308 : i32
      %mul3A_310 = arith.constant 16 : i32
      %mul3A_311 = arith.muli %and3A_307, %mul3A_310 : i32
      %add3A_312 = arith.addi %mul3A_309, %mul3A_311 : i32
      %swap3A_313 = arith.index_cast %add3A_312 : i32 to index
      %swap3A_314 = tpu.vector_load %arg6[%swap3A_313] {strides = array<i32>} : memref<24960xi32, #tpu.memory_space<vmem>>, vector<16xi32>,
      %swap3A_315 = vector.shape_cast %swap3A_314 : vector<16xi32> to vector<16xi32>
      %swap3A_316 = vector.shape_cast %add3A_303 : vector<16xi32> to vector<16xi32>
      tpu.vector_store %arg6[%swap3A_313], %swap3A_316 {strides = array<i32>} : memref<24960xi32, #tpu.memory_space<vmem>>, vector<16xi32>,
      %add3A_317 = arith.constant 128 : i32
      %add3A_318 = vector.broadcast %add3A_317 : i32 to vector<16xi32>
      %add3A_319 = arith.addi %add3A_303, %add3A_318 : vector<16xi32>
      %add3A_320 = arith.constant 128 : i32
      %add3A_321 = arith.addi %add3A_312, %add3A_320 : i32
      %swap3A_322 = arith.index_cast %add3A_321 : i32 to index
      %swap3A_323 = tpu.vector_load %arg6[%swap3A_322] {strides = array<i32>} : memref<24960xi32, #tpu.memory_space<vmem>>, vector<16xi32>,
      %swap3A_324 = vector.shape_cast %swap3A_323 : vector<16xi32> to vector<16xi32>
      %swap3A_325 = vector.shape_cast %add3A_319 : vector<16xi32> to vector<16xi32>
      tpu.vector_store %arg6[%swap3A_322], %swap3A_325 {strides = array<i32>} : memref<24960xi32, #tpu.memory_space<vmem>>, vector<16xi32>,
      %add3A_326 = arith.constant 256 : i32
      %add3A_327 = vector.broadcast %add3A_326 : i32 to vector<16xi32>
      %add3A_328 = arith.addi %add3A_303, %add3A_327 : vector<16xi32>
      %add3A_329 = arith.constant 256 : i32
      %add3A_330 = arith.addi %add3A_312, %add3A_329 : i32
      %swap3A_331 = arith.index_cast %add3A_330 : i32 to index
      %swap3A_332 = tpu.vector_load %arg6[%swap3A_331] {strides = array<i32>} : memref<24960xi32, #tpu.memory_space<vmem>>, vector<16xi32>,
      %swap3A_333 = vector.shape_cast %swap3A_332 : vector<16xi32> to vector<16xi32>
      %swap3A_334 = vector.shape_cast %add3A_328 : vector<16xi32> to vector<16xi32>
      tpu.vector_store %arg6[%swap3A_331], %swap3A_334 {strides = array<i32>} : memref<24960xi32, #tpu.memory_space<vmem>>, vector<16xi32>,
    }
    %scan3A_93 = arith.constant 520 : i32
    %dma_wait3A_94 = tpu.memref_slice %arg4[%mul3A_81] : memref<4800000xf32, #tpu.memory_space<hbm>> -> memref<24960xf32, #tpu.memory_space<hbm>>
    %dma_wait3A_95 = tpu.memref_slice %arg4[%mul3A_81] : memref<4800000xf32, #tpu.memory_space<hbm>> -> memref<24960xf32, #tpu.memory_space<hbm>>
    tpu.wait_dma2 semaphore(%arg12 : memref<!tpu.dma_semaphore, #tpu.memory_space<semaphore_mem>>) src(%arg8 : memref<24960xf32, #tpu.memory_space<vmem>>) dst(%dma_wait3A_95 : memref<24960xf32, #tpu.memory_space<hbm>>)
    %dma_start3A_96 = arith.constant 0 : i32
    %dma_start3A_97 = tpu.memref_slice %arg2[%dma_start3A_96] : memref<19200000xf32, #tpu.memory_space<hbm>> -> memref<19200000xf32, #tpu.memory_space<hbm>>
    tpu.enqueue_indirect_dma source(%dma_start3A_97 : memref<19200000xf32, #tpu.memory_space<hbm>>) target(%arg8 : memref<24960xf32, #tpu.memory_space<vmem>>) offsets(%arg6 : memref<24960xi32, #tpu.memory_space<vmem>>) semaphore(%arg10 : memref<!tpu.dma_semaphore, #tpu.memory_space<semaphore_mem>>)
    %add3A_98 = arith.constant 195 : i32
    %add3A_99 = arith.addi %add3A_4, %add3A_98 : i32
    %mul3A_100 = arith.constant 128 : i32
    %mul3A_101 = arith.muli %add3A_99, %mul3A_100 : i32
    %dma_wait3A_102 = arith.constant 0 : i32
    %dma_wait3A_103 = tpu.memref_slice %arg2[%dma_wait3A_102] : memref<19200000xf32, #tpu.memory_space<hbm>> -> memref<19200000xf32, #tpu.memory_space<hbm>>
    tpu.wait_indirect_dma semaphore(%arg11 : memref<!tpu.dma_semaphore, #tpu.memory_space<semaphore_mem>>) src(%dma_wait3A_103 : memref<19200000xf32, #tpu.memory_space<hbm>>) dst(%arg9 : memref<24960xf32, #tpu.memory_space<vmem>>)
    %mul3A_104 = arith.constant 3 : i32
    %mul3A_105 = arith.muli %mul3A_101, %mul3A_104 : i32
    %dma_start3A_106 = tpu.memref_slice %arg4[%mul3A_105] : memref<4800000xf32, #tpu.memory_space<hbm>> -> memref<24960xf32, #tpu.memory_space<hbm>>
    %dma_start3A_107 = tpu.memref_slice %arg4[%mul3A_105] : memref<4800000xf32, #tpu.memory_space<hbm>> -> memref<24960xf32, #tpu.memory_space<hbm>>
    tpu.enqueue_dma source(%arg9 : memref<24960xf32, #tpu.memory_space<vmem>>) target(%dma_start3A_107 : memref<24960xf32, #tpu.memory_space<hbm>>) target_semaphore(%arg13 : memref<!tpu.dma_semaphore, #tpu.memory_space<semaphore_mem>>)
    %add3A_108 = arith.constant 325 : i32
    %add3A_109 = arith.addi %add3A_4, %add3A_108 : i32
    %mul3A_110 = arith.constant 128 : i32
    %mul3A_111 = arith.muli %add3A_109, %mul3A_110 : i32
    "tpu.region"() ({
      %run_scoped3A = tpu.sem_alloc : memref<!tpu.dma_semaphore, #tpu.memory_space<semaphore_mem>>
      %dma_start3A_148 = tpu.memref_slice %arg3[%mul3A_111] : memref<1600000xi32, #tpu.memory_space<hbm>> -> memref<8320xi32, #tpu.memory_space<hbm>>
      %dma_start3A_149 = tpu.memref_slice %arg3[%mul3A_111] : memref<1600000xi32, #tpu.memory_space<hbm>> -> memref<8320xi32, #tpu.memory_space<hbm>>
      tpu.enqueue_dma source(%dma_start3A_149 : memref<8320xi32, #tpu.memory_space<hbm>>) target(%arg5 : memref<8320xi32, #tpu.memory_space<vmem>>) target_semaphore(%run_scoped3A : memref<!tpu.dma_semaphore, #tpu.memory_space<semaphore_mem>>)
      %dma_wait3A_150 = tpu.memref_slice %arg3[%mul3A_111] : memref<1600000xi32, #tpu.memory_space<hbm>> -> memref<8320xi32, #tpu.memory_space<hbm>>
      %dma_wait3A_151 = tpu.memref_slice %arg3[%mul3A_111] : memref<1600000xi32, #tpu.memory_space<hbm>> -> memref<8320xi32, #tpu.memory_space<hbm>>
      tpu.wait_dma2 semaphore(%run_scoped3A : memref<!tpu.dma_semaphore, #tpu.memory_space<semaphore_mem>>) src(%dma_wait3A_151 : memref<8320xi32, #tpu.memory_space<hbm>>) dst(%arg5 : memref<8320xi32, #tpu.memory_space<vmem>>)
      tpu.yield
    }) : () -> ()
    %scan3A_112 = arith.constant 0 : i32
    %scan3A_113 = arith.constant 0 : i32
    %scan3A_114 = arith.constant 520 : i32
    %scan3A_115 = arith.addi %scan3A_113, %scan3A_114 : i32
    %scan3A_116 = arith.constant 4 : i32
    scf.for %scan3A_148 = %scan3A_113 to %scan3A_115 step %scan3A_116  : i32 {
      %mul3A_149 = arith.constant 16 : i32
      %mul3A_150 = arith.muli %scan3A_148, %mul3A_149 : i32
      %get3A = arith.index_cast %mul3A_150 : i32 to index
      %get3A_151 = tpu.vector_load %arg5[%get3A] {strides = array<i32>} : memref<8320xi32, #tpu.memory_space<vmem>>, vector<16xi32>,
      %get3A_152 = vector.shape_cast %get3A_151 : vector<16xi32> to vector<16xi32>
      %shift_right_arithmetic3A = arith.constant 7 : i32
      %shift_right_arithmetic3A_153 = vector.broadcast %shift_right_arithmetic3A : i32 to vector<16xi32>
      %shift_right_arithmetic3A_154 = arith.shrsi %get3A_152, %shift_right_arithmetic3A_153 : vector<16xi32>
      %mul3A_155 = arith.constant 384 : i32
      %mul3A_156 = vector.broadcast %mul3A_155 : i32 to vector<16xi32>
      %mul3A_157 = arith.muli %shift_right_arithmetic3A_154, %mul3A_156 : vector<16xi32>
      %and3A = arith.constant 127 : i32
      %and3A_158 = vector.broadcast %and3A : i32 to vector<16xi32>
      %and3A_159 = arith.andi %get3A_152, %and3A_158 : vector<16xi32>
      %add3A_160 = arith.addi %mul3A_157, %and3A_159 : vector<16xi32>
      %shift_right_arithmetic3A_161 = arith.constant 3 : i32
      %shift_right_arithmetic3A_162 = arith.shrsi %scan3A_148, %shift_right_arithmetic3A_161 : i32
      %and3A_163 = arith.constant 7 : i32
      %and3A_164 = arith.andi %scan3A_148, %and3A_163 : i32
      %mul3A_165 = arith.constant 384 : i32
      %mul3A_166 = arith.muli %shift_right_arithmetic3A_162, %mul3A_165 : i32
      %mul3A_167 = arith.constant 16 : i32
      %mul3A_168 = arith.muli %and3A_164, %mul3A_167 : i32
      %add3A_169 = arith.addi %mul3A_166, %mul3A_168 : i32
      %swap3A = arith.index_cast %add3A_169 : i32 to index
      %swap3A_170 = tpu.vector_load %arg7[%swap3A] {strides = array<i32>} : memref<24960xi32, #tpu.memory_space<vmem>>, vector<16xi32>,
      %swap3A_171 = vector.shape_cast %swap3A_170 : vector<16xi32> to vector<16xi32>
      %swap3A_172 = vector.shape_cast %add3A_160 : vector<16xi32> to vector<16xi32>
      tpu.vector_store %arg7[%swap3A], %swap3A_172 {strides = array<i32>} : memref<24960xi32, #tpu.memory_space<vmem>>, vector<16xi32>,
      %add3A_173 = arith.constant 128 : i32
      %add3A_174 = vector.broadcast %add3A_173 : i32 to vector<16xi32>
      %add3A_175 = arith.addi %add3A_160, %add3A_174 : vector<16xi32>
      %add3A_176 = arith.constant 128 : i32
      %add3A_177 = arith.addi %add3A_169, %add3A_176 : i32
      %swap3A_178 = arith.index_cast %add3A_177 : i32 to index
      %swap3A_179 = tpu.vector_load %arg7[%swap3A_178] {strides = array<i32>} : memref<24960xi32, #tpu.memory_space<vmem>>, vector<16xi32>,
      %swap3A_180 = vector.shape_cast %swap3A_179 : vector<16xi32> to vector<16xi32>
      %swap3A_181 = vector.shape_cast %add3A_175 : vector<16xi32> to vector<16xi32>
      tpu.vector_store %arg7[%swap3A_178], %swap3A_181 {strides = array<i32>} : memref<24960xi32, #tpu.memory_space<vmem>>, vector<16xi32>,
      %add3A_182 = arith.constant 256 : i32
      %add3A_183 = vector.broadcast %add3A_182 : i32 to vector<16xi32>
      %add3A_184 = arith.addi %add3A_160, %add3A_183 : vector<16xi32>
      %add3A_185 = arith.constant 256 : i32
      %add3A_186 = arith.addi %add3A_169, %add3A_185 : i32
      %swap3A_187 = arith.index_cast %add3A_186 : i32 to index
      %swap3A_188 = tpu.vector_load %arg7[%swap3A_187] {strides = array<i32>} : memref<24960xi32, #tpu.memory_space<vmem>>, vector<16xi32>,
      %swap3A_189 = vector.shape_cast %swap3A_188 : vector<16xi32> to vector<16xi32>
      %swap3A_190 = vector.shape_cast %add3A_184 : vector<16xi32> to vector<16xi32>
      tpu.vector_store %arg7[%swap3A_187], %swap3A_190 {strides = array<i32>} : memref<24960xi32, #tpu.memory_space<vmem>>, vector<16xi32>,
      %scan3A_191 = arith.constant 1 : i32
      %scan3A_192 = arith.addi %scan3A_148, %scan3A_191 : i32
      %mul3A_193 = arith.constant 16 : i32
      %mul3A_194 = arith.muli %scan3A_192, %mul3A_193 : i32
      %get3A_195 = arith.index_cast %mul3A_194 : i32 to index
      %get3A_196 = tpu.vector_load %arg5[%get3A_195] {strides = array<i32>} : memref<8320xi32, #tpu.memory_space<vmem>>, vector<16xi32>,
      %get3A_197 = vector.shape_cast %get3A_196 : vector<16xi32> to vector<16xi32>
      %shift_right_arithmetic3A_198 = arith.constant 7 : i32
      %shift_right_arithmetic3A_199 = vector.broadcast %shift_right_arithmetic3A_198 : i32 to vector<16xi32>
      %shift_right_arithmetic3A_200 = arith.shrsi %get3A_197, %shift_right_arithmetic3A_199 : vector<16xi32>
      %mul3A_201 = arith.constant 384 : i32
      %mul3A_202 = vector.broadcast %mul3A_201 : i32 to vector<16xi32>
      %mul3A_203 = arith.muli %shift_right_arithmetic3A_200, %mul3A_202 : vector<16xi32>
      %and3A_204 = arith.constant 127 : i32
      %and3A_205 = vector.broadcast %and3A_204 : i32 to vector<16xi32>
      %and3A_206 = arith.andi %get3A_197, %and3A_205 : vector<16xi32>
      %add3A_207 = arith.addi %mul3A_203, %and3A_206 : vector<16xi32>
      %shift_right_arithmetic3A_208 = arith.constant 3 : i32
      %shift_right_arithmetic3A_209 = arith.shrsi %scan3A_192, %shift_right_arithmetic3A_208 : i32
      %and3A_210 = arith.constant 7 : i32
      %and3A_211 = arith.andi %scan3A_192, %and3A_210 : i32
      %mul3A_212 = arith.constant 384 : i32
      %mul3A_213 = arith.muli %shift_right_arithmetic3A_209, %mul3A_212 : i32
      %mul3A_214 = arith.constant 16 : i32
      %mul3A_215 = arith.muli %and3A_211, %mul3A_214 : i32
      %add3A_216 = arith.addi %mul3A_213, %mul3A_215 : i32
      %swap3A_217 = arith.index_cast %add3A_216 : i32 to index
      %swap3A_218 = tpu.vector_load %arg7[%swap3A_217] {strides = array<i32>} : memref<24960xi32, #tpu.memory_space<vmem>>, vector<16xi32>,
      %swap3A_219 = vector.shape_cast %swap3A_218 : vector<16xi32> to vector<16xi32>
      %swap3A_220 = vector.shape_cast %add3A_207 : vector<16xi32> to vector<16xi32>
      tpu.vector_store %arg7[%swap3A_217], %swap3A_220 {strides = array<i32>} : memref<24960xi32, #tpu.memory_space<vmem>>, vector<16xi32>,
      %add3A_221 = arith.constant 128 : i32
      %add3A_222 = vector.broadcast %add3A_221 : i32 to vector<16xi32>
      %add3A_223 = arith.addi %add3A_207, %add3A_222 : vector<16xi32>
      %add3A_224 = arith.constant 128 : i32
      %add3A_225 = arith.addi %add3A_216, %add3A_224 : i32
      %swap3A_226 = arith.index_cast %add3A_225 : i32 to index
      %swap3A_227 = tpu.vector_load %arg7[%swap3A_226] {strides = array<i32>} : memref<24960xi32, #tpu.memory_space<vmem>>, vector<16xi32>,
      %swap3A_228 = vector.shape_cast %swap3A_227 : vector<16xi32> to vector<16xi32>
      %swap3A_229 = vector.shape_cast %add3A_223 : vector<16xi32> to vector<16xi32>
      tpu.vector_store %arg7[%swap3A_226], %swap3A_229 {strides = array<i32>} : memref<24960xi32, #tpu.memory_space<vmem>>, vector<16xi32>,
      %add3A_230 = arith.constant 256 : i32
      %add3A_231 = vector.broadcast %add3A_230 : i32 to vector<16xi32>
      %add3A_232 = arith.addi %add3A_207, %add3A_231 : vector<16xi32>
      %add3A_233 = arith.constant 256 : i32
      %add3A_234 = arith.addi %add3A_216, %add3A_233 : i32
      %swap3A_235 = arith.index_cast %add3A_234 : i32 to index
      %swap3A_236 = tpu.vector_load %arg7[%swap3A_235] {strides = array<i32>} : memref<24960xi32, #tpu.memory_space<vmem>>, vector<16xi32>,
      %swap3A_237 = vector.shape_cast %swap3A_236 : vector<16xi32> to vector<16xi32>
      %swap3A_238 = vector.shape_cast %add3A_232 : vector<16xi32> to vector<16xi32>
      tpu.vector_store %arg7[%swap3A_235], %swap3A_238 {strides = array<i32>} : memref<24960xi32, #tpu.memory_space<vmem>>, vector<16xi32>,
      %scan3A_239 = arith.constant 2 : i32
      %scan3A_240 = arith.addi %scan3A_148, %scan3A_239 : i32
      %mul3A_241 = arith.constant 16 : i32
      %mul3A_242 = arith.muli %scan3A_240, %mul3A_241 : i32
      %get3A_243 = arith.index_cast %mul3A_242 : i32 to index
      %get3A_244 = tpu.vector_load %arg5[%get3A_243] {strides = array<i32>} : memref<8320xi32, #tpu.memory_space<vmem>>, vector<16xi32>,
      %get3A_245 = vector.shape_cast %get3A_244 : vector<16xi32> to vector<16xi32>
      %shift_right_arithmetic3A_246 = arith.constant 7 : i32
      %shift_right_arithmetic3A_247 = vector.broadcast %shift_right_arithmetic3A_246 : i32 to vector<16xi32>
      %shift_right_arithmetic3A_248 = arith.shrsi %get3A_245, %shift_right_arithmetic3A_247 : vector<16xi32>
      %mul3A_249 = arith.constant 384 : i32
      %mul3A_250 = vector.broadcast %mul3A_249 : i32 to vector<16xi32>
      %mul3A_251 = arith.muli %shift_right_arithmetic3A_248, %mul3A_250 : vector<16xi32>
      %and3A_252 = arith.constant 127 : i32
      %and3A_253 = vector.broadcast %and3A_252 : i32 to vector<16xi32>
      %and3A_254 = arith.andi %get3A_245, %and3A_253 : vector<16xi32>
      %add3A_255 = arith.addi %mul3A_251, %and3A_254 : vector<16xi32>
      %shift_right_arithmetic3A_256 = arith.constant 3 : i32
      %shift_right_arithmetic3A_257 = arith.shrsi %scan3A_240, %shift_right_arithmetic3A_256 : i32
      %and3A_258 = arith.constant 7 : i32
      %and3A_259 = arith.andi %scan3A_240, %and3A_258 : i32
      %mul3A_260 = arith.constant 384 : i32
      %mul3A_261 = arith.muli %shift_right_arithmetic3A_257, %mul3A_260 : i32
      %mul3A_262 = arith.constant 16 : i32
      %mul3A_263 = arith.muli %and3A_259, %mul3A_262 : i32
      %add3A_264 = arith.addi %mul3A_261, %mul3A_263 : i32
      %swap3A_265 = arith.index_cast %add3A_264 : i32 to index
      %swap3A_266 = tpu.vector_load %arg7[%swap3A_265] {strides = array<i32>} : memref<24960xi32, #tpu.memory_space<vmem>>, vector<16xi32>,
      %swap3A_267 = vector.shape_cast %swap3A_266 : vector<16xi32> to vector<16xi32>
      %swap3A_268 = vector.shape_cast %add3A_255 : vector<16xi32> to vector<16xi32>
      tpu.vector_store %arg7[%swap3A_265], %swap3A_268 {strides = array<i32>} : memref<24960xi32, #tpu.memory_space<vmem>>, vector<16xi32>,
      %add3A_269 = arith.constant 128 : i32
      %add3A_270 = vector.broadcast %add3A_269 : i32 to vector<16xi32>
      %add3A_271 = arith.addi %add3A_255, %add3A_270 : vector<16xi32>
      %add3A_272 = arith.constant 128 : i32
      %add3A_273 = arith.addi %add3A_264, %add3A_272 : i32
      %swap3A_274 = arith.index_cast %add3A_273 : i32 to index
      %swap3A_275 = tpu.vector_load %arg7[%swap3A_274] {strides = array<i32>} : memref<24960xi32, #tpu.memory_space<vmem>>, vector<16xi32>,
      %swap3A_276 = vector.shape_cast %swap3A_275 : vector<16xi32> to vector<16xi32>
      %swap3A_277 = vector.shape_cast %add3A_271 : vector<16xi32> to vector<16xi32>
      tpu.vector_store %arg7[%swap3A_274], %swap3A_277 {strides = array<i32>} : memref<24960xi32, #tpu.memory_space<vmem>>, vector<16xi32>,
      %add3A_278 = arith.constant 256 : i32
      %add3A_279 = vector.broadcast %add3A_278 : i32 to vector<16xi32>
      %add3A_280 = arith.addi %add3A_255, %add3A_279 : vector<16xi32>
      %add3A_281 = arith.constant 256 : i32
      %add3A_282 = arith.addi %add3A_264, %add3A_281 : i32
      %swap3A_283 = arith.index_cast %add3A_282 : i32 to index
      %swap3A_284 = tpu.vector_load %arg7[%swap3A_283] {strides = array<i32>} : memref<24960xi32, #tpu.memory_space<vmem>>, vector<16xi32>,
      %swap3A_285 = vector.shape_cast %swap3A_284 : vector<16xi32> to vector<16xi32>
      %swap3A_286 = vector.shape_cast %add3A_280 : vector<16xi32> to vector<16xi32>
      tpu.vector_store %arg7[%swap3A_283], %swap3A_286 {strides = array<i32>} : memref<24960xi32, #tpu.memory_space<vmem>>, vector<16xi32>,
      %scan3A_287 = arith.constant 3 : i32
      %scan3A_288 = arith.addi %scan3A_148, %scan3A_287 : i32
      %mul3A_289 = arith.constant 16 : i32
      %mul3A_290 = arith.muli %scan3A_288, %mul3A_289 : i32
      %get3A_291 = arith.index_cast %mul3A_290 : i32 to index
      %get3A_292 = tpu.vector_load %arg5[%get3A_291] {strides = array<i32>} : memref<8320xi32, #tpu.memory_space<vmem>>, vector<16xi32>,
      %get3A_293 = vector.shape_cast %get3A_292 : vector<16xi32> to vector<16xi32>
      %shift_right_arithmetic3A_294 = arith.constant 7 : i32
      %shift_right_arithmetic3A_295 = vector.broadcast %shift_right_arithmetic3A_294 : i32 to vector<16xi32>
      %shift_right_arithmetic3A_296 = arith.shrsi %get3A_293, %shift_right_arithmetic3A_295 : vector<16xi32>
      %mul3A_297 = arith.constant 384 : i32
      %mul3A_298 = vector.broadcast %mul3A_297 : i32 to vector<16xi32>
      %mul3A_299 = arith.muli %shift_right_arithmetic3A_296, %mul3A_298 : vector<16xi32>
      %and3A_300 = arith.constant 127 : i32
      %and3A_301 = vector.broadcast %and3A_300 : i32 to vector<16xi32>
      %and3A_302 = arith.andi %get3A_293, %and3A_301 : vector<16xi32>
      %add3A_303 = arith.addi %mul3A_299, %and3A_302 : vector<16xi32>
      %shift_right_arithmetic3A_304 = arith.constant 3 : i32
      %shift_right_arithmetic3A_305 = arith.shrsi %scan3A_288, %shift_right_arithmetic3A_304 : i32
      %and3A_306 = arith.constant 7 : i32
      %and3A_307 = arith.andi %scan3A_288, %and3A_306 : i32
      %mul3A_308 = arith.constant 384 : i32
      %mul3A_309 = arith.muli %shift_right_arithmetic3A_305, %mul3A_308 : i32
      %mul3A_310 = arith.constant 16 : i32
      %mul3A_311 = arith.muli %and3A_307, %mul3A_310 : i32
      %add3A_312 = arith.addi %mul3A_309, %mul3A_311 : i32
      %swap3A_313 = arith.index_cast %add3A_312 : i32 to index
      %swap3A_314 = tpu.vector_load %arg7[%swap3A_313] {strides = array<i32>} : memref<24960xi32, #tpu.memory_space<vmem>>, vector<16xi32>,
      %swap3A_315 = vector.shape_cast %swap3A_314 : vector<16xi32> to vector<16xi32>
      %swap3A_316 = vector.shape_cast %add3A_303 : vector<16xi32> to vector<16xi32>
      tpu.vector_store %arg7[%swap3A_313], %swap3A_316 {strides = array<i32>} : memref<24960xi32, #tpu.memory_space<vmem>>, vector<16xi32>,
      %add3A_317 = arith.constant 128 : i32
      %add3A_318 = vector.broadcast %add3A_317 : i32 to vector<16xi32>
      %add3A_319 = arith.addi %add3A_303, %add3A_318 : vector<16xi32>
      %add3A_320 = arith.constant 128 : i32
      %add3A_321 = arith.addi %add3A_312, %add3A_320 : i32
      %swap3A_322 = arith.index_cast %add3A_321 : i32 to index
      %swap3A_323 = tpu.vector_load %arg7[%swap3A_322] {strides = array<i32>} : memref<24960xi32, #tpu.memory_space<vmem>>, vector<16xi32>,
      %swap3A_324 = vector.shape_cast %swap3A_323 : vector<16xi32> to vector<16xi32>
      %swap3A_325 = vector.shape_cast %add3A_319 : vector<16xi32> to vector<16xi32>
      tpu.vector_store %arg7[%swap3A_322], %swap3A_325 {strides = array<i32>} : memref<24960xi32, #tpu.memory_space<vmem>>, vector<16xi32>,
      %add3A_326 = arith.constant 256 : i32
      %add3A_327 = vector.broadcast %add3A_326 : i32 to vector<16xi32>
      %add3A_328 = arith.addi %add3A_303, %add3A_327 : vector<16xi32>
      %add3A_329 = arith.constant 256 : i32
      %add3A_330 = arith.addi %add3A_312, %add3A_329 : i32
      %swap3A_331 = arith.index_cast %add3A_330 : i32 to index
      %swap3A_332 = tpu.vector_load %arg7[%swap3A_331] {strides = array<i32>} : memref<24960xi32, #tpu.memory_space<vmem>>, vector<16xi32>,
      %swap3A_333 = vector.shape_cast %swap3A_332 : vector<16xi32> to vector<16xi32>
      %swap3A_334 = vector.shape_cast %add3A_328 : vector<16xi32> to vector<16xi32>
      tpu.vector_store %arg7[%swap3A_331], %swap3A_334 {strides = array<i32>} : memref<24960xi32, #tpu.memory_space<vmem>>, vector<16xi32>,
    }
    %scan3A_117 = arith.constant 520 : i32
    %dma_wait3A_118 = tpu.memref_slice %arg4[%mul3A_105] : memref<4800000xf32, #tpu.memory_space<hbm>> -> memref<24960xf32, #tpu.memory_space<hbm>>
    %dma_wait3A_119 = tpu.memref_slice %arg4[%mul3A_105] : memref<4800000xf32, #tpu.memory_space<hbm>> -> memref<24960xf32, #tpu.memory_space<hbm>>
    tpu.wait_dma2 semaphore(%arg13 : memref<!tpu.dma_semaphore, #tpu.memory_space<semaphore_mem>>) src(%arg9 : memref<24960xf32, #tpu.memory_space<vmem>>) dst(%dma_wait3A_119 : memref<24960xf32, #tpu.memory_space<hbm>>)
    %dma_start3A_120 = arith.constant 0 : i32
    %dma_start3A_121 = tpu.memref_slice %arg2[%dma_start3A_120] : memref<19200000xf32, #tpu.memory_space<hbm>> -> memref<19200000xf32, #tpu.memory_space<hbm>>
    tpu.enqueue_indirect_dma source(%dma_start3A_121 : memref<19200000xf32, #tpu.memory_space<hbm>>) target(%arg9 : memref<24960xf32, #tpu.memory_space<vmem>>) offsets(%arg7 : memref<24960xi32, #tpu.memory_space<vmem>>) semaphore(%arg11 : memref<!tpu.dma_semaphore, #tpu.memory_space<semaphore_mem>>)
    %add3A_122 = arith.constant 260 : i32
    %add3A_123 = arith.addi %add3A_4, %add3A_122 : i32
    %mul3A_124 = arith.constant 128 : i32
    %mul3A_125 = arith.muli %add3A_123, %mul3A_124 : i32
    %dma_wait3A_126 = arith.constant 0 : i32
    %dma_wait3A_127 = tpu.memref_slice %arg2[%dma_wait3A_126] : memref<19200000xf32, #tpu.memory_space<hbm>> -> memref<19200000xf32, #tpu.memory_space<hbm>>
    tpu.wait_indirect_dma semaphore(%arg10 : memref<!tpu.dma_semaphore, #tpu.memory_space<semaphore_mem>>) src(%dma_wait3A_127 : memref<19200000xf32, #tpu.memory_space<hbm>>) dst(%arg8 : memref<24960xf32, #tpu.memory_space<vmem>>)
    %mul3A_128 = arith.constant 3 : i32
    %mul3A_129 = arith.muli %mul3A_125, %mul3A_128 : i32
    %dma_start3A_130 = tpu.memref_slice %arg4[%mul3A_129] : memref<4800000xf32, #tpu.memory_space<hbm>> -> memref<24960xf32, #tpu.memory_space<hbm>>
    %dma_start3A_131 = tpu.memref_slice %arg4[%mul3A_129] : memref<4800000xf32, #tpu.memory_space<hbm>> -> memref<24960xf32, #tpu.memory_space<hbm>>
    tpu.enqueue_dma source(%arg8 : memref<24960xf32, #tpu.memory_space<vmem>>) target(%dma_start3A_131 : memref<24960xf32, #tpu.memory_space<hbm>>) target_semaphore(%arg12 : memref<!tpu.dma_semaphore, #tpu.memory_space<semaphore_mem>>)
    %dma_wait3A_132 = tpu.memref_slice %arg4[%mul3A_129] : memref<4800000xf32, #tpu.memory_space<hbm>> -> memref<24960xf32, #tpu.memory_space<hbm>>
    %dma_wait3A_133 = tpu.memref_slice %arg4[%mul3A_129] : memref<4800000xf32, #tpu.memory_space<hbm>> -> memref<24960xf32, #tpu.memory_space<hbm>>
    tpu.wait_dma2 semaphore(%arg12 : memref<!tpu.dma_semaphore, #tpu.memory_space<semaphore_mem>>) src(%arg8 : memref<24960xf32, #tpu.memory_space<vmem>>) dst(%dma_wait3A_133 : memref<24960xf32, #tpu.memory_space<hbm>>)
    %lt3A = arith.constant 20 : i32
    %lt3A_134 = arith.cmpi slt, %add3A, %lt3A : i32
    %convert_element_type3A = arith.extui %lt3A_134 : i1 to i32
    %cond3A = arith.constant 0 : i32
    %cond3A_135 = arith.cmpi ne, %convert_element_type3A, %cond3A : i32
    scf.if %cond3A_135 {
      %add3A_148 = arith.constant 390 : i32
      %add3A_149 = arith.addi %add3A_4, %add3A_148 : i32
      %mul3A_150 = arith.constant 128 : i32
      %mul3A_151 = arith.muli %add3A_149, %mul3A_150 : i32
      "tpu.region"() ({
        %run_scoped3A = tpu.sem_alloc : memref<!tpu.dma_semaphore, #tpu.memory_space<semaphore_mem>>
        %dma_start3A_172 = arith.constant 0 : i32
        %dma_start3A_173 = tpu.memref_slice %arg5[%dma_start3A_172] : memref<8320xi32, #tpu.memory_space<vmem>> -> memref<128xi32, #tpu.memory_space<vmem>>
        %dma_start3A_174 = tpu.memref_slice %arg3[%mul3A_151] : memref<1600000xi32, #tpu.memory_space<hbm>> -> memref<128xi32, #tpu.memory_space<hbm>>
        %dma_start3A_175 = arith.constant 0 : i32
        %dma_start3A_176 = tpu.memref_slice %arg5[%dma_start3A_175] : memref<8320xi32, #tpu.memory_space<vmem>> -> memref<128xi32, #tpu.memory_space<vmem>>
        %dma_start3A_177 = tpu.memref_slice %arg3[%mul3A_151] : memref<1600000xi32, #tpu.memory_space<hbm>> -> memref<128xi32, #tpu.memory_space<hbm>>
        tpu.enqueue_dma source(%dma_start3A_177 : memref<128xi32, #tpu.memory_space<hbm>>) target(%dma_start3A_176 : memref<128xi32, #tpu.memory_space<vmem>>) target_semaphore(%run_scoped3A : memref<!tpu.dma_semaphore, #tpu.memory_space<semaphore_mem>>)
        %dma_wait3A_178 = arith.constant 0 : i32
        %dma_wait3A_179 = tpu.memref_slice %arg5[%dma_wait3A_178] : memref<8320xi32, #tpu.memory_space<vmem>> -> memref<128xi32, #tpu.memory_space<vmem>>
        %dma_wait3A_180 = tpu.memref_slice %arg3[%mul3A_151] : memref<1600000xi32, #tpu.memory_space<hbm>> -> memref<128xi32, #tpu.memory_space<hbm>>
        %dma_wait3A_181 = arith.constant 0 : i32
        %dma_wait3A_182 = tpu.memref_slice %arg5[%dma_wait3A_181] : memref<8320xi32, #tpu.memory_space<vmem>> -> memref<128xi32, #tpu.memory_space<vmem>>
        %dma_wait3A_183 = tpu.memref_slice %arg3[%mul3A_151] : memref<1600000xi32, #tpu.memory_space<hbm>> -> memref<128xi32, #tpu.memory_space<hbm>>
        tpu.wait_dma2 semaphore(%run_scoped3A : memref<!tpu.dma_semaphore, #tpu.memory_space<semaphore_mem>>) src(%dma_wait3A_183 : memref<128xi32, #tpu.memory_space<hbm>>) dst(%dma_wait3A_182 : memref<128xi32, #tpu.memory_space<vmem>>)
        tpu.yield
      }) : () -> ()
      %scan3A_152 = arith.constant 0 : i32
      %scan3A_153 = arith.constant 0 : i32
      %scan3A_154 = arith.constant 8 : i32
      %scan3A_155 = arith.addi %scan3A_153, %scan3A_154 : i32
      %scan3A_156 = arith.constant 4 : i32
      scf.for %scan3A_172 = %scan3A_153 to %scan3A_155 step %scan3A_156  : i32 {
        %mul3A_173 = arith.constant 16 : i32
        %mul3A_174 = arith.muli %scan3A_172, %mul3A_173 : i32
        %get3A = arith.index_cast %mul3A_174 : i32 to index
        %get3A_175 = tpu.vector_load %arg5[%get3A] {strides = array<i32>} : memref<8320xi32, #tpu.memory_space<vmem>>, vector<16xi32>,
        %get3A_176 = vector.shape_cast %get3A_175 : vector<16xi32> to vector<16xi32>
        %shift_right_arithmetic3A = arith.constant 7 : i32
        %shift_right_arithmetic3A_177 = vector.broadcast %shift_right_arithmetic3A : i32 to vector<16xi32>
        %shift_right_arithmetic3A_178 = arith.shrsi %get3A_176, %shift_right_arithmetic3A_177 : vector<16xi32>
        %mul3A_179 = arith.constant 384 : i32
        %mul3A_180 = vector.broadcast %mul3A_179 : i32 to vector<16xi32>
        %mul3A_181 = arith.muli %shift_right_arithmetic3A_178, %mul3A_180 : vector<16xi32>
        %and3A = arith.constant 127 : i32
        %and3A_182 = vector.broadcast %and3A : i32 to vector<16xi32>
        %and3A_183 = arith.andi %get3A_176, %and3A_182 : vector<16xi32>
        %add3A_184 = arith.addi %mul3A_181, %and3A_183 : vector<16xi32>
        %shift_right_arithmetic3A_185 = arith.constant 3 : i32
        %shift_right_arithmetic3A_186 = arith.shrsi %scan3A_172, %shift_right_arithmetic3A_185 : i32
        %and3A_187 = arith.constant 7 : i32
        %and3A_188 = arith.andi %scan3A_172, %and3A_187 : i32
        %mul3A_189 = arith.constant 384 : i32
        %mul3A_190 = arith.muli %shift_right_arithmetic3A_186, %mul3A_189 : i32
        %mul3A_191 = arith.constant 16 : i32
        %mul3A_192 = arith.muli %and3A_188, %mul3A_191 : i32
        %add3A_193 = arith.addi %mul3A_190, %mul3A_192 : i32
        %swap3A = arith.index_cast %add3A_193 : i32 to index
        %swap3A_194 = tpu.vector_load %arg6[%swap3A] {strides = array<i32>} : memref<24960xi32, #tpu.memory_space<vmem>>, vector<16xi32>,
        %swap3A_195 = vector.shape_cast %swap3A_194 : vector<16xi32> to vector<16xi32>
        %swap3A_196 = vector.shape_cast %add3A_184 : vector<16xi32> to vector<16xi32>
        tpu.vector_store %arg6[%swap3A], %swap3A_196 {strides = array<i32>} : memref<24960xi32, #tpu.memory_space<vmem>>, vector<16xi32>,
        %add3A_197 = arith.constant 128 : i32
        %add3A_198 = vector.broadcast %add3A_197 : i32 to vector<16xi32>
        %add3A_199 = arith.addi %add3A_184, %add3A_198 : vector<16xi32>
        %add3A_200 = arith.constant 128 : i32
        %add3A_201 = arith.addi %add3A_193, %add3A_200 : i32
        %swap3A_202 = arith.index_cast %add3A_201 : i32 to index
        %swap3A_203 = tpu.vector_load %arg6[%swap3A_202] {strides = array<i32>} : memref<24960xi32, #tpu.memory_space<vmem>>, vector<16xi32>,
        %swap3A_204 = vector.shape_cast %swap3A_203 : vector<16xi32> to vector<16xi32>
        %swap3A_205 = vector.shape_cast %add3A_199 : vector<16xi32> to vector<16xi32>
        tpu.vector_store %arg6[%swap3A_202], %swap3A_205 {strides = array<i32>} : memref<24960xi32, #tpu.memory_space<vmem>>, vector<16xi32>,
        %add3A_206 = arith.constant 256 : i32
        %add3A_207 = vector.broadcast %add3A_206 : i32 to vector<16xi32>
        %add3A_208 = arith.addi %add3A_184, %add3A_207 : vector<16xi32>
        %add3A_209 = arith.constant 256 : i32
        %add3A_210 = arith.addi %add3A_193, %add3A_209 : i32
        %swap3A_211 = arith.index_cast %add3A_210 : i32 to index
        %swap3A_212 = tpu.vector_load %arg6[%swap3A_211] {strides = array<i32>} : memref<24960xi32, #tpu.memory_space<vmem>>, vector<16xi32>,
        %swap3A_213 = vector.shape_cast %swap3A_212 : vector<16xi32> to vector<16xi32>
        %swap3A_214 = vector.shape_cast %add3A_208 : vector<16xi32> to vector<16xi32>
        tpu.vector_store %arg6[%swap3A_211], %swap3A_214 {strides = array<i32>} : memref<24960xi32, #tpu.memory_space<vmem>>, vector<16xi32>,
        %scan3A_215 = arith.constant 1 : i32
        %scan3A_216 = arith.addi %scan3A_172, %scan3A_215 : i32
        %mul3A_217 = arith.constant 16 : i32
        %mul3A_218 = arith.muli %scan3A_216, %mul3A_217 : i32
        %get3A_219 = arith.index_cast %mul3A_218 : i32 to index
        %get3A_220 = tpu.vector_load %arg5[%get3A_219] {strides = array<i32>} : memref<8320xi32, #tpu.memory_space<vmem>>, vector<16xi32>,
        %get3A_221 = vector.shape_cast %get3A_220 : vector<16xi32> to vector<16xi32>
        %shift_right_arithmetic3A_222 = arith.constant 7 : i32
        %shift_right_arithmetic3A_223 = vector.broadcast %shift_right_arithmetic3A_222 : i32 to vector<16xi32>
        %shift_right_arithmetic3A_224 = arith.shrsi %get3A_221, %shift_right_arithmetic3A_223 : vector<16xi32>
        %mul3A_225 = arith.constant 384 : i32
        %mul3A_226 = vector.broadcast %mul3A_225 : i32 to vector<16xi32>
        %mul3A_227 = arith.muli %shift_right_arithmetic3A_224, %mul3A_226 : vector<16xi32>
        %and3A_228 = arith.constant 127 : i32
        %and3A_229 = vector.broadcast %and3A_228 : i32 to vector<16xi32>
        %and3A_230 = arith.andi %get3A_221, %and3A_229 : vector<16xi32>
        %add3A_231 = arith.addi %mul3A_227, %and3A_230 : vector<16xi32>
        %shift_right_arithmetic3A_232 = arith.constant 3 : i32
        %shift_right_arithmetic3A_233 = arith.shrsi %scan3A_216, %shift_right_arithmetic3A_232 : i32
        %and3A_234 = arith.constant 7 : i32
        %and3A_235 = arith.andi %scan3A_216, %and3A_234 : i32
        %mul3A_236 = arith.constant 384 : i32
        %mul3A_237 = arith.muli %shift_right_arithmetic3A_233, %mul3A_236 : i32
        %mul3A_238 = arith.constant 16 : i32
        %mul3A_239 = arith.muli %and3A_235, %mul3A_238 : i32
        %add3A_240 = arith.addi %mul3A_237, %mul3A_239 : i32
        %swap3A_241 = arith.index_cast %add3A_240 : i32 to index
        %swap3A_242 = tpu.vector_load %arg6[%swap3A_241] {strides = array<i32>} : memref<24960xi32, #tpu.memory_space<vmem>>, vector<16xi32>,
        %swap3A_243 = vector.shape_cast %swap3A_242 : vector<16xi32> to vector<16xi32>
        %swap3A_244 = vector.shape_cast %add3A_231 : vector<16xi32> to vector<16xi32>
        tpu.vector_store %arg6[%swap3A_241], %swap3A_244 {strides = array<i32>} : memref<24960xi32, #tpu.memory_space<vmem>>, vector<16xi32>,
        %add3A_245 = arith.constant 128 : i32
        %add3A_246 = vector.broadcast %add3A_245 : i32 to vector<16xi32>
        %add3A_247 = arith.addi %add3A_231, %add3A_246 : vector<16xi32>
        %add3A_248 = arith.constant 128 : i32
        %add3A_249 = arith.addi %add3A_240, %add3A_248 : i32
        %swap3A_250 = arith.index_cast %add3A_249 : i32 to index
        %swap3A_251 = tpu.vector_load %arg6[%swap3A_250] {strides = array<i32>} : memref<24960xi32, #tpu.memory_space<vmem>>, vector<16xi32>,
        %swap3A_252 = vector.shape_cast %swap3A_251 : vector<16xi32> to vector<16xi32>
        %swap3A_253 = vector.shape_cast %add3A_247 : vector<16xi32> to vector<16xi32>
        tpu.vector_store %arg6[%swap3A_250], %swap3A_253 {strides = array<i32>} : memref<24960xi32, #tpu.memory_space<vmem>>, vector<16xi32>,
        %add3A_254 = arith.constant 256 : i32
        %add3A_255 = vector.broadcast %add3A_254 : i32 to vector<16xi32>
        %add3A_256 = arith.addi %add3A_231, %add3A_255 : vector<16xi32>
        %add3A_257 = arith.constant 256 : i32
        %add3A_258 = arith.addi %add3A_240, %add3A_257 : i32
        %swap3A_259 = arith.index_cast %add3A_258 : i32 to index
        %swap3A_260 = tpu.vector_load %arg6[%swap3A_259] {strides = array<i32>} : memref<24960xi32, #tpu.memory_space<vmem>>, vector<16xi32>,
        %swap3A_261 = vector.shape_cast %swap3A_260 : vector<16xi32> to vector<16xi32>
        %swap3A_262 = vector.shape_cast %add3A_256 : vector<16xi32> to vector<16xi32>
        tpu.vector_store %arg6[%swap3A_259], %swap3A_262 {strides = array<i32>} : memref<24960xi32, #tpu.memory_space<vmem>>, vector<16xi32>,
        %scan3A_263 = arith.constant 2 : i32
        %scan3A_264 = arith.addi %scan3A_172, %scan3A_263 : i32
        %mul3A_265 = arith.constant 16 : i32
        %mul3A_266 = arith.muli %scan3A_264, %mul3A_265 : i32
        %get3A_267 = arith.index_cast %mul3A_266 : i32 to index
        %get3A_268 = tpu.vector_load %arg5[%get3A_267] {strides = array<i32>} : memref<8320xi32, #tpu.memory_space<vmem>>, vector<16xi32>,
        %get3A_269 = vector.shape_cast %get3A_268 : vector<16xi32> to vector<16xi32>
        %shift_right_arithmetic3A_270 = arith.constant 7 : i32
        %shift_right_arithmetic3A_271 = vector.broadcast %shift_right_arithmetic3A_270 : i32 to vector<16xi32>
        %shift_right_arithmetic3A_272 = arith.shrsi %get3A_269, %shift_right_arithmetic3A_271 : vector<16xi32>
        %mul3A_273 = arith.constant 384 : i32
        %mul3A_274 = vector.broadcast %mul3A_273 : i32 to vector<16xi32>
        %mul3A_275 = arith.muli %shift_right_arithmetic3A_272, %mul3A_274 : vector<16xi32>
        %and3A_276 = arith.constant 127 : i32
        %and3A_277 = vector.broadcast %and3A_276 : i32 to vector<16xi32>
        %and3A_278 = arith.andi %get3A_269, %and3A_277 : vector<16xi32>
        %add3A_279 = arith.addi %mul3A_275, %and3A_278 : vector<16xi32>
        %shift_right_arithmetic3A_280 = arith.constant 3 : i32
        %shift_right_arithmetic3A_281 = arith.shrsi %scan3A_264, %shift_right_arithmetic3A_280 : i32
        %and3A_282 = arith.constant 7 : i32
        %and3A_283 = arith.andi %scan3A_264, %and3A_282 : i32
        %mul3A_284 = arith.constant 384 : i32
        %mul3A_285 = arith.muli %shift_right_arithmetic3A_281, %mul3A_284 : i32
        %mul3A_286 = arith.constant 16 : i32
        %mul3A_287 = arith.muli %and3A_283, %mul3A_286 : i32
        %add3A_288 = arith.addi %mul3A_285, %mul3A_287 : i32
        %swap3A_289 = arith.index_cast %add3A_288 : i32 to index
        %swap3A_290 = tpu.vector_load %arg6[%swap3A_289] {strides = array<i32>} : memref<24960xi32, #tpu.memory_space<vmem>>, vector<16xi32>,
        %swap3A_291 = vector.shape_cast %swap3A_290 : vector<16xi32> to vector<16xi32>
        %swap3A_292 = vector.shape_cast %add3A_279 : vector<16xi32> to vector<16xi32>
        tpu.vector_store %arg6[%swap3A_289], %swap3A_292 {strides = array<i32>} : memref<24960xi32, #tpu.memory_space<vmem>>, vector<16xi32>,
        %add3A_293 = arith.constant 128 : i32
        %add3A_294 = vector.broadcast %add3A_293 : i32 to vector<16xi32>
        %add3A_295 = arith.addi %add3A_279, %add3A_294 : vector<16xi32>
        %add3A_296 = arith.constant 128 : i32
        %add3A_297 = arith.addi %add3A_288, %add3A_296 : i32
        %swap3A_298 = arith.index_cast %add3A_297 : i32 to index
        %swap3A_299 = tpu.vector_load %arg6[%swap3A_298] {strides = array<i32>} : memref<24960xi32, #tpu.memory_space<vmem>>, vector<16xi32>,
        %swap3A_300 = vector.shape_cast %swap3A_299 : vector<16xi32> to vector<16xi32>
        %swap3A_301 = vector.shape_cast %add3A_295 : vector<16xi32> to vector<16xi32>
        tpu.vector_store %arg6[%swap3A_298], %swap3A_301 {strides = array<i32>} : memref<24960xi32, #tpu.memory_space<vmem>>, vector<16xi32>,
        %add3A_302 = arith.constant 256 : i32
        %add3A_303 = vector.broadcast %add3A_302 : i32 to vector<16xi32>
        %add3A_304 = arith.addi %add3A_279, %add3A_303 : vector<16xi32>
        %add3A_305 = arith.constant 256 : i32
        %add3A_306 = arith.addi %add3A_288, %add3A_305 : i32
        %swap3A_307 = arith.index_cast %add3A_306 : i32 to index
        %swap3A_308 = tpu.vector_load %arg6[%swap3A_307] {strides = array<i32>} : memref<24960xi32, #tpu.memory_space<vmem>>, vector<16xi32>,
        %swap3A_309 = vector.shape_cast %swap3A_308 : vector<16xi32> to vector<16xi32>
        %swap3A_310 = vector.shape_cast %add3A_304 : vector<16xi32> to vector<16xi32>
        tpu.vector_store %arg6[%swap3A_307], %swap3A_310 {strides = array<i32>} : memref<24960xi32, #tpu.memory_space<vmem>>, vector<16xi32>,
        %scan3A_311 = arith.constant 3 : i32
        %scan3A_312 = arith.addi %scan3A_172, %scan3A_311 : i32
        %mul3A_313 = arith.constant 16 : i32
        %mul3A_314 = arith.muli %scan3A_312, %mul3A_313 : i32
        %get3A_315 = arith.index_cast %mul3A_314 : i32 to index
        %get3A_316 = tpu.vector_load %arg5[%get3A_315] {strides = array<i32>} : memref<8320xi32, #tpu.memory_space<vmem>>, vector<16xi32>,
        %get3A_317 = vector.shape_cast %get3A_316 : vector<16xi32> to vector<16xi32>
        %shift_right_arithmetic3A_318 = arith.constant 7 : i32
        %shift_right_arithmetic3A_319 = vector.broadcast %shift_right_arithmetic3A_318 : i32 to vector<16xi32>
        %shift_right_arithmetic3A_320 = arith.shrsi %get3A_317, %shift_right_arithmetic3A_319 : vector<16xi32>
        %mul3A_321 = arith.constant 384 : i32
        %mul3A_322 = vector.broadcast %mul3A_321 : i32 to vector<16xi32>
        %mul3A_323 = arith.muli %shift_right_arithmetic3A_320, %mul3A_322 : vector<16xi32>
        %and3A_324 = arith.constant 127 : i32
        %and3A_325 = vector.broadcast %and3A_324 : i32 to vector<16xi32>
        %and3A_326 = arith.andi %get3A_317, %and3A_325 : vector<16xi32>
        %add3A_327 = arith.addi %mul3A_323, %and3A_326 : vector<16xi32>
        %shift_right_arithmetic3A_328 = arith.constant 3 : i32
        %shift_right_arithmetic3A_329 = arith.shrsi %scan3A_312, %shift_right_arithmetic3A_328 : i32
        %and3A_330 = arith.constant 7 : i32
        %and3A_331 = arith.andi %scan3A_312, %and3A_330 : i32
        %mul3A_332 = arith.constant 384 : i32
        %mul3A_333 = arith.muli %shift_right_arithmetic3A_329, %mul3A_332 : i32
        %mul3A_334 = arith.constant 16 : i32
        %mul3A_335 = arith.muli %and3A_331, %mul3A_334 : i32
        %add3A_336 = arith.addi %mul3A_333, %mul3A_335 : i32
        %swap3A_337 = arith.index_cast %add3A_336 : i32 to index
        %swap3A_338 = tpu.vector_load %arg6[%swap3A_337] {strides = array<i32>} : memref<24960xi32, #tpu.memory_space<vmem>>, vector<16xi32>,
        %swap3A_339 = vector.shape_cast %swap3A_338 : vector<16xi32> to vector<16xi32>
        %swap3A_340 = vector.shape_cast %add3A_327 : vector<16xi32> to vector<16xi32>
        tpu.vector_store %arg6[%swap3A_337], %swap3A_340 {strides = array<i32>} : memref<24960xi32, #tpu.memory_space<vmem>>, vector<16xi32>,
        %add3A_341 = arith.constant 128 : i32
        %add3A_342 = vector.broadcast %add3A_341 : i32 to vector<16xi32>
        %add3A_343 = arith.addi %add3A_327, %add3A_342 : vector<16xi32>
        %add3A_344 = arith.constant 128 : i32
        %add3A_345 = arith.addi %add3A_336, %add3A_344 : i32
        %swap3A_346 = arith.index_cast %add3A_345 : i32 to index
        %swap3A_347 = tpu.vector_load %arg6[%swap3A_346] {strides = array<i32>} : memref<24960xi32, #tpu.memory_space<vmem>>, vector<16xi32>,
        %swap3A_348 = vector.shape_cast %swap3A_347 : vector<16xi32> to vector<16xi32>
        %swap3A_349 = vector.shape_cast %add3A_343 : vector<16xi32> to vector<16xi32>
        tpu.vector_store %arg6[%swap3A_346], %swap3A_349 {strides = array<i32>} : memref<24960xi32, #tpu.memory_space<vmem>>, vector<16xi32>,
        %add3A_350 = arith.constant 256 : i32
        %add3A_351 = vector.broadcast %add3A_350 : i32 to vector<16xi32>
        %add3A_352 = arith.addi %add3A_327, %add3A_351 : vector<16xi32>
        %add3A_353 = arith.constant 256 : i32
        %add3A_354 = arith.addi %add3A_336, %add3A_353 : i32
        %swap3A_355 = arith.index_cast %add3A_354 : i32 to index
        %swap3A_356 = tpu.vector_load %arg6[%swap3A_355] {strides = array<i32>} : memref<24960xi32, #tpu.memory_space<vmem>>, vector<16xi32>,
        %swap3A_357 = vector.shape_cast %swap3A_356 : vector<16xi32> to vector<16xi32>
        %swap3A_358 = vector.shape_cast %add3A_352 : vector<16xi32> to vector<16xi32>
        tpu.vector_store %arg6[%swap3A_355], %swap3A_358 {strides = array<i32>} : memref<24960xi32, #tpu.memory_space<vmem>>, vector<16xi32>,
      }
      %scan3A_157 = arith.constant 8 : i32
      %dma_start3A_158 = arith.constant 0 : i32
      %dma_start3A_159 = tpu.memref_slice %arg8[%dma_start3A_158] : memref<24960xf32, #tpu.memory_space<vmem>> -> memref<384xf32, #tpu.memory_space<vmem>>
      %dma_start3A_160 = arith.constant 0 : i32
      %dma_start3A_161 = tpu.memref_slice %arg6[%dma_start3A_160] : memref<24960xi32, #tpu.memory_space<vmem>> -> memref<384xi32, #tpu.memory_space<vmem>>
      %dma_start3A_162 = arith.constant 0 : i32
      %dma_start3A_163 = tpu.memref_slice %arg2[%dma_start3A_162] : memref<19200000xf32, #tpu.memory_space<hbm>> -> memref<19200000xf32, #tpu.memory_space<hbm>>
      tpu.enqueue_indirect_dma source(%dma_start3A_163 : memref<19200000xf32, #tpu.memory_space<hbm>>) target(%dma_start3A_159 : memref<384xf32, #tpu.memory_space<vmem>>) offsets(%dma_start3A_161 : memref<384xi32, #tpu.memory_space<vmem>>) semaphore(%arg10 : memref<!tpu.dma_semaphore, #tpu.memory_space<semaphore_mem>>)
      %dma_wait3A_164 = arith.constant 0 : i32
      %dma_wait3A_165 = tpu.memref_slice %arg8[%dma_wait3A_164] : memref<24960xf32, #tpu.memory_space<vmem>> -> memref<384xf32, #tpu.memory_space<vmem>>
      %dma_wait3A_166 = arith.constant 0 : i32
      %dma_wait3A_167 = tpu.memref_slice %arg6[%dma_wait3A_166] : memref<24960xi32, #tpu.memory_space<vmem>> -> memref<384xi32, #tpu.memory_space<vmem>>
      %dma_wait3A_168 = arith.constant 0 : i32
      %dma_wait3A_169 = tpu.memref_slice %arg2[%dma_wait3A_168] : memref<19200000xf32, #tpu.memory_space<hbm>> -> memref<19200000xf32, #tpu.memory_space<hbm>>
      tpu.wait_indirect_dma semaphore(%arg10 : memref<!tpu.dma_semaphore, #tpu.memory_space<semaphore_mem>>) src(%dma_wait3A_169 : memref<19200000xf32, #tpu.memory_space<hbm>>) dst(%dma_wait3A_165 : memref<384xf32, #tpu.memory_space<vmem>>)
      %mul3A_170 = arith.constant 3 : i32
      %mul3A_171 = arith.muli %mul3A_151, %mul3A_170 : i32
      "tpu.region"() ({
        %run_scoped3A = tpu.sem_alloc : memref<!tpu.dma_semaphore, #tpu.memory_space<semaphore_mem>>
        %dma_start3A_172 = arith.constant 0 : i32
        %dma_start3A_173 = tpu.memref_slice %arg8[%dma_start3A_172] : memref<24960xf32, #tpu.memory_space<vmem>> -> memref<384xf32, #tpu.memory_space<vmem>>
        %dma_start3A_174 = tpu.memref_slice %arg4[%mul3A_171] : memref<4800000xf32, #tpu.memory_space<hbm>> -> memref<384xf32, #tpu.memory_space<hbm>>
        %dma_start3A_175 = tpu.memref_slice %arg4[%mul3A_171] : memref<4800000xf32, #tpu.memory_space<hbm>> -> memref<384xf32, #tpu.memory_space<hbm>>
        %dma_start3A_176 = arith.constant 0 : i32
        %dma_start3A_177 = tpu.memref_slice %arg8[%dma_start3A_176] : memref<24960xf32, #tpu.memory_space<vmem>> -> memref<384xf32, #tpu.memory_space<vmem>>
        tpu.enqueue_dma source(%dma_start3A_177 : memref<384xf32, #tpu.memory_space<vmem>>) target(%dma_start3A_175 : memref<384xf32, #tpu.memory_space<hbm>>) target_semaphore(%run_scoped3A : memref<!tpu.dma_semaphore, #tpu.memory_space<semaphore_mem>>)
        %dma_wait3A_178 = arith.constant 0 : i32
        %dma_wait3A_179 = tpu.memref_slice %arg8[%dma_wait3A_178] : memref<24960xf32, #tpu.memory_space<vmem>> -> memref<384xf32, #tpu.memory_space<vmem>>
        %dma_wait3A_180 = tpu.memref_slice %arg4[%mul3A_171] : memref<4800000xf32, #tpu.memory_space<hbm>> -> memref<384xf32, #tpu.memory_space<hbm>>
        %dma_wait3A_181 = tpu.memref_slice %arg4[%mul3A_171] : memref<4800000xf32, #tpu.memory_space<hbm>> -> memref<384xf32, #tpu.memory_space<hbm>>
        %dma_wait3A_182 = arith.constant 0 : i32
        %dma_wait3A_183 = tpu.memref_slice %arg8[%dma_wait3A_182] : memref<24960xf32, #tpu.memory_space<vmem>> -> memref<384xf32, #tpu.memory_space<vmem>>
        tpu.wait_dma2 semaphore(%run_scoped3A : memref<!tpu.dma_semaphore, #tpu.memory_space<semaphore_mem>>) src(%dma_wait3A_183 : memref<384xf32, #tpu.memory_space<vmem>>) dst(%dma_wait3A_181 : memref<384xf32, #tpu.memory_space<hbm>>)
        tpu.yield
      }) : () -> ()
    } else {
    }
    %add3A_136 = arith.constant 325 : i32
    %add3A_137 = arith.addi %add3A_4, %add3A_136 : i32
    %mul3A_138 = arith.constant 128 : i32
    %mul3A_139 = arith.muli %add3A_137, %mul3A_138 : i32
    %dma_wait3A_140 = arith.constant 0 : i32
    %dma_wait3A_141 = tpu.memref_slice %arg2[%dma_wait3A_140] : memref<19200000xf32, #tpu.memory_space<hbm>> -> memref<19200000xf32, #tpu.memory_space<hbm>>
    tpu.wait_indirect_dma semaphore(%arg11 : memref<!tpu.dma_semaphore, #tpu.memory_space<semaphore_mem>>) src(%dma_wait3A_141 : memref<19200000xf32, #tpu.memory_space<hbm>>) dst(%arg9 : memref<24960xf32, #tpu.memory_space<vmem>>)
    %mul3A_142 = arith.constant 3 : i32
    %mul3A_143 = arith.muli %mul3A_139, %mul3A_142 : i32
    %dma_start3A_144 = tpu.memref_slice %arg4[%mul3A_143] : memref<4800000xf32, #tpu.memory_space<hbm>> -> memref<24960xf32, #tpu.memory_space<hbm>>
    %dma_start3A_145 = tpu.memref_slice %arg4[%mul3A_143] : memref<4800000xf32, #tpu.memory_space<hbm>> -> memref<24960xf32, #tpu.memory_space<hbm>>
    tpu.enqueue_dma source(%arg9 : memref<24960xf32, #tpu.memory_space<vmem>>) target(%dma_start3A_145 : memref<24960xf32, #tpu.memory_space<hbm>>) target_semaphore(%arg13 : memref<!tpu.dma_semaphore, #tpu.memory_space<semaphore_mem>>)
    %dma_wait3A_146 = tpu.memref_slice %arg4[%mul3A_143] : memref<4800000xf32, #tpu.memory_space<hbm>> -> memref<24960xf32, #tpu.memory_space<hbm>>
    %dma_wait3A_147 = tpu.memref_slice %arg4[%mul3A_143] : memref<4800000xf32, #tpu.memory_space<hbm>> -> memref<24960xf32, #tpu.memory_space<hbm>>
    tpu.wait_dma2 semaphore(%arg13 : memref<!tpu.dma_semaphore, #tpu.memory_space<semaphore_mem>>) src(%arg9 : memref<24960xf32, #tpu.memory_space<vmem>>) dst(%dma_wait3A_147 : memref<24960xf32, #tpu.memory_space<hbm>>)
    return
  }
}

#map = affine_map<(d0, d1) -> (0)>
module attributes {stable_mosaic.version = 14 : i64} {
  func.func @_dist_gather(%arg0: i32, %arg1: i32, %arg2: memref<6400000xf32, #tpu.memory_space<hbm>>, %arg3: memref<1600000xi32, #tpu.memory_space<hbm>>, %arg4: memref<1600000xf32, #tpu.memory_space<hbm>>, %arg5: memref<9984xi32, #tpu.memory_space<vmem>>, %arg6: memref<9984xi32, #tpu.memory_space<vmem>>, %arg7: memref<9984xf32, #tpu.memory_space<vmem>>, %arg8: memref<9984xf32, #tpu.memory_space<vmem>>, %arg9: memref<!tpu.dma_semaphore, #tpu.memory_space<semaphore_mem>>, %arg10: memref<!tpu.dma_semaphore, #tpu.memory_space<semaphore_mem>>, %arg11: memref<!tpu.dma_semaphore, #tpu.memory_space<semaphore_mem>>, %arg12: memref<!tpu.dma_semaphore, #tpu.memory_space<semaphore_mem>>) attributes {dimension_semantics = [#tpu.dimension_semantics<core_parallel>, #tpu.dimension_semantics<subcore_parallel>], iteration_bounds = array<i64: 2, 16>, scalar_prefetch = 0 : i64, scratch_operands = 8 : i64, tpu.core_type = #tpu.core_type<sc_vector_subcore>, window_params = [{transform_indices = #map}, {transform_indices = #map}, {transform_indices = #map}]} {
    %mul3A = arith.constant 2 : i32
    %mul3A_0 = arith.muli %arg1, %mul3A : i32
    %add3A = arith.addi %mul3A_0, %arg0 : i32
    %mul3A_1 = arith.constant 390 : i32
    %mul3A_2 = arith.muli %add3A, %mul3A_1 : i32
    %min3A = arith.constant 20 : i32
    %min3A_3 = arith.minsi %add3A, %min3A : i32
    %add3A_4 = arith.addi %mul3A_2, %min3A_3 : i32
    %add3A_5 = arith.constant 0 : i32
    %add3A_6 = arith.addi %add3A_4, %add3A_5 : i32
    %mul3A_7 = arith.constant 128 : i32
    %mul3A_8 = arith.muli %add3A_6, %mul3A_7 : i32
    "tpu.region"() ({
      %run_scoped3A = tpu.sem_alloc : memref<!tpu.dma_semaphore, #tpu.memory_space<semaphore_mem>>
      %dma_start3A_85 = tpu.memref_slice %arg3[%mul3A_8] : memref<1600000xi32, #tpu.memory_space<hbm>> -> memref<9984xi32, #tpu.memory_space<hbm>>
      %dma_start3A_86 = tpu.memref_slice %arg3[%mul3A_8] : memref<1600000xi32, #tpu.memory_space<hbm>> -> memref<9984xi32, #tpu.memory_space<hbm>>
      tpu.enqueue_dma source(%dma_start3A_86 : memref<9984xi32, #tpu.memory_space<hbm>>) target(%arg5 : memref<9984xi32, #tpu.memory_space<vmem>>) target_semaphore(%run_scoped3A : memref<!tpu.dma_semaphore, #tpu.memory_space<semaphore_mem>>)
      %dma_wait3A_87 = tpu.memref_slice %arg3[%mul3A_8] : memref<1600000xi32, #tpu.memory_space<hbm>> -> memref<9984xi32, #tpu.memory_space<hbm>>
      %dma_wait3A_88 = tpu.memref_slice %arg3[%mul3A_8] : memref<1600000xi32, #tpu.memory_space<hbm>> -> memref<9984xi32, #tpu.memory_space<hbm>>
      tpu.wait_dma2 semaphore(%run_scoped3A : memref<!tpu.dma_semaphore, #tpu.memory_space<semaphore_mem>>) src(%dma_wait3A_88 : memref<9984xi32, #tpu.memory_space<hbm>>) dst(%arg5 : memref<9984xi32, #tpu.memory_space<vmem>>)
      tpu.yield
    }) : () -> ()
    %dma_start3A = arith.constant 0 : i32
    %dma_start3A_9 = tpu.memref_slice %arg2[%dma_start3A] : memref<6400000xf32, #tpu.memory_space<hbm>> -> memref<6400000xf32, #tpu.memory_space<hbm>>
    tpu.enqueue_indirect_dma source(%dma_start3A_9 : memref<6400000xf32, #tpu.memory_space<hbm>>) target(%arg7 : memref<9984xf32, #tpu.memory_space<vmem>>) offsets(%arg5 : memref<9984xi32, #tpu.memory_space<vmem>>) semaphore(%arg9 : memref<!tpu.dma_semaphore, #tpu.memory_space<semaphore_mem>>)
    %add3A_10 = arith.constant 78 : i32
    %add3A_11 = arith.addi %add3A_4, %add3A_10 : i32
    %mul3A_12 = arith.constant 128 : i32
    %mul3A_13 = arith.muli %add3A_11, %mul3A_12 : i32
    "tpu.region"() ({
      %run_scoped3A = tpu.sem_alloc : memref<!tpu.dma_semaphore, #tpu.memory_space<semaphore_mem>>
      %dma_start3A_85 = tpu.memref_slice %arg3[%mul3A_13] : memref<1600000xi32, #tpu.memory_space<hbm>> -> memref<9984xi32, #tpu.memory_space<hbm>>
      %dma_start3A_86 = tpu.memref_slice %arg3[%mul3A_13] : memref<1600000xi32, #tpu.memory_space<hbm>> -> memref<9984xi32, #tpu.memory_space<hbm>>
      tpu.enqueue_dma source(%dma_start3A_86 : memref<9984xi32, #tpu.memory_space<hbm>>) target(%arg6 : memref<9984xi32, #tpu.memory_space<vmem>>) target_semaphore(%run_scoped3A : memref<!tpu.dma_semaphore, #tpu.memory_space<semaphore_mem>>)
      %dma_wait3A_87 = tpu.memref_slice %arg3[%mul3A_13] : memref<1600000xi32, #tpu.memory_space<hbm>> -> memref<9984xi32, #tpu.memory_space<hbm>>
      %dma_wait3A_88 = tpu.memref_slice %arg3[%mul3A_13] : memref<1600000xi32, #tpu.memory_space<hbm>> -> memref<9984xi32, #tpu.memory_space<hbm>>
      tpu.wait_dma2 semaphore(%run_scoped3A : memref<!tpu.dma_semaphore, #tpu.memory_space<semaphore_mem>>) src(%dma_wait3A_88 : memref<9984xi32, #tpu.memory_space<hbm>>) dst(%arg6 : memref<9984xi32, #tpu.memory_space<vmem>>)
      tpu.yield
    }) : () -> ()
    %dma_start3A_14 = arith.constant 0 : i32
    %dma_start3A_15 = tpu.memref_slice %arg2[%dma_start3A_14] : memref<6400000xf32, #tpu.memory_space<hbm>> -> memref<6400000xf32, #tpu.memory_space<hbm>>
    tpu.enqueue_indirect_dma source(%dma_start3A_15 : memref<6400000xf32, #tpu.memory_space<hbm>>) target(%arg8 : memref<9984xf32, #tpu.memory_space<vmem>>) offsets(%arg6 : memref<9984xi32, #tpu.memory_space<vmem>>) semaphore(%arg10 : memref<!tpu.dma_semaphore, #tpu.memory_space<semaphore_mem>>)
    %dma_wait3A = arith.constant 0 : i32
    %dma_wait3A_16 = tpu.memref_slice %arg2[%dma_wait3A] : memref<6400000xf32, #tpu.memory_space<hbm>> -> memref<6400000xf32, #tpu.memory_space<hbm>>
    tpu.wait_indirect_dma semaphore(%arg9 : memref<!tpu.dma_semaphore, #tpu.memory_space<semaphore_mem>>) src(%dma_wait3A_16 : memref<6400000xf32, #tpu.memory_space<hbm>>) dst(%arg7 : memref<9984xf32, #tpu.memory_space<vmem>>)
    %add3A_17 = arith.constant 0 : i32
    %add3A_18 = arith.addi %add3A_4, %add3A_17 : i32
    %mul3A_19 = arith.constant 128 : i32
    %mul3A_20 = arith.muli %add3A_18, %mul3A_19 : i32
    %dma_start3A_21 = tpu.memref_slice %arg4[%mul3A_20] : memref<1600000xf32, #tpu.memory_space<hbm>> -> memref<9984xf32, #tpu.memory_space<hbm>>
    %dma_start3A_22 = tpu.memref_slice %arg4[%mul3A_20] : memref<1600000xf32, #tpu.memory_space<hbm>> -> memref<9984xf32, #tpu.memory_space<hbm>>
    tpu.enqueue_dma source(%arg7 : memref<9984xf32, #tpu.memory_space<vmem>>) target(%dma_start3A_22 : memref<9984xf32, #tpu.memory_space<hbm>>) target_semaphore(%arg11 : memref<!tpu.dma_semaphore, #tpu.memory_space<semaphore_mem>>)
    %dma_wait3A_23 = tpu.memref_slice %arg4[%mul3A_20] : memref<1600000xf32, #tpu.memory_space<hbm>> -> memref<9984xf32, #tpu.memory_space<hbm>>
    %dma_wait3A_24 = tpu.memref_slice %arg4[%mul3A_20] : memref<1600000xf32, #tpu.memory_space<hbm>> -> memref<9984xf32, #tpu.memory_space<hbm>>
    tpu.wait_dma2 semaphore(%arg11 : memref<!tpu.dma_semaphore, #tpu.memory_space<semaphore_mem>>) src(%arg7 : memref<9984xf32, #tpu.memory_space<vmem>>) dst(%dma_wait3A_24 : memref<9984xf32, #tpu.memory_space<hbm>>)
    %add3A_25 = arith.constant 156 : i32
    %add3A_26 = arith.addi %add3A_4, %add3A_25 : i32
    %mul3A_27 = arith.constant 128 : i32
    %mul3A_28 = arith.muli %add3A_26, %mul3A_27 : i32
    "tpu.region"() ({
      %run_scoped3A = tpu.sem_alloc : memref<!tpu.dma_semaphore, #tpu.memory_space<semaphore_mem>>
      %dma_start3A_85 = tpu.memref_slice %arg3[%mul3A_28] : memref<1600000xi32, #tpu.memory_space<hbm>> -> memref<9984xi32, #tpu.memory_space<hbm>>
      %dma_start3A_86 = tpu.memref_slice %arg3[%mul3A_28] : memref<1600000xi32, #tpu.memory_space<hbm>> -> memref<9984xi32, #tpu.memory_space<hbm>>
      tpu.enqueue_dma source(%dma_start3A_86 : memref<9984xi32, #tpu.memory_space<hbm>>) target(%arg5 : memref<9984xi32, #tpu.memory_space<vmem>>) target_semaphore(%run_scoped3A : memref<!tpu.dma_semaphore, #tpu.memory_space<semaphore_mem>>)
      %dma_wait3A_87 = tpu.memref_slice %arg3[%mul3A_28] : memref<1600000xi32, #tpu.memory_space<hbm>> -> memref<9984xi32, #tpu.memory_space<hbm>>
      %dma_wait3A_88 = tpu.memref_slice %arg3[%mul3A_28] : memref<1600000xi32, #tpu.memory_space<hbm>> -> memref<9984xi32, #tpu.memory_space<hbm>>
      tpu.wait_dma2 semaphore(%run_scoped3A : memref<!tpu.dma_semaphore, #tpu.memory_space<semaphore_mem>>) src(%dma_wait3A_88 : memref<9984xi32, #tpu.memory_space<hbm>>) dst(%arg5 : memref<9984xi32, #tpu.memory_space<vmem>>)
      tpu.yield
    }) : () -> ()
    %dma_start3A_29 = arith.constant 0 : i32
    %dma_start3A_30 = tpu.memref_slice %arg2[%dma_start3A_29] : memref<6400000xf32, #tpu.memory_space<hbm>> -> memref<6400000xf32, #tpu.memory_space<hbm>>
    tpu.enqueue_indirect_dma source(%dma_start3A_30 : memref<6400000xf32, #tpu.memory_space<hbm>>) target(%arg7 : memref<9984xf32, #tpu.memory_space<vmem>>) offsets(%arg5 : memref<9984xi32, #tpu.memory_space<vmem>>) semaphore(%arg9 : memref<!tpu.dma_semaphore, #tpu.memory_space<semaphore_mem>>)
    %dma_wait3A_31 = arith.constant 0 : i32
    %dma_wait3A_32 = tpu.memref_slice %arg2[%dma_wait3A_31] : memref<6400000xf32, #tpu.memory_space<hbm>> -> memref<6400000xf32, #tpu.memory_space<hbm>>
    tpu.wait_indirect_dma semaphore(%arg10 : memref<!tpu.dma_semaphore, #tpu.memory_space<semaphore_mem>>) src(%dma_wait3A_32 : memref<6400000xf32, #tpu.memory_space<hbm>>) dst(%arg8 : memref<9984xf32, #tpu.memory_space<vmem>>)
    %add3A_33 = arith.constant 78 : i32
    %add3A_34 = arith.addi %add3A_4, %add3A_33 : i32
    %mul3A_35 = arith.constant 128 : i32
    %mul3A_36 = arith.muli %add3A_34, %mul3A_35 : i32
    %dma_start3A_37 = tpu.memref_slice %arg4[%mul3A_36] : memref<1600000xf32, #tpu.memory_space<hbm>> -> memref<9984xf32, #tpu.memory_space<hbm>>
    %dma_start3A_38 = tpu.memref_slice %arg4[%mul3A_36] : memref<1600000xf32, #tpu.memory_space<hbm>> -> memref<9984xf32, #tpu.memory_space<hbm>>
    tpu.enqueue_dma source(%arg8 : memref<9984xf32, #tpu.memory_space<vmem>>) target(%dma_start3A_38 : memref<9984xf32, #tpu.memory_space<hbm>>) target_semaphore(%arg12 : memref<!tpu.dma_semaphore, #tpu.memory_space<semaphore_mem>>)
    %dma_wait3A_39 = tpu.memref_slice %arg4[%mul3A_36] : memref<1600000xf32, #tpu.memory_space<hbm>> -> memref<9984xf32, #tpu.memory_space<hbm>>
    %dma_wait3A_40 = tpu.memref_slice %arg4[%mul3A_36] : memref<1600000xf32, #tpu.memory_space<hbm>> -> memref<9984xf32, #tpu.memory_space<hbm>>
    tpu.wait_dma2 semaphore(%arg12 : memref<!tpu.dma_semaphore, #tpu.memory_space<semaphore_mem>>) src(%arg8 : memref<9984xf32, #tpu.memory_space<vmem>>) dst(%dma_wait3A_40 : memref<9984xf32, #tpu.memory_space<hbm>>)
    %add3A_41 = arith.constant 234 : i32
    %add3A_42 = arith.addi %add3A_4, %add3A_41 : i32
    %mul3A_43 = arith.constant 128 : i32
    %mul3A_44 = arith.muli %add3A_42, %mul3A_43 : i32
    "tpu.region"() ({
      %run_scoped3A = tpu.sem_alloc : memref<!tpu.dma_semaphore, #tpu.memory_space<semaphore_mem>>
      %dma_start3A_85 = tpu.memref_slice %arg3[%mul3A_44] : memref<1600000xi32, #tpu.memory_space<hbm>> -> memref<9984xi32, #tpu.memory_space<hbm>>
      %dma_start3A_86 = tpu.memref_slice %arg3[%mul3A_44] : memref<1600000xi32, #tpu.memory_space<hbm>> -> memref<9984xi32, #tpu.memory_space<hbm>>
      tpu.enqueue_dma source(%dma_start3A_86 : memref<9984xi32, #tpu.memory_space<hbm>>) target(%arg6 : memref<9984xi32, #tpu.memory_space<vmem>>) target_semaphore(%run_scoped3A : memref<!tpu.dma_semaphore, #tpu.memory_space<semaphore_mem>>)
      %dma_wait3A_87 = tpu.memref_slice %arg3[%mul3A_44] : memref<1600000xi32, #tpu.memory_space<hbm>> -> memref<9984xi32, #tpu.memory_space<hbm>>
      %dma_wait3A_88 = tpu.memref_slice %arg3[%mul3A_44] : memref<1600000xi32, #tpu.memory_space<hbm>> -> memref<9984xi32, #tpu.memory_space<hbm>>
      tpu.wait_dma2 semaphore(%run_scoped3A : memref<!tpu.dma_semaphore, #tpu.memory_space<semaphore_mem>>) src(%dma_wait3A_88 : memref<9984xi32, #tpu.memory_space<hbm>>) dst(%arg6 : memref<9984xi32, #tpu.memory_space<vmem>>)
      tpu.yield
    }) : () -> ()
    %dma_start3A_45 = arith.constant 0 : i32
    %dma_start3A_46 = tpu.memref_slice %arg2[%dma_start3A_45] : memref<6400000xf32, #tpu.memory_space<hbm>> -> memref<6400000xf32, #tpu.memory_space<hbm>>
    tpu.enqueue_indirect_dma source(%dma_start3A_46 : memref<6400000xf32, #tpu.memory_space<hbm>>) target(%arg8 : memref<9984xf32, #tpu.memory_space<vmem>>) offsets(%arg6 : memref<9984xi32, #tpu.memory_space<vmem>>) semaphore(%arg10 : memref<!tpu.dma_semaphore, #tpu.memory_space<semaphore_mem>>)
    %dma_wait3A_47 = arith.constant 0 : i32
    %dma_wait3A_48 = tpu.memref_slice %arg2[%dma_wait3A_47] : memref<6400000xf32, #tpu.memory_space<hbm>> -> memref<6400000xf32, #tpu.memory_space<hbm>>
    tpu.wait_indirect_dma semaphore(%arg9 : memref<!tpu.dma_semaphore, #tpu.memory_space<semaphore_mem>>) src(%dma_wait3A_48 : memref<6400000xf32, #tpu.memory_space<hbm>>) dst(%arg7 : memref<9984xf32, #tpu.memory_space<vmem>>)
    %add3A_49 = arith.constant 156 : i32
    %add3A_50 = arith.addi %add3A_4, %add3A_49 : i32
    %mul3A_51 = arith.constant 128 : i32
    %mul3A_52 = arith.muli %add3A_50, %mul3A_51 : i32
    %dma_start3A_53 = tpu.memref_slice %arg4[%mul3A_52] : memref<1600000xf32, #tpu.memory_space<hbm>> -> memref<9984xf32, #tpu.memory_space<hbm>>
    %dma_start3A_54 = tpu.memref_slice %arg4[%mul3A_52] : memref<1600000xf32, #tpu.memory_space<hbm>> -> memref<9984xf32, #tpu.memory_space<hbm>>
    tpu.enqueue_dma source(%arg7 : memref<9984xf32, #tpu.memory_space<vmem>>) target(%dma_start3A_54 : memref<9984xf32, #tpu.memory_space<hbm>>) target_semaphore(%arg11 : memref<!tpu.dma_semaphore, #tpu.memory_space<semaphore_mem>>)
    %dma_wait3A_55 = tpu.memref_slice %arg4[%mul3A_52] : memref<1600000xf32, #tpu.memory_space<hbm>> -> memref<9984xf32, #tpu.memory_space<hbm>>
    %dma_wait3A_56 = tpu.memref_slice %arg4[%mul3A_52] : memref<1600000xf32, #tpu.memory_space<hbm>> -> memref<9984xf32, #tpu.memory_space<hbm>>
    tpu.wait_dma2 semaphore(%arg11 : memref<!tpu.dma_semaphore, #tpu.memory_space<semaphore_mem>>) src(%arg7 : memref<9984xf32, #tpu.memory_space<vmem>>) dst(%dma_wait3A_56 : memref<9984xf32, #tpu.memory_space<hbm>>)
    %add3A_57 = arith.constant 312 : i32
    %add3A_58 = arith.addi %add3A_4, %add3A_57 : i32
    %mul3A_59 = arith.constant 128 : i32
    %mul3A_60 = arith.muli %add3A_58, %mul3A_59 : i32
    "tpu.region"() ({
      %run_scoped3A = tpu.sem_alloc : memref<!tpu.dma_semaphore, #tpu.memory_space<semaphore_mem>>
      %dma_start3A_85 = tpu.memref_slice %arg3[%mul3A_60] : memref<1600000xi32, #tpu.memory_space<hbm>> -> memref<9984xi32, #tpu.memory_space<hbm>>
      %dma_start3A_86 = tpu.memref_slice %arg3[%mul3A_60] : memref<1600000xi32, #tpu.memory_space<hbm>> -> memref<9984xi32, #tpu.memory_space<hbm>>
      tpu.enqueue_dma source(%dma_start3A_86 : memref<9984xi32, #tpu.memory_space<hbm>>) target(%arg5 : memref<9984xi32, #tpu.memory_space<vmem>>) target_semaphore(%run_scoped3A : memref<!tpu.dma_semaphore, #tpu.memory_space<semaphore_mem>>)
      %dma_wait3A_87 = tpu.memref_slice %arg3[%mul3A_60] : memref<1600000xi32, #tpu.memory_space<hbm>> -> memref<9984xi32, #tpu.memory_space<hbm>>
      %dma_wait3A_88 = tpu.memref_slice %arg3[%mul3A_60] : memref<1600000xi32, #tpu.memory_space<hbm>> -> memref<9984xi32, #tpu.memory_space<hbm>>
      tpu.wait_dma2 semaphore(%run_scoped3A : memref<!tpu.dma_semaphore, #tpu.memory_space<semaphore_mem>>) src(%dma_wait3A_88 : memref<9984xi32, #tpu.memory_space<hbm>>) dst(%arg5 : memref<9984xi32, #tpu.memory_space<vmem>>)
      tpu.yield
    }) : () -> ()
    %dma_start3A_61 = arith.constant 0 : i32
    %dma_start3A_62 = tpu.memref_slice %arg2[%dma_start3A_61] : memref<6400000xf32, #tpu.memory_space<hbm>> -> memref<6400000xf32, #tpu.memory_space<hbm>>
    tpu.enqueue_indirect_dma source(%dma_start3A_62 : memref<6400000xf32, #tpu.memory_space<hbm>>) target(%arg7 : memref<9984xf32, #tpu.memory_space<vmem>>) offsets(%arg5 : memref<9984xi32, #tpu.memory_space<vmem>>) semaphore(%arg9 : memref<!tpu.dma_semaphore, #tpu.memory_space<semaphore_mem>>)
    %dma_wait3A_63 = arith.constant 0 : i32
    %dma_wait3A_64 = tpu.memref_slice %arg2[%dma_wait3A_63] : memref<6400000xf32, #tpu.memory_space<hbm>> -> memref<6400000xf32, #tpu.memory_space<hbm>>
    tpu.wait_indirect_dma semaphore(%arg10 : memref<!tpu.dma_semaphore, #tpu.memory_space<semaphore_mem>>) src(%dma_wait3A_64 : memref<6400000xf32, #tpu.memory_space<hbm>>) dst(%arg8 : memref<9984xf32, #tpu.memory_space<vmem>>)
    %add3A_65 = arith.constant 234 : i32
    %add3A_66 = arith.addi %add3A_4, %add3A_65 : i32
    %mul3A_67 = arith.constant 128 : i32
    %mul3A_68 = arith.muli %add3A_66, %mul3A_67 : i32
    %dma_start3A_69 = tpu.memref_slice %arg4[%mul3A_68] : memref<1600000xf32, #tpu.memory_space<hbm>> -> memref<9984xf32, #tpu.memory_space<hbm>>
    %dma_start3A_70 = tpu.memref_slice %arg4[%mul3A_68] : memref<1600000xf32, #tpu.memory_space<hbm>> -> memref<9984xf32, #tpu.memory_space<hbm>>
    tpu.enqueue_dma source(%arg8 : memref<9984xf32, #tpu.memory_space<vmem>>) target(%dma_start3A_70 : memref<9984xf32, #tpu.memory_space<hbm>>) target_semaphore(%arg12 : memref<!tpu.dma_semaphore, #tpu.memory_space<semaphore_mem>>)
    %dma_wait3A_71 = arith.constant 0 : i32
    %dma_wait3A_72 = tpu.memref_slice %arg2[%dma_wait3A_71] : memref<6400000xf32, #tpu.memory_space<hbm>> -> memref<6400000xf32, #tpu.memory_space<hbm>>
    tpu.wait_indirect_dma semaphore(%arg9 : memref<!tpu.dma_semaphore, #tpu.memory_space<semaphore_mem>>) src(%dma_wait3A_72 : memref<6400000xf32, #tpu.memory_space<hbm>>) dst(%arg7 : memref<9984xf32, #tpu.memory_space<vmem>>)
    %add3A_73 = arith.constant 312 : i32
    %add3A_74 = arith.addi %add3A_4, %add3A_73 : i32
    %mul3A_75 = arith.constant 128 : i32
    %mul3A_76 = arith.muli %add3A_74, %mul3A_75 : i32
    %dma_start3A_77 = tpu.memref_slice %arg4[%mul3A_76] : memref<1600000xf32, #tpu.memory_space<hbm>> -> memref<9984xf32, #tpu.memory_space<hbm>>
    %dma_start3A_78 = tpu.memref_slice %arg4[%mul3A_76] : memref<1600000xf32, #tpu.memory_space<hbm>> -> memref<9984xf32, #tpu.memory_space<hbm>>
    tpu.enqueue_dma source(%arg7 : memref<9984xf32, #tpu.memory_space<vmem>>) target(%dma_start3A_78 : memref<9984xf32, #tpu.memory_space<hbm>>) target_semaphore(%arg11 : memref<!tpu.dma_semaphore, #tpu.memory_space<semaphore_mem>>)
    %dma_wait3A_79 = tpu.memref_slice %arg4[%mul3A_76] : memref<1600000xf32, #tpu.memory_space<hbm>> -> memref<9984xf32, #tpu.memory_space<hbm>>
    %dma_wait3A_80 = tpu.memref_slice %arg4[%mul3A_76] : memref<1600000xf32, #tpu.memory_space<hbm>> -> memref<9984xf32, #tpu.memory_space<hbm>>
    tpu.wait_dma2 semaphore(%arg11 : memref<!tpu.dma_semaphore, #tpu.memory_space<semaphore_mem>>) src(%arg7 : memref<9984xf32, #tpu.memory_space<vmem>>) dst(%dma_wait3A_80 : memref<9984xf32, #tpu.memory_space<hbm>>)
    %dma_wait3A_81 = tpu.memref_slice %arg4[%mul3A_68] : memref<1600000xf32, #tpu.memory_space<hbm>> -> memref<9984xf32, #tpu.memory_space<hbm>>
    %dma_wait3A_82 = tpu.memref_slice %arg4[%mul3A_68] : memref<1600000xf32, #tpu.memory_space<hbm>> -> memref<9984xf32, #tpu.memory_space<hbm>>
    tpu.wait_dma2 semaphore(%arg12 : memref<!tpu.dma_semaphore, #tpu.memory_space<semaphore_mem>>) src(%arg8 : memref<9984xf32, #tpu.memory_space<vmem>>) dst(%dma_wait3A_82 : memref<9984xf32, #tpu.memory_space<hbm>>)
    %lt3A = arith.constant 20 : i32
    %lt3A_83 = arith.cmpi slt, %add3A, %lt3A : i32
    %convert_element_type3A = arith.extui %lt3A_83 : i1 to i32
    %cond3A = arith.constant 0 : i32
    %cond3A_84 = arith.cmpi ne, %convert_element_type3A, %cond3A : i32
    scf.if %cond3A_84 {
      %add3A_85 = arith.constant 390 : i32
      %add3A_86 = arith.addi %add3A_4, %add3A_85 : i32
      %mul3A_87 = arith.constant 128 : i32
      %mul3A_88 = arith.muli %add3A_86, %mul3A_87 : i32
      "tpu.region"() ({
        %run_scoped3A = tpu.sem_alloc : memref<!tpu.dma_semaphore, #tpu.memory_space<semaphore_mem>>
        %dma_start3A_101 = arith.constant 0 : i32
        %dma_start3A_102 = tpu.memref_slice %arg5[%dma_start3A_101] : memref<9984xi32, #tpu.memory_space<vmem>> -> memref<128xi32, #tpu.memory_space<vmem>>
        %dma_start3A_103 = tpu.memref_slice %arg3[%mul3A_88] : memref<1600000xi32, #tpu.memory_space<hbm>> -> memref<128xi32, #tpu.memory_space<hbm>>
        %dma_start3A_104 = arith.constant 0 : i32
        %dma_start3A_105 = tpu.memref_slice %arg5[%dma_start3A_104] : memref<9984xi32, #tpu.memory_space<vmem>> -> memref<128xi32, #tpu.memory_space<vmem>>
        %dma_start3A_106 = tpu.memref_slice %arg3[%mul3A_88] : memref<1600000xi32, #tpu.memory_space<hbm>> -> memref<128xi32, #tpu.memory_space<hbm>>
        tpu.enqueue_dma source(%dma_start3A_106 : memref<128xi32, #tpu.memory_space<hbm>>) target(%dma_start3A_105 : memref<128xi32, #tpu.memory_space<vmem>>) target_semaphore(%run_scoped3A : memref<!tpu.dma_semaphore, #tpu.memory_space<semaphore_mem>>)
        %dma_wait3A_107 = arith.constant 0 : i32
        %dma_wait3A_108 = tpu.memref_slice %arg5[%dma_wait3A_107] : memref<9984xi32, #tpu.memory_space<vmem>> -> memref<128xi32, #tpu.memory_space<vmem>>
        %dma_wait3A_109 = tpu.memref_slice %arg3[%mul3A_88] : memref<1600000xi32, #tpu.memory_space<hbm>> -> memref<128xi32, #tpu.memory_space<hbm>>
        %dma_wait3A_110 = arith.constant 0 : i32
        %dma_wait3A_111 = tpu.memref_slice %arg5[%dma_wait3A_110] : memref<9984xi32, #tpu.memory_space<vmem>> -> memref<128xi32, #tpu.memory_space<vmem>>
        %dma_wait3A_112 = tpu.memref_slice %arg3[%mul3A_88] : memref<1600000xi32, #tpu.memory_space<hbm>> -> memref<128xi32, #tpu.memory_space<hbm>>
        tpu.wait_dma2 semaphore(%run_scoped3A : memref<!tpu.dma_semaphore, #tpu.memory_space<semaphore_mem>>) src(%dma_wait3A_112 : memref<128xi32, #tpu.memory_space<hbm>>) dst(%dma_wait3A_111 : memref<128xi32, #tpu.memory_space<vmem>>)
        tpu.yield
      }) : () -> ()
      %dma_start3A_89 = arith.constant 0 : i32
      %dma_start3A_90 = tpu.memref_slice %arg7[%dma_start3A_89] : memref<9984xf32, #tpu.memory_space<vmem>> -> memref<128xf32, #tpu.memory_space<vmem>>
      %dma_start3A_91 = arith.constant 0 : i32
      %dma_start3A_92 = tpu.memref_slice %arg5[%dma_start3A_91] : memref<9984xi32, #tpu.memory_space<vmem>> -> memref<128xi32, #tpu.memory_space<vmem>>
      %dma_start3A_93 = arith.constant 0 : i32
      %dma_start3A_94 = tpu.memref_slice %arg2[%dma_start3A_93] : memref<6400000xf32, #tpu.memory_space<hbm>> -> memref<6400000xf32, #tpu.memory_space<hbm>>
      tpu.enqueue_indirect_dma source(%dma_start3A_94 : memref<6400000xf32, #tpu.memory_space<hbm>>) target(%dma_start3A_90 : memref<128xf32, #tpu.memory_space<vmem>>) offsets(%dma_start3A_92 : memref<128xi32, #tpu.memory_space<vmem>>) semaphore(%arg9 : memref<!tpu.dma_semaphore, #tpu.memory_space<semaphore_mem>>)
      %dma_wait3A_95 = arith.constant 0 : i32
      %dma_wait3A_96 = tpu.memref_slice %arg7[%dma_wait3A_95] : memref<9984xf32, #tpu.memory_space<vmem>> -> memref<128xf32, #tpu.memory_space<vmem>>
      %dma_wait3A_97 = arith.constant 0 : i32
      %dma_wait3A_98 = tpu.memref_slice %arg5[%dma_wait3A_97] : memref<9984xi32, #tpu.memory_space<vmem>> -> memref<128xi32, #tpu.memory_space<vmem>>
      %dma_wait3A_99 = arith.constant 0 : i32
      %dma_wait3A_100 = tpu.memref_slice %arg2[%dma_wait3A_99] : memref<6400000xf32, #tpu.memory_space<hbm>> -> memref<6400000xf32, #tpu.memory_space<hbm>>
      tpu.wait_indirect_dma semaphore(%arg9 : memref<!tpu.dma_semaphore, #tpu.memory_space<semaphore_mem>>) src(%dma_wait3A_100 : memref<6400000xf32, #tpu.memory_space<hbm>>) dst(%dma_wait3A_96 : memref<128xf32, #tpu.memory_space<vmem>>)
      "tpu.region"() ({
        %run_scoped3A = tpu.sem_alloc : memref<!tpu.dma_semaphore, #tpu.memory_space<semaphore_mem>>
        %dma_start3A_101 = arith.constant 0 : i32
        %dma_start3A_102 = tpu.memref_slice %arg7[%dma_start3A_101] : memref<9984xf32, #tpu.memory_space<vmem>> -> memref<128xf32, #tpu.memory_space<vmem>>
        %dma_start3A_103 = tpu.memref_slice %arg4[%mul3A_88] : memref<1600000xf32, #tpu.memory_space<hbm>> -> memref<128xf32, #tpu.memory_space<hbm>>
        %dma_start3A_104 = tpu.memref_slice %arg4[%mul3A_88] : memref<1600000xf32, #tpu.memory_space<hbm>> -> memref<128xf32, #tpu.memory_space<hbm>>
        %dma_start3A_105 = arith.constant 0 : i32
        %dma_start3A_106 = tpu.memref_slice %arg7[%dma_start3A_105] : memref<9984xf32, #tpu.memory_space<vmem>> -> memref<128xf32, #tpu.memory_space<vmem>>
        tpu.enqueue_dma source(%dma_start3A_106 : memref<128xf32, #tpu.memory_space<vmem>>) target(%dma_start3A_104 : memref<128xf32, #tpu.memory_space<hbm>>) target_semaphore(%run_scoped3A : memref<!tpu.dma_semaphore, #tpu.memory_space<semaphore_mem>>)
        %dma_wait3A_107 = arith.constant 0 : i32
        %dma_wait3A_108 = tpu.memref_slice %arg7[%dma_wait3A_107] : memref<9984xf32, #tpu.memory_space<vmem>> -> memref<128xf32, #tpu.memory_space<vmem>>
        %dma_wait3A_109 = tpu.memref_slice %arg4[%mul3A_88] : memref<1600000xf32, #tpu.memory_space<hbm>> -> memref<128xf32, #tpu.memory_space<hbm>>
        %dma_wait3A_110 = tpu.memref_slice %arg4[%mul3A_88] : memref<1600000xf32, #tpu.memory_space<hbm>> -> memref<128xf32, #tpu.memory_space<hbm>>
        %dma_wait3A_111 = arith.constant 0 : i32
        %dma_wait3A_112 = tpu.memref_slice %arg7[%dma_wait3A_111] : memref<9984xf32, #tpu.memory_space<vmem>> -> memref<128xf32, #tpu.memory_space<vmem>>
        tpu.wait_dma2 semaphore(%run_scoped3A : memref<!tpu.dma_semaphore, #tpu.memory_space<semaphore_mem>>) src(%dma_wait3A_112 : memref<128xf32, #tpu.memory_space<vmem>>) dst(%dma_wait3A_110 : memref<128xf32, #tpu.memory_space<hbm>>)
        tpu.yield
      }) : () -> ()
    } else {
    }
    return
  }
}

module attributes {stable_mosaic.version = 14 : i64} {
  func.func @_switch_tc_body(%arg0: memref<1600000xf32, #tpu.memory_space<vmem>>, %arg1: memref<1600000xf32, #tpu.memory_space<vmem>>, %arg2: memref<1600000xi32, #tpu.memory_space<vmem>>) attributes {dimension_semantics = [], scalar_prefetch = 0 : i64, scratch_operands = 0 : i64, tpu.core_type = #tpu.core_type<tc>} {
    %get3A = arith.constant 0 : index
    %get3A_0 = vector.load %arg0[%get3A] : memref<1600000xf32, #tpu.memory_space<vmem>>, vector<1600000xf32>
    %lt3A = arith.constant 5.000000e-01 : f32
    %lt3A_1 = vector.broadcast %lt3A : f32 to vector<1600000xf32>
    %lt3A_2 = arith.cmpf olt, %get3A_0, %lt3A_1 : vector<1600000xf32>
    %mul3A = arith.constant 6.28318548 : f32
    %mul3A_3 = vector.broadcast %mul3A : f32 to vector<1600000xf32>
    %mul3A_4 = arith.mulf %mul3A_3, %get3A_0 : vector<1600000xf32>
    %cos3A = math.cos %mul3A_4 : vector<1600000xf32>
    %mul3A_5 = arith.constant 5.000000e-01 : f32
    %mul3A_6 = vector.broadcast %mul3A_5 : f32 to vector<1600000xf32>
    %mul3A_7 = arith.mulf %mul3A_6, %cos3A : vector<1600000xf32>
    %add3A = arith.constant 5.000000e-01 : f32
    %add3A_8 = vector.broadcast %add3A : f32 to vector<1600000xf32>
    %add3A_9 = arith.addf %mul3A_7, %add3A_8 : vector<1600000xf32>
    %jit3A = arith.constant 0.000000e+00 : f32
    %broadcast_in_dim3A = vector.broadcast %jit3A : f32 to vector<1600000xf32>
    %select_n3A = arith.select %lt3A_2, %add3A_9, %broadcast_in_dim3A : vector<1600000xi1>, vector<1600000xf32>
    %swap3A = arith.constant 0 : index
    %swap3A_10 = vector.load %arg1[%swap3A] : memref<1600000xf32, #tpu.memory_space<vmem>>, vector<1600000xf32>
    tpu.vector_store %arg1[%swap3A], %select_n3A {strides = array<i32>} : memref<1600000xf32, #tpu.memory_space<vmem>>, vector<1600000xf32>,
    %convert_element_type3A = arith.extui %lt3A_2 : vector<1600000xi1> to vector<1600000xi32>
    %swap3A_11 = arith.constant 0 : index
    %swap3A_12 = vector.load %arg2[%swap3A_11] : memref<1600000xi32, #tpu.memory_space<vmem>>, vector<1600000xi32>
    tpu.vector_store %arg2[%swap3A_11], %convert_element_type3A {strides = array<i32>} : memref<1600000xi32, #tpu.memory_space<vmem>>, vector<1600000xi32>,
    return
  }
}

</mosaic_0001>

<sc_bundles>
// kernel: kernel.5.cloned.1.call-start
scs
__scs_entry_jumppad:
0x0: {  	(pc) =	sbr.rel $0x88, $3  }
0x1: {  	(tag) =	ssettag $0x0;
	lr =	simm.s32 $0x1  }
0x2: {  	[smem:$0x3F9E] =	sst lr;
	_ =	strace $0xD0000000  }
0x3: {  	_ = 	snop  }
0x4: {  	_ = 	snop  }
0x5: {  	_ = 	snop  }
0x6: {  	_ = 	snop  }
0x7: {  	_ = 	snop  }
__scs_overlays_trampoline_lowered:
0x8: {  	[smem:$0x3FAD] =	sst s0  }
0x9: {  	[smem:$0x3FAE] =	sst s1  }
0xa: {  	[smem:$0x3FAF] =	sst s2  }
0xb: {  	[smem:$0x3FB0] =	sst s3  }
0xc: {  	[smem:$0x3FB1] =	sst s4  }
0xd: {  	[smem:$0x3FB2] =	sst s5  }
0xe: {  	[smem:$0x3FB3] =	sst s6  }
0xf: {  	[smem:$0x3FB4] =	sst s7  }
0x10: {  	[smem:$0x3FB5] =	sst s8  }
0x11: {  	[smem:$0x3FB6] =	sst s9;
	s0 =	simm.s32 @!p0 $0x0  }
0x12: {  	s1 =	sld [smem:$0x3F9C];
	s0 =	simm.s32 @p0 $0x1  }
0x13: {  	[smem:$0x3FB7] =	sst s0;
	s0 =	simm.s32 @!p1 $0x0  }
0x14: {  	s2 =	sld [smem:$0x3F9B];
	s0 =	simm.s32 @p1 $0x1  }
0x15: {  	[smem:$0x3FB8] =	sst s0;
	s0 =	simm.s32 @!p2 $0x0  }
0x16: {  	s3 =	sld [smem:$0x3FDB];
	s0 =	simm.s32 @p2 $0x1  }
0x17: {  	s4 =	simm.s32 $0x1BF5;
	[smem:$0x3FBA] =	sst s0  }
0x18: {  	s0 =	sld [smem:$0x3F9D];
	_ =	swait.ge [sflag:s4], $0x0  }
0x19: {  	s7 =	sld [smem:$0x3F9E]  }
0x1a: {  	s8 =	sadd.s32 $0xFFFFE003, lr  }
0x1b: {  	s9 =	sadd.s32 $0xFFFFFEF7, lr;
	s5 =	simm.s32 $0xFFFFFFFF;
	p2 =	slt.u32 s8, $0xFFFFF086  }
0x1c: {  	p1 =	slt.u32 s9, $0xF7A;
	s5 =	simm.s32 @!p2 $0x0  }
0x1d: {  	s5 =	simm.s32 @p1 $0x1;
	p0 =	seq.s32 s7, s2  }
0x1e: {  	s7 =	smul.u32 @!p0 $0xF7A, s2;
	p2 =	seq.s32 @!p0 s5, $0x0  }
0x1f: {  	s9 =	smul.u32 $0xF7A, s1;
	s8 =	simm.s32 @!p0 $0x1BF5;
	p2 =	por !p2, p0  }
0x20: {  	[sflag:s8] =	ssyncset.s32 @!p0 $0xFFFFF086;
	s6 =	sadd.s32 @!p0 s3, s7;
	s7 =	simm.s32 @!p0 $0x108  }
0x21: {  	s3 =	sadd.s32 s3, s9;
	s6 =	sadd.s32 @!p0 $0x88, s6;
	s7 =	simm.s32 @p2 $0x1082  }
0x22: {  	[simem:s7], [sflag:s8] =	dma.local @!p0 [hbm:s6], $0xF7A  }
0x23: {  	s9 =	sor.u32 $0xD0000000, s2;
	s6 =	simm.s32 $0x108;
	_ =	swait.ge @!p0 [sflag:s8], $0x0  }
0x24: {  	s3 =	sadd.s32 $0x88, s3;
	s6 =	simm.s32 @!p1 $0x1082;
	[sflag:s4] =	ssyncset.s32 $0xFFFFF086  }
0x25: {  	[simem:s6], [sflag:s4] =	dma.local [hbm:s3], $0xF7A  }
0x26: {  	[smem:$0x3F9E] =	sst s1;
	(tag) =	ssettag s2;
	_ =	strace s9  }
0x27: {  	s1 =	sld [smem:$0x3FAE]  }
0x28: {  	s2 =	sld [smem:$0x3FAF]  }
0x29: {  	s4 =	sld [smem:$0x3FB1]  }
0x2a: {  	p0 =	seq.s32 s5, $0x0;
	s5 =	sld [smem:$0x3FB2]  }
0x2b: {  	s6 =	sld [smem:$0x3FB3]  }
0x2c: {  	s7 =	sld [smem:$0x3FB4]  }
0x2d: {  	s3 =	simm.s32 $0x108;
	s8 =	sld [smem:$0x3FB5]  }
0x2e: {  	s3 =	simm.s32 @!p0 $0x1082;
	s9 =	sld [smem:$0x3FB6]  }
0x2f: {  	lr =	sadd.s32 s0, s3;
	s0 =	sld [smem:$0x3FAD]  }
0x30: {  	s3 =	sld [smem:$0x3FB0]  }
0x31: {  	[smem:$0x3FB9] =	sst s10  }
0x32: {  	s10 =	sld [smem:$0x3FB7];
	_ =	sdelay $0x3  }
0x33: {  	p0 =	seq.s32 s10, $0x1;
	s10 =	sld [smem:$0x3FB9];
	_ =	sdelay $0x3  }
0x34: {  	[smem:$0x3FB9] =	sst s10  }
0x35: {  	s10 =	sld [smem:$0x3FB8];
	_ =	sdelay $0x3  }
0x36: {  	p1 =	seq.s32 s10, $0x1;
	s10 =	sld [smem:$0x3FB9];
	_ =	sdelay $0x3  }
0x37: {  	[smem:$0x3FB9] =	sst s10  }
0x38: {  	s10 =	sld [smem:$0x3FBA]  }
0x39: {  	_ = 	snop;
	(pc) =	sbr.ind lr, $3  }
0x3a: {  	_ = 	snop  }
0x3b: {  	_ = 	snop  }
0x3c: {  	p2 =	seq.s32 s10, $0x1;
	s10 =	sld [smem:$0x3FB9]  }
0x3d: {  	_ =	shalt  }
0x3e: {  	_ =	shalt  }
0x3f: {  	_ =	shalt  }
0x40: {  	_ =	shalt  }
0x41: {  	_ =	shalt  }
0x42: {  	_ =	shalt  }
0x43: {  	_ =	shalt  }
0x44: {  	_ =	shalt  }
0x45: {  	_ =	shalt  }
0x46: {  	_ =	shalt  }
0x47: {  	_ =	shalt  }
0x48: {  	_ =	shalt  }
0x49: {  	_ =	shalt  }
0x4a: {  	_ =	shalt  }
0x4b: {  	_ =	shalt  }
0x4c: {  	_ =	shalt  }
0x4d: {  	_ =	shalt  }
0x4e: {  	_ =	shalt  }
0x4f: {  	_ =	shalt  }
0x50: {  	_ =	shalt  }
0x51: {  	_ =	shalt  }
0x52: {  	_ =	shalt  }
0x53: {  	_ =	shalt  }
0x54: {  	_ =	shalt  }
0x55: {  	_ =	shalt  }
0x56: {  	_ =	shalt  }
0x57: {  	_ =	shalt  }
0x58: {  	_ =	shalt  }
0x59: {  	_ =	shalt  }
0x5a: {  	_ =	shalt  }
0x5b: {  	_ =	shalt  }
0x5c: {  	_ =	shalt  }
0x5d: {  	_ =	shalt  }
0x5e: {  	_ =	shalt  }
0x5f: {  	_ =	shalt  }
0x60: {  	_ =	shalt  }
0x61: {  	_ =	shalt  }
0x62: {  	_ =	shalt  }
0x63: {  	_ =	shalt  }
0x64: {  	_ =	shalt  }
0x65: {  	_ =	shalt  }
0x66: {  	_ =	shalt  }
0x67: {  	_ =	shalt  }
0x68: {  	_ =	shalt  }
0x69: {  	_ =	shalt  }
0x6a: {  	_ =	shalt  }
0x6b: {  	_ =	shalt  }
0x6c: {  	_ =	shalt  }
0x6d: {  	_ =	shalt  }
0x6e: {  	_ =	shalt  }
0x6f: {  	_ =	shalt  }
0x70: {  	_ =	shalt  }
0x71: {  	_ =	shalt  }
0x72: {  	_ =	shalt  }
0x73: {  	_ =	shalt  }
0x74: {  	_ =	shalt  }
0x75: {  	_ =	shalt  }
0x76: {  	_ =	shalt  }
0x77: {  	_ =	shalt  }
0x78: {  	_ =	shalt  }
0x79: {  	_ =	shalt  }
0x7a: {  	_ =	shalt  }
0x7b: {  	_ =	shalt  }
0x7c: {  	_ =	shalt  }
0x7d: {  	_ =	shalt  }
0x7e: {  	_ =	shalt  }
0x7f: {  	_ =	shalt  }
0x80: {  	_ =	shalt  }
0x81: {  	_ =	shalt  }
0x82: {  	_ =	shalt  }
0x83: {  	_ =	shalt  }
0x84: {  	_ =	shalt  }
0x85: {  	_ =	shalt  }
0x86: {  	_ =	shalt  }
0x87: {  	_ =	shalt  }
.Lfunc_end0:
.L_simem_size_0:
called_computation_lowered:
.L_overlay_start_0:
0x88: {  	s2 =	sld [smem:$0x3FD9]  }
0x89: {  	s3 =	sld [smem:$0x3FFE];
	_ =	sdelay $0x1  }
0x8a: {  	s1 =	srdreg.scid  }
0x8b: {  	s0 =	sand.u32 $0x1, s1  }
0x8c: {  	s15 =	sshll.u32 s0, $0xA;
	s2 =	sadd.s32 s3, s2  }
0x8d: {  	s2 =	sadd.s32 s2, s15  }
0x8e: {  	[smem:$0x3FC5] =	sst s2  }
0x8f: {  	_ = 	snop  }
0x90: {  	s2 =	sld [smem:$0x3FD0];
	_ =	sdelay $0x1  }
0x91: {  	s16 =	sld [smem:$0x3FC8]  }
0x92: {  	s5 =	simm.s32 $0xB;
	s6 =	simm.s32 $0x10;
	s4 =	sld [smem:$0x3FC7]  }
0x93: {  	[smem:s6], [sflag:s5] =	dma.local [hbm:s2], $0x1  }
0x94: {  	_ =	swait.eq [sflag:s5], $0x1  }
0x95: {  	[sflag:s5] =	ssyncset.done $0x0  }
0x96: {  	[sflag:s5] =	ssyncadd.s32 $0xFFFFFFFF  }
0x97: {  	s17 =	sld [smem:$0x11];
	(tm) =	ssettm $0x1  }
0x98: {  	s18 =	sld [smem:$0x3FFB];
	_ =	sdelay $0x3  }
0x99: {  	_ =	strace s18  }
0x9a: {  	s5 =	sld [smem:$0x3FFC];
	_ =	sdelay $0x3  }
0x9b: {  	_ =	strace s5  }
0x9c: {  	s5 =	sld [smem:$0x3FFD];
	_ =	sdelay $0x3  }
0x9d: {  	_ =	strace s5  }
0x9e: {  	_ =	strace $0x8FFFFFFF  }
0x9f: {  	s19 =	sld [smem:$0x3FDB];
	_ =	sdelay $0x1  }
0xa0: {  	s20 =	simm.s32 $_scs_section_size  }
0xa1: {  	s7 =	simm.s32 $_size__tile_overlayer_lowered;
	s8 =	simm.s32 $_tile_overlayer_lowered  }
0xa2: {  	s23 =	simm.s32 $0x1BFF;
	s22 =	sshll.u32 s8, $0x1;
	s5 =	sadd.s32 s20, s19  }
0xa3: {  	s9 =	simm.s32 $0x0;
	s21 =	sshll.u32 s7, $0x1;
	s7 =	sadd.s32 s22, s5  }
0xa4: {  	[timem:s9], [sflag:s23] =	dma.local [hbm:s7], s21  }
0xa5: {  	_ =	swait.ge [sflag:s23], s21  }
0xa6: {  	s6 =	ssub.s32 $0x0, s21;
	[sflag:s23] =	ssyncset.done $0x0  }
0xa7: {  	[sflag:s23] =	ssyncadd.s32 s6;
	_ =	sdelay $0x1  }
0xa8: {  	s24 =	simm.s32 $0x1B8B  }
0xa9: {  	_ =	swait.ge [sflag:s24], $0x1  }
0xaa: {  	[sflag:s24] =	ssyncset.done $0x0  }
0xab: {  	s25 =	simm.s32 $0x1B8E;
	[sflag:s24] =	ssyncadd.s32 $0xFFFFFFFF  }
0xac: {  	s26 =	simm.s32 $execute0_lowered;
	[smem:$0x3FD2] =	sst s25  }
0xad: {  	s6 =	sshll.u32 s26, $0x1;
	_ =	strace $0x80000046;
	[dreg:$0x1] =	wrdreg $0xFFFFFFFF  }
0xae: {  	s28 =	simm.s32 $_size_execute0_lowered;
	s5 =	sadd.s32 s5, s6;
	[dreg:$0x0] =	wrdreg $0x0  }
0xaf: {  	s6 =	sshll.u32 s28, $0x1;
	[dreg:$0x2] =	wrdreg s5  }
0xb0: {  	[dreg:$0x3] =	wrdreg s6  }
0xb1: {  	[dreg:$0x4] =	wrdreg $0xC0  }
0xb2: {  	_ =	task [dreg:s9], $0x5FFFF  }
0xb3: {  	[dreg:$0x1] =	wrdreg $0xFFFFFFFF  }
0xb4: {  	[dreg:$0x0] =	wrdreg $0x60  }
0xb5: {  	[dreg:$0x2] =	wrdreg s16  }
0xb6: {  	[dreg:$0x3] =	wrdreg s4  }
0xb7: {  	[dreg:$0x4] =	wrdreg s17  }
0xb8: {  	[dreg:$0x5] =	wrdreg $0x9  }
0xb9: {  	_ =	task.clear_ibuf [dreg:s9], $0x6FFFF;
	_ =	strace $0x90000046  }
0xba: {  	s29 =	simm.s32 $0x9;
	_ =	strace $0x80000048  }
0xbb: {  	_ =	swait.ge [sflag:s29], $0x1  }
0xbc: {  	[sflag:s29] =	ssyncadd.s32 $0xFFFFFFFF  }
0xbd: {  	_ =	strace $0x90000048  }
0xbe: {  	_ =	sfence  }
0xbf: {  	s30 =	sld [smem:$0x0];
	_ =	sdelay $0x2  }
0xc0: {  	s31 =	sshll.u32 s1, $0xD;
	s1 =	sshrl.u32 s1, $0x2  }
0xc1: {  	s3 =	sand.u32 $0x4000, s31;
	s1 =	sadd.s32 s1, s30  }
0xc2: {  	s0 =	sor.u32 s3, s0;
	s1 =	sshll.u32 s1, $0x11  }
0xc3: {  	s0 =	sor.u32 s1, s0  }
0xc4: {  	s0 =	sadd.s32 $0x8F2B, s0  }
0xc5: {  	[sflag:s0] =	ssyncadd.remote.s32 $0x1  }
0xc6: {  	_ =	sfence.sel $0xFFFF  }
0xc7: {  	[dreg:$0x0] =	wrdreg $0xFFFFFFFF;
	(pc) =	sbr.abs _section_cstart, $3  }
0xc8: {  	[dreg:$0x1] =	wrdreg $0xFFFFFFFF  }
0xc9: {  	_ =	task.clear_ibuf [dreg:s9], $0x2FFFF;
	_ =	strace $0x9FFFFFFF  }
0xca: {  	(tm) =	ssettm $0x7FFFFFFF  }
0xcb: {  	_ =	shalt  }
tec
execute0_lowered:
.L_overlay_start_1:
0x0: {  	(tag) =	ssettag $0x1  }
0x1: {  	s1 =	srdreg.scid;
	s0 =	stileid.u32  }
0x2: {  	s25 =	sand.u32 $0x1, s1;
	s31 =	sshll.u32 s0, $0x1  }
0x3: {  	s1 =	sor.u32 s25, s31  }
0x4: {  	s2 =	rddreg [dreg:$0x0];
	s4 =	smul.u32 $0x186, s1  }
0x5: {  	s22 =	rddreg [dreg:$0x1];
	s5 =	smin.u32 s1, $0x14  }
0x6: {  	s29 =	rddreg [dreg:$0x2];
	s3 =	simm.s32 $0x0;
	s4 =	sadd.s32 s5, s4  }
0x7: {  	[smem:$0x7FF] =	sst s3;
	s23 =	sshll.u32 s4, $0x4  }
0x8: {  	_ =	strace $0x80000047;
	s5 =	simm.s32 $0x5;
	s4 =	sadd.s32 s22, s23  }
0x9: {  	[tilespmem:s3], [sflag:$0x5] =	stream.linear.gather [hbm4b:s4+s3], $0x2700, $0x38;
	[tilespmem:$0x9C00] =	vst v63  }
0xa: {  	_ =	swait.ge [sflag:s5], $0x2700  }
0xb: {  	s6 =	simm.s32 $0x2700;
	[sflag:s5] =	ssyncset.done $0x0  }
0xc: {  	s7 =	simm.s32 $0x4E00;
	s15 =	sadd.s32 $0x4E0, s23;
	[sflag:s5] =	ssyncadd.s32 $0xFFFFD900  }
0xd: {  	[tilespmem:s7], [sflag:$0x1] =	stream.indirect.gather [hbm4b:s2+s6], $0x1, s3, s6, $0xb8;
	[tilespmem:$0x9C00] =	vst v63  }
0xe: {  	s8 =	sadd.s32 s22, s15  }
0xf: {  	[tilespmem:s6], [sflag:$0x5] =	stream.linear.gather [hbm4b:s8+s3], $0x2700, $0x38;
	[tilespmem:$0x9C00] =	vst v63  }
0x10: {  	_ =	swait.ge [sflag:s5], $0x2700  }
0x11: {  	[sflag:s5] =	ssyncset.done $0x0  }
0x12: {  	s9 =	simm.s32 $0x7500;
	s10 =	simm.s32 $0x1;
	[sflag:s5] =	ssyncadd.s32 $0xFFFFD900  }
0x13: {  	[tilespmem:s9], [sflag:$0x2] =	stream.indirect.gather [hbm4b:s2+s6], $0x1, s6, s6, $0xb8;
	[tilespmem:$0x9C00] =	vst v63  }
0x14: {  	_ =	swait.ge [sflag:s10], $0x2700  }
0x15: {  	[sflag:s10] =	ssyncset.done $0x0  }
0x16: {  	s12 =	simm.s32 $0x3;
	s11 =	sadd.s32 s29, s23;
	[sflag:s10] =	ssyncadd.s32 $0xFFFFD900  }
0x17: {  	[hbm4b:s11+s3] =	stream.linear.scatter [tilespmem:s7], [sflag:$0x3], $0x2700, $0x38;
	[tilespmem:$0x9C00] =	vst v63  }
0x18: {  	_ =	swait.ge [sflag:s12], $0x2700  }
0x19: {  	s18 =	sadd.s32 $0x9C0, s23;
	[sflag:s12] =	ssyncset.done $0x0  }
0x1a: {  	s13 =	sadd.s32 s22, s18;
	[sflag:s12] =	ssyncadd.s32 $0xFFFFD900  }
0x1b: {  	[tilespmem:s3], [sflag:$0x5] =	stream.linear.gather [hbm4b:s13+s3], $0x2700, $0x38;
	[tilespmem:$0x9C00] =	vst v63  }
0x1c: {  	_ =	swait.ge [sflag:s5], $0x2700  }
0x1d: {  	[sflag:s5] =	ssyncset.done $0x0  }
0x1e: {  	s14 =	simm.s32 $0x2;
	[sflag:s5] =	ssyncadd.s32 $0xFFFFD900  }
0x1f: {  	[tilespmem:s7], [sflag:$0x1] =	stream.indirect.gather [hbm4b:s2+s6], $0x1, s3, s6, $0xb8;
	[tilespmem:$0x9C00] =	vst v63  }
0x20: {  	_ =	swait.ge [sflag:s14], $0x2700  }
0x21: {  	[sflag:s14] =	ssyncset.done $0x0  }
0x22: {  	s16 =	simm.s32 $0x4;
	s15 =	sadd.s32 s29, s15;
	[sflag:s14] =	ssyncadd.s32 $0xFFFFD900  }
0x23: {  	[hbm4b:s15+s3] =	stream.linear.scatter [tilespmem:s9], [sflag:$0x4], $0x2700, $0x38;
	[tilespmem:$0x9C00] =	vst v63  }
0x24: {  	_ =	swait.ge [sflag:s16], $0x2700  }
0x25: {  	s20 =	sadd.s32 $0xEA0, s23;
	[sflag:s16] =	ssyncset.done $0x0  }
0x26: {  	s17 =	sadd.s32 s22, s20;
	[sflag:s16] =	ssyncadd.s32 $0xFFFFD900  }
0x27: {  	[tilespmem:s6], [sflag:$0x5] =	stream.linear.gather [hbm4b:s17+s3], $0x2700, $0x38;
	[tilespmem:$0x9C00] =	vst v63  }
0x28: {  	_ =	swait.ge [sflag:s5], $0x2700  }
0x29: {  	[sflag:s5] =	ssyncset.done $0x0  }
0x2a: {  	[sflag:s5] =	ssyncadd.s32 $0xFFFFD900  }
0x2b: {  	[tilespmem:s9], [sflag:$0x2] =	stream.indirect.gather [hbm4b:s2+s6], $0x1, s6, s6, $0xb8;
	[tilespmem:$0x9C00] =	vst v63  }
0x2c: {  	_ =	swait.ge [sflag:s10], $0x2700  }
0x2d: {  	[sflag:s10] =	ssyncset.done $0x0  }
0x2e: {  	s18 =	sadd.s32 s29, s18;
	[sflag:s10] =	ssyncadd.s32 $0xFFFFD900  }
0x2f: {  	[hbm4b:s18+s3] =	stream.linear.scatter [tilespmem:s7], [sflag:$0x3], $0x2700, $0x38;
	[tilespmem:$0x9C00] =	vst v63  }
0x30: {  	_ =	swait.ge [sflag:s12], $0x2700  }
0x31: {  	s21 =	sadd.s32 $0x1380, s23;
	[sflag:s12] =	ssyncset.done $0x0  }
0x32: {  	s19 =	sadd.s32 s22, s21;
	[sflag:s12] =	ssyncadd.s32 $0xFFFFD900  }
0x33: {  	[tilespmem:s3], [sflag:$0x5] =	stream.linear.gather [hbm4b:s19+s3], $0x2700, $0x38;
	[tilespmem:$0x9C00] =	vst v63  }
0x34: {  	_ =	swait.ge [sflag:s5], $0x2700  }
0x35: {  	[sflag:s5] =	ssyncset.done $0x0  }
0x36: {  	[sflag:s5] =	ssyncadd.s32 $0xFFFFD900  }
0x37: {  	[tilespmem:s7], [sflag:$0x1] =	stream.indirect.gather [hbm4b:s2+s6], $0x1, s3, s6, $0xb8;
	[tilespmem:$0x9C00] =	vst v63  }
0x38: {  	_ =	swait.ge [sflag:s14], $0x2700  }
0x39: {  	[sflag:s14] =	ssyncset.done $0x0  }
0x3a: {  	s20 =	sadd.s32 s29, s20;
	[sflag:s14] =	ssyncadd.s32 $0xFFFFD900  }
0x3b: {  	[hbm4b:s20+s3] =	stream.linear.scatter [tilespmem:s9], [sflag:$0x4], $0x2700, $0x38;
	[tilespmem:$0x9C00] =	vst v63  }
0x3c: {  	_ =	swait.ge [sflag:s10], $0x2700  }
0x3d: {  	[sflag:s10] =	ssyncset.done $0x0  }
0x3e: {  	s21 =	sadd.s32 s29, s21;
	[sflag:s10] =	ssyncadd.s32 $0xFFFFD900  }
0x3f: {  	[hbm4b:s21+s3] =	stream.linear.scatter [tilespmem:s7], [sflag:$0x3], $0x2700, $0x38;
	[tilespmem:$0x9C00] =	vst v63  }
0x40: {  	_ =	swait.ge [sflag:s12], $0x2700  }
0x41: {  	p0 =	sgt.u32 s0, $0x9;
	[sflag:s12] =	ssyncset.done $0x0  }
0x42: {  	s24 =	simm.s32 @!p0 $0x0;
	[sflag:s12] =	ssyncadd.s32 $0xFFFFD900  }
0x43: {  	s31 =	ssub.s32 $0x2, s25;
	s25 =	simm.s32 @!p0 $0x80;
	_ =	swait.ge [sflag:s16], $0x2700  }
0x44: {  	s1 =	sshrl.u32 s31, $0x1;
	s30 =	sadd.s32 $0x1860, s23;
	[sflag:s16] =	ssyncset.done $0x0  }
0x45: {  	s23 =	sadd.s32 s22, s30;
	s22 =	simm.s32 @!p0 $0x5;
	[sflag:s16] =	ssyncadd.s32 $0xFFFFD900  }
0x46: {  	[tilespmem:s24], [sflag:$0x5] =	stream.linear.gather @!p0 [hbm4b:s23+s24], $0x80, $0x38;
	[tilespmem:$0x9C00] =	vst v63  }
0x47: {  	s26 =	simm.s32 @!p0 $0x4E00;
	s1 =	ssub.s32 s31, s1;
	_ =	swait.ge @!p0 [sflag:s22], $0x80  }
0x48: {  	s28 =	simm.s32 @!p0 $0x1;
	s1 =	smax.u32 s1, $0x1;
	[sflag:s22] =	ssyncset.done @!p0 $0x0  }
0x49: {  	s29 =	sadd.s32 s29, s30;
	s30 =	sadd.s32 $0xFFFFFFFF, s1;
	[sflag:s22] =	ssyncadd.s32 @!p0 $0xFFFFFF80  }
0x4a: {  	[tilespmem:s26], [sflag:$0x1] =	stream.indirect.gather @!p0 [hbm4b:s2+s25], $0x1, s24, s25, $0xb8;
	[tilespmem:$0x9C00] =	vst v63  }
0x4b: {  	p1 =	sne.s32 s30, $0x0;
	_ =	swait.ge @!p0 [sflag:s28], $0x80  }
.Ltmp0:
0x4c: {  	[sflag:s28] =	ssyncset.done @!p0 $0x0;
	(pc) =	sbr.rel @!p1 .LBB2_2-.Ltmp0, $4  }
0x4d: {  	[sflag:s28] =	ssyncadd.s32 @!p0 $0xFFFFFF80  }
0x4e: {  	[hbm4b:s29+s24] =	stream.linear.scatter @!p0 [tilespmem:s26], [sflag:$0x5], $0x80, $0x38;
	[tilespmem:$0x9C00] =	vst v63  }
0x4f: {  	_ =	swait.ge @!p0 [sflag:s22], $0x80  }
0x50: {  	[sflag:s22] =	ssyncset.done @!p0 $0x0  }
.LBB2_1:
0x51: {  	s30 =	sadd.s32 $0xFFFFFFFF, s30;
	[sflag:s22] =	ssyncadd.s32 @!p0 $0xFFFFFF80  }
0x52: {  	[tilespmem:s3], [sflag:$0x5] =	stream.linear.gather [hbm4b:s4+s3], $0x2700, $0x38;
	[tilespmem:$0x9C00] =	vst v63  }
0x53: {  	p1 =	sne.s32 s30, $0x0;
	_ =	swait.ge [sflag:s5], $0x2700  }
0x54: {  	[sflag:s5] =	ssyncset.done $0x0  }
0x55: {  	[sflag:s5] =	ssyncadd.s32 $0xFFFFD900  }
0x56: {  	[tilespmem:s7], [sflag:$0x1] =	stream.indirect.gather [hbm4b:s2+s6], $0x1, s3, s6, $0xb8;
	[tilespmem:$0x9C00] =	vst v63  }
0x57: {  	_ = 	snop  }
0x58: {  	[tilespmem:s6], [sflag:$0x5] =	stream.linear.gather [hbm4b:s8+s3], $0x2700, $0x38;
	[tilespmem:$0x9C00] =	vst v63  }
0x59: {  	_ =	swait.ge [sflag:s5], $0x2700  }
0x5a: {  	[sflag:s5] =	ssyncset.done $0x0  }
0x5b: {  	[sflag:s5] =	ssyncadd.s32 $0xFFFFD900  }
0x5c: {  	[tilespmem:s9], [sflag:$0x2] =	stream.indirect.gather [hbm4b:s2+s6], $0x1, s6, s6, $0xb8;
	[tilespmem:$0x9C00] =	vst v63  }
0x5d: {  	_ =	swait.ge [sflag:s10], $0x2700  }
0x5e: {  	[sflag:s10] =	ssyncset.done $0x0  }
0x5f: {  	[sflag:s10] =	ssyncadd.s32 $0xFFFFD900  }
0x60: {  	[hbm4b:s11+s3] =	stream.linear.scatter [tilespmem:s7], [sflag:$0x3], $0x2700, $0x38;
	[tilespmem:$0x9C00] =	vst v63  }
0x61: {  	_ =	swait.ge [sflag:s12], $0x2700  }
0x62: {  	[sflag:s12] =	ssyncset.done $0x0  }
0x63: {  	[sflag:s12] =	ssyncadd.s32 $0xFFFFD900  }
0x64: {  	[tilespmem:s3], [sflag:$0x5] =	stream.linear.gather [hbm4b:s13+s3], $0x2700, $0x38;
	[tilespmem:$0x9C00] =	vst v63  }
0x65: {  	_ =	swait.ge [sflag:s5], $0x2700  }
0x66: {  	[sflag:s5] =	ssyncset.done $0x0  }
0x67: {  	[sflag:s5] =	ssyncadd.s32 $0xFFFFD900  }
0x68: {  	[tilespmem:s7], [sflag:$0x1] =	stream.indirect.gather [hbm4b:s2+s6], $0x1, s3, s6, $0xb8;
	[tilespmem:$0x9C00] =	vst v63  }
0x69: {  	_ =	swait.ge [sflag:s14], $0x2700  }
0x6a: {  	[sflag:s14] =	ssyncset.done $0x0  }
0x6b: {  	[sflag:s14] =	ssyncadd.s32 $0xFFFFD900  }
0x6c: {  	[hbm4b:s15+s3] =	stream.linear.scatter [tilespmem:s9], [sflag:$0x4], $0x2700, $0x38;
	[tilespmem:$0x9C00] =	vst v63  }
0x6d: {  	_ =	swait.ge [sflag:s16], $0x2700  }
0x6e: {  	[sflag:s16] =	ssyncset.done $0x0  }
0x6f: {  	[sflag:s16] =	ssyncadd.s32 $0xFFFFD900  }
0x70: {  	[tilespmem:s6], [sflag:$0x5] =	stream.linear.gather [hbm4b:s17+s3], $0x2700, $0x38;
	[tilespmem:$0x9C00] =	vst v63  }
0x71: {  	_ =	swait.ge [sflag:s5], $0x2700  }
0x72: {  	[sflag:s5] =	ssyncset.done $0x0  }
0x73: {  	[sflag:s5] =	ssyncadd.s32 $0xFFFFD900  }
0x74: {  	[tilespmem:s9], [sflag:$0x2] =	stream.indirect.gather [hbm4b:s2+s6], $0x1, s6, s6, $0xb8;
	[tilespmem:$0x9C00] =	vst v63  }
0x75: {  	_ =	swait.ge [sflag:s10], $0x2700  }
0x76: {  	[sflag:s10] =	ssyncset.done $0x0  }
0x77: {  	[sflag:s10] =	ssyncadd.s32 $0xFFFFD900  }
0x78: {  	[hbm4b:s18+s3] =	stream.linear.scatter [tilespmem:s7], [sflag:$0x3], $0x2700, $0x38;
	[tilespmem:$0x9C00] =	vst v63  }
0x79: {  	_ =	swait.ge [sflag:s12], $0x2700  }
0x7a: {  	[sflag:s12] =	ssyncset.done $0x0  }
0x7b: {  	[sflag:s12] =	ssyncadd.s32 $0xFFFFD900  }
0x7c: {  	[tilespmem:s3], [sflag:$0x5] =	stream.linear.gather [hbm4b:s19+s3], $0x2700, $0x38;
	[tilespmem:$0x9C00] =	vst v63  }
0x7d: {  	_ =	swait.ge [sflag:s5], $0x2700  }
0x7e: {  	[sflag:s5] =	ssyncset.done $0x0  }
0x7f: {  	[sflag:s5] =	ssyncadd.s32 $0xFFFFD900  }
0x80: {  	[tilespmem:s7], [sflag:$0x1] =	stream.indirect.gather [hbm4b:s2+s6], $0x1, s3, s6, $0xb8;
	[tilespmem:$0x9C00] =	vst v63  }
0x81: {  	_ =	swait.ge [sflag:s14], $0x2700  }
0x82: {  	[sflag:s14] =	ssyncset.done $0x0  }
0x83: {  	[sflag:s14] =	ssyncadd.s32 $0xFFFFD900  }
0x84: {  	[hbm4b:s20+s3] =	stream.linear.scatter [tilespmem:s9], [sflag:$0x4], $0x2700, $0x38;
	[tilespmem:$0x9C00] =	vst v63  }
0x85: {  	_ =	swait.ge [sflag:s10], $0x2700  }
0x86: {  	[sflag:s10] =	ssyncset.done $0x0  }
0x87: {  	[sflag:s10] =	ssyncadd.s32 $0xFFFFD900  }
0x88: {  	[hbm4b:s21+s3] =	stream.linear.scatter [tilespmem:s7], [sflag:$0x3], $0x2700, $0x38;
	[tilespmem:$0x9C00] =	vst v63  }
0x89: {  	_ =	swait.ge [sflag:s12], $0x2700  }
0x8a: {  	[sflag:s12] =	ssyncset.done $0x0  }
0x8b: {  	[sflag:s12] =	ssyncadd.s32 $0xFFFFD900  }
0x8c: {  	_ =	swait.ge [sflag:s16], $0x2700  }
0x8d: {  	[sflag:s16] =	ssyncset.done $0x0  }
0x8e: {  	[sflag:s16] =	ssyncadd.s32 $0xFFFFD900  }
0x8f: {  	[tilespmem:s24], [sflag:$0x5] =	stream.linear.gather @!p0 [hbm4b:s23+s24], $0x80, $0x38;
	[tilespmem:$0x9C00] =	vst v63  }
0x90: {  	_ =	swait.ge @!p0 [sflag:s22], $0x80  }
0x91: {  	[sflag:s22] =	ssyncset.done @!p0 $0x0  }
0x92: {  	[sflag:s22] =	ssyncadd.s32 @!p0 $0xFFFFFF80  }
0x93: {  	[tilespmem:s26], [sflag:$0x1] =	stream.indirect.gather @!p0 [hbm4b:s2+s25], $0x1, s24, s25, $0xb8;
	[tilespmem:$0x9C00] =	vst v63  }
0x94: {  	_ =	swait.ge @!p0 [sflag:s28], $0x80  }
.Ltmp1:
0x95: {  	[sflag:s28] =	ssyncset.done @!p0 $0x0;
	(pc) =	sbr.rel @p1 .LBB2_1-.Ltmp1, $4  }
0x96: {  	[sflag:s28] =	ssyncadd.s32 @!p0 $0xFFFFFF80  }
0x97: {  	[hbm4b:s29+s24] =	stream.linear.scatter @!p0 [tilespmem:s26], [sflag:$0x5], $0x80, $0x38;
	[tilespmem:$0x9C00] =	vst v63  }
0x98: {  	_ =	swait.ge @!p0 [sflag:s22], $0x80  }
0x99: {  	[sflag:s22] =	ssyncset.done @!p0 $0x0  }
.LBB2_2:
0x9a: {  	[sflag:s22] =	ssyncadd.s32 @!p0 $0xFFFFFF80  }
0x9b: {  	_ =	sfence.sel $0x180000  }
0x9c: {  	[bflag:$0x0] =	sbarrier.arrive $0xFFFF  }
0x9d: {  	_ =	strace $0x90000047  }
0x9e: {  	[bflag:$0x2] =	sbarrier.arrive $0xFFFF  }
0x9f: {  	p0 =	sne.s32 s0, $0x0;
	s0 =	rddreg [dreg:$0x3]  }
0xa0: {  	s0 =	sadd.s32 @!p0 $0x100000, s0  }
0xa1: {  	[sflag:s0] =	ssyncadd.tile.s32 @!p0 $0x1;
	_ =	shalt  }
.Lfunc_end2:
_tile_overlayer_lowered:
.L_overlay_start_2:
0xa2: {  	(tag) =	ssettag $0x2  }
0xa3: {  	s0 =	rddreg [dreg:$0x0];
	s2 =	stileid.u32  }
0xa4: {  	s1 =	rddreg [dreg:$0x1];
	p0 =	sne.s32 s2, $0x0  }
0xa5: {  	s3 =	rddreg [dreg:$0x2];
	[bflag:$0x3] =	sbarrier.arrive $0xFFFF;
	s2 =	simm.s32 @!p0 $0x1C05  }
0xa6: {  	[timem:s3], [sflag:s2] =	dma.local @!p0 [hbm:s0], s1  }
0xa7: {  	s0 =	simm.s32 @!p0 $0x5  }
0xa8: {  	_ =	swait.ge @!p0 [sflag:s0], s1  }
0xa9: {  	s1 =	ssub.s32 @!p0 $0x0, s1;
	[sflag:s0] =	ssyncset.done @!p0 $0x0  }
0xaa: {  	[sflag:s0] =	ssyncadd.s32 @!p0 s1  }
0xab: {  	[bflag:$0x3] =	sbarrier.arrive $0xFFFF  }
0xac: {  	_ =	shalt  }

// kernel: kernel.8.cloned.1.call-start
scs
__scs_entry_jumppad:
0x0: {  	(pc) =	sbr.rel $0x88, $3  }
0x1: {  	(tag) =	ssettag $0x0;
	lr =	simm.s32 $0x1  }
0x2: {  	[smem:$0x3F9E] =	sst lr;
	_ =	strace $0xD0000000  }
0x3: {  	_ = 	snop  }
0x4: {  	_ = 	snop  }
0x5: {  	_ = 	snop  }
0x6: {  	_ = 	snop  }
0x7: {  	_ = 	snop  }
__scs_overlays_trampoline_lowered:
0x8: {  	[smem:$0x3FAD] =	sst s0  }
0x9: {  	[smem:$0x3FAE] =	sst s1  }
0xa: {  	[smem:$0x3FAF] =	sst s2  }
0xb: {  	[smem:$0x3FB0] =	sst s3  }
0xc: {  	[smem:$0x3FB1] =	sst s4  }
0xd: {  	[smem:$0x3FB2] =	sst s5  }
0xe: {  	[smem:$0x3FB3] =	sst s6  }
0xf: {  	[smem:$0x3FB4] =	sst s7  }
0x10: {  	[smem:$0x3FB5] =	sst s8  }
0x11: {  	[smem:$0x3FB6] =	sst s9;
	s0 =	simm.s32 @!p0 $0x0  }
0x12: {  	s1 =	sld [smem:$0x3F9C];
	s0 =	simm.s32 @p0 $0x1  }
0x13: {  	[smem:$0x3FB7] =	sst s0;
	s0 =	simm.s32 @!p1 $0x0  }
0x14: {  	s2 =	sld [smem:$0x3F9B];
	s0 =	simm.s32 @p1 $0x1  }
0x15: {  	[smem:$0x3FB8] =	sst s0;
	s0 =	simm.s32 @!p2 $0x0  }
0x16: {  	s3 =	sld [smem:$0x3FDB];
	s0 =	simm.s32 @p2 $0x1  }
0x17: {  	s4 =	simm.s32 $0x1BF5;
	[smem:$0x3FBA] =	sst s0  }
0x18: {  	s0 =	sld [smem:$0x3F9D];
	_ =	swait.ge [sflag:s4], $0x0  }
0x19: {  	s7 =	sld [smem:$0x3F9E]  }
0x1a: {  	s8 =	sadd.s32 $0xFFFFE003, lr  }
0x1b: {  	s9 =	sadd.s32 $0xFFFFFEF7, lr;
	s5 =	simm.s32 $0xFFFFFFFF;
	p2 =	slt.u32 s8, $0xFFFFF086  }
0x1c: {  	p1 =	slt.u32 s9, $0xF7A;
	s5 =	simm.s32 @!p2 $0x0  }
0x1d: {  	s5 =	simm.s32 @p1 $0x1;
	p0 =	seq.s32 s7, s2  }
0x1e: {  	s7 =	smul.u32 @!p0 $0xF7A, s2;
	p2 =	seq.s32 @!p0 s5, $0x0  }
0x1f: {  	s9 =	smul.u32 $0xF7A, s1;
	s8 =	simm.s32 @!p0 $0x1BF5;
	p2 =	por !p2, p0  }
0x20: {  	[sflag:s8] =	ssyncset.s32 @!p0 $0xFFFFF086;
	s6 =	sadd.s32 @!p0 s3, s7;
	s7 =	simm.s32 @!p0 $0x108  }
0x21: {  	s3 =	sadd.s32 s3, s9;
	s6 =	sadd.s32 @!p0 $0x88, s6;
	s7 =	simm.s32 @p2 $0x1082  }
0x22: {  	[simem:s7], [sflag:s8] =	dma.local @!p0 [hbm:s6], $0xF7A  }
0x23: {  	s9 =	sor.u32 $0xD0000000, s2;
	s6 =	simm.s32 $0x108;
	_ =	swait.ge @!p0 [sflag:s8], $0x0  }
0x24: {  	s3 =	sadd.s32 $0x88, s3;
	s6 =	simm.s32 @!p1 $0x1082;
	[sflag:s4] =	ssyncset.s32 $0xFFFFF086  }
0x25: {  	[simem:s6], [sflag:s4] =	dma.local [hbm:s3], $0xF7A  }
0x26: {  	[smem:$0x3F9E] =	sst s1;
	(tag) =	ssettag s2;
	_ =	strace s9  }
0x27: {  	s1 =	sld [smem:$0x3FAE]  }
0x28: {  	s2 =	sld [smem:$0x3FAF]  }
0x29: {  	s4 =	sld [smem:$0x3FB1]  }
0x2a: {  	p0 =	seq.s32 s5, $0x0;
	s5 =	sld [smem:$0x3FB2]  }
0x2b: {  	s6 =	sld [smem:$0x3FB3]  }
0x2c: {  	s7 =	sld [smem:$0x3FB4]  }
0x2d: {  	s3 =	simm.s32 $0x108;
	s8 =	sld [smem:$0x3FB5]  }
0x2e: {  	s3 =	simm.s32 @!p0 $0x1082;
	s9 =	sld [smem:$0x3FB6]  }
0x2f: {  	lr =	sadd.s32 s0, s3;
	s0 =	sld [smem:$0x3FAD]  }
0x30: {  	s3 =	sld [smem:$0x3FB0]  }
0x31: {  	[smem:$0x3FB9] =	sst s10  }
0x32: {  	s10 =	sld [smem:$0x3FB7];
	_ =	sdelay $0x3  }
0x33: {  	p0 =	seq.s32 s10, $0x1;
	s10 =	sld [smem:$0x3FB9];
	_ =	sdelay $0x3  }
0x34: {  	[smem:$0x3FB9] =	sst s10  }
0x35: {  	s10 =	sld [smem:$0x3FB8];
	_ =	sdelay $0x3  }
0x36: {  	p1 =	seq.s32 s10, $0x1;
	s10 =	sld [smem:$0x3FB9];
	_ =	sdelay $0x3  }
0x37: {  	[smem:$0x3FB9] =	sst s10  }
0x38: {  	s10 =	sld [smem:$0x3FBA]  }
0x39: {  	_ = 	snop;
	(pc) =	sbr.ind lr, $3  }
0x3a: {  	_ = 	snop  }
0x3b: {  	_ = 	snop  }
0x3c: {  	p2 =	seq.s32 s10, $0x1;
	s10 =	sld [smem:$0x3FB9]  }
0x3d: {  	_ =	shalt  }
0x3e: {  	_ =	shalt  }
0x3f: {  	_ =	shalt  }
0x40: {  	_ =	shalt  }
0x41: {  	_ =	shalt  }
0x42: {  	_ =	shalt  }
0x43: {  	_ =	shalt  }
0x44: {  	_ =	shalt  }
0x45: {  	_ =	shalt  }
0x46: {  	_ =	shalt  }
0x47: {  	_ =	shalt  }
0x48: {  	_ =	shalt  }
0x49: {  	_ =	shalt  }
0x4a: {  	_ =	shalt  }
0x4b: {  	_ =	shalt  }
0x4c: {  	_ =	shalt  }
0x4d: {  	_ =	shalt  }
0x4e: {  	_ =	shalt  }
0x4f: {  	_ =	shalt  }
0x50: {  	_ =	shalt  }
0x51: {  	_ =	shalt  }
0x52: {  	_ =	shalt  }
0x53: {  	_ =	shalt  }
0x54: {  	_ =	shalt  }
0x55: {  	_ =	shalt  }
0x56: {  	_ =	shalt  }
0x57: {  	_ =	shalt  }
0x58: {  	_ =	shalt  }
0x59: {  	_ =	shalt  }
0x5a: {  	_ =	shalt  }
0x5b: {  	_ =	shalt  }
0x5c: {  	_ =	shalt  }
0x5d: {  	_ =	shalt  }
0x5e: {  	_ =	shalt  }
0x5f: {  	_ =	shalt  }
0x60: {  	_ =	shalt  }
0x61: {  	_ =	shalt  }
0x62: {  	_ =	shalt  }
0x63: {  	_ =	shalt  }
0x64: {  	_ =	shalt  }
0x65: {  	_ =	shalt  }
0x66: {  	_ =	shalt  }
0x67: {  	_ =	shalt  }
0x68: {  	_ =	shalt  }
0x69: {  	_ =	shalt  }
0x6a: {  	_ =	shalt  }
0x6b: {  	_ =	shalt  }
0x6c: {  	_ =	shalt  }
0x6d: {  	_ =	shalt  }
0x6e: {  	_ =	shalt  }
0x6f: {  	_ =	shalt  }
0x70: {  	_ =	shalt  }
0x71: {  	_ =	shalt  }
0x72: {  	_ =	shalt  }
0x73: {  	_ =	shalt  }
0x74: {  	_ =	shalt  }
0x75: {  	_ =	shalt  }
0x76: {  	_ =	shalt  }
0x77: {  	_ =	shalt  }
0x78: {  	_ =	shalt  }
0x79: {  	_ =	shalt  }
0x7a: {  	_ =	shalt  }
0x7b: {  	_ =	shalt  }
0x7c: {  	_ =	shalt  }
0x7d: {  	_ =	shalt  }
0x7e: {  	_ =	shalt  }
0x7f: {  	_ =	shalt  }
0x80: {  	_ =	shalt  }
0x81: {  	_ =	shalt  }
0x82: {  	_ =	shalt  }
0x83: {  	_ =	shalt  }
0x84: {  	_ =	shalt  }
0x85: {  	_ =	shalt  }
0x86: {  	_ =	shalt  }
0x87: {  	_ =	shalt  }
.Lfunc_end0:
.L_simem_size_0:
called_computation.1_lowered:
.L_overlay_start_0:
0x88: {  	s2 =	sld [smem:$0x3FD9]  }
0x89: {  	s3 =	sld [smem:$0x3FFE];
	_ =	sdelay $0x1  }
0x8a: {  	s1 =	srdreg.scid  }
0x8b: {  	s0 =	sand.u32 $0x1, s1  }
0x8c: {  	s17 =	sshll.u32 s0, $0xA;
	s2 =	sadd.s32 s3, s2  }
0x8d: {  	s2 =	sadd.s32 s2, s17  }
0x8e: {  	[smem:$0x3FC5] =	sst s2  }
0x8f: {  	_ = 	snop  }
0x90: {  	s18 =	sld [smem:$0x3FC7];
	(tm) =	ssettm $0x1  }
0x91: {  	s19 =	sld [smem:$0x3FFB];
	_ =	sdelay $0x3  }
0x92: {  	_ =	strace s19  }
0x93: {  	s2 =	sld [smem:$0x3FFC];
	_ =	sdelay $0x3  }
0x94: {  	_ =	strace s2  }
0x95: {  	s2 =	sld [smem:$0x3FFD];
	_ =	sdelay $0x3  }
0x96: {  	_ =	strace s2  }
0x97: {  	_ =	strace $0x8FFFFFFF  }
0x98: {  	s20 =	sld [smem:$0x3FDB];
	_ =	sdelay $0x1  }
0x99: {  	s4 =	simm.s32 $_scs_section_size  }
0x9a: {  	s5 =	simm.s32 $_size__tile_overlayer_lowered;
	s6 =	simm.s32 $_tile_overlayer_lowered  }
0x9b: {  	s7 =	simm.s32 $0x1BFF;
	s21 =	sshll.u32 s6, $0x1;
	s4 =	sadd.s32 s4, s20  }
0x9c: {  	s22 =	simm.s32 $0x0;
	s5 =	sshll.u32 s5, $0x1;
	s6 =	sadd.s32 s21, s4  }
0x9d: {  	[timem:s22], [sflag:s7] =	dma.local [hbm:s6], s5  }
0x9e: {  	_ =	swait.ge [sflag:s7], s5  }
0x9f: {  	s5 =	ssub.s32 $0x0, s5;
	[sflag:s7] =	ssyncset.done $0x0  }
0xa0: {  	[sflag:s7] =	ssyncadd.s32 s5;
	_ =	sdelay $0x1  }
0xa1: {  	s23 =	simm.s32 $0x1B8B  }
0xa2: {  	_ =	swait.ge [sflag:s23], $0x1  }
0xa3: {  	[sflag:s23] =	ssyncset.done $0x0  }
0xa4: {  	[sflag:s23] =	ssyncadd.s32 $0xFFFFFFFF  }
0xa5: {  	s5 =	sld [smem:$0x0]  }
0xa6: {  	s6 =	sand.u32 $0xFFFFFFFE, s1  }
0xa7: {  	p0 =	sne.s32 s1, s6  }
0xa8: {  	s6 =	sshll.u32 @p0 s6, $0xE  }
0xa9: {  	s6 =	sadd.s32 @p0 $0x11B8D, s6;
	s7 =	sshll.u32 @p0 s5, $0x11  }
0xaa: {  	s6 =	sor.u32 @p0 s7, s6  }
0xab: {  	[sflag:s6] =	ssyncadd.remote.s32 @p0 $0x1;
	_ =	sdelay $0x1  }
0xac: {  	s6 =	simm.s32 @p0 $0x1B8D  }
0xad: {  	_ =	swait.eq @p0 [sflag:s6], $0x1  }
0xae: {  	[sflag:s6] =	ssyncadd.s32 @p0 $0xFFFFFFFF  }
0xaf: {  	s7 =	sshll.u32 @!p0 s1, $0xE  }
0xb0: {  	s7 =	sor.u32 @!p0 $0x4000, s7;
	s6 =	simm.s32 @!p0 $0x1B8D  }
0xb1: {  	s5 =	sshll.u32 @!p0 s5, $0x11;
	s7 =	sadd.s32 @!p0 $0x11B8D, s7;
	_ =	swait.eq @!p0 [sflag:s6], $0x1  }
0xb2: {  	s5 =	sor.u32 @!p0 s5, s7;
	[sflag:s6] =	ssyncadd.s32 @!p0 $0xFFFFFFFF  }
0xb3: {  	s25 =	simm.s32 $0x1B8E;
	s24 =	sld [smem:$0x3FFE];
	[sflag:s5] =	ssyncadd.remote.s32 @!p0 $0x1  }
0xb4: {  	s26 =	simm.s32 $execute0_lowered;
	[smem:$0x3FD2] =	sst s25  }
0xb5: {  	s6 =	sshll.u32 s26, $0x1;
	_ =	strace $0x80000049;
	[dreg:$0x1] =	wrdreg $0xFFFFFFFF  }
0xb6: {  	s28 =	simm.s32 $_size_execute0_lowered;
	s4 =	sadd.s32 s4, s6;
	[dreg:$0x0] =	wrdreg $0x0  }
0xb7: {  	s6 =	sshll.u32 s28, $0x1;
	[dreg:$0x2] =	wrdreg s4  }
0xb8: {  	[dreg:$0x3] =	wrdreg s6  }
0xb9: {  	[dreg:$0x4] =	wrdreg $0xC0  }
0xba: {  	_ =	task [dreg:s22], $0x5FFFF  }
0xbb: {  	[dreg:$0x1] =	wrdreg $0xFFFFFFFF  }
0xbc: {  	[dreg:$0x0] =	wrdreg $0x60  }
0xbd: {  	[dreg:$0x2] =	wrdreg s24  }
0xbe: {  	[dreg:$0x3] =	wrdreg s18  }
0xbf: {  	[dreg:$0x4] =	wrdreg $0xA  }
0xc0: {  	_ =	task.clear_ibuf [dreg:s22], $0x5FFFF;
	_ =	strace $0x90000049  }
0xc1: {  	s29 =	simm.s32 $0xA;
	_ =	strace $0x8000004B  }
0xc2: {  	_ =	swait.ge [sflag:s29], $0x1  }
0xc3: {  	[sflag:s29] =	ssyncadd.s32 $0xFFFFFFFF  }
0xc4: {  	_ =	strace $0x9000004B  }
0xc5: {  	_ =	sfence  }
0xc6: {  	s30 =	sld [smem:$0x0];
	_ =	sdelay $0x2  }
0xc7: {  	s31 =	sshll.u32 s1, $0xD;
	s1 =	sshrl.u32 s1, $0x2  }
0xc8: {  	s4 =	sand.u32 $0x4000, s31;
	s1 =	sadd.s32 s1, s30  }
0xc9: {  	s0 =	sor.u32 s4, s0;
	s1 =	sshll.u32 s1, $0x11  }
0xca: {  	s0 =	sor.u32 s1, s0  }
0xcb: {  	s0 =	sadd.s32 $0x8F2B, s0  }
0xcc: {  	[sflag:s0] =	ssyncadd.remote.s32 $0x1  }
0xcd: {  	_ =	sfence.sel $0xFFFF  }
0xce: {  	[dreg:$0x0] =	wrdreg $0xFFFFFFFF;
	(pc) =	sbr.abs _section_cstart, $3  }
0xcf: {  	[dreg:$0x1] =	wrdreg $0xFFFFFFFF  }
0xd0: {  	_ =	task.clear_ibuf [dreg:s22], $0x2FFFF;
	_ =	strace $0x9FFFFFFF  }
0xd1: {  	(tm) =	ssettm $0x7FFFFFFF  }
tec
execute0_lowered:
.L_overlay_start_1:
0x0: {  	(tag) =	ssettag $0x1  }
0x1: {  	s0 =	srdreg.scid;
	s4 =	rddreg [dreg:$0x0]  }
0x2: {  	s16 =	stileid.u32;
	s15 =	rddreg [dreg:$0x1];
	s2 =	simm.s32 $0x0  }
0x3: {  	s19 =	simm.s32 $0x5;
	s20 =	simm.s32 $0x6180;
	s21 =	simm.s32 $0x2080  }
0x4: {  	s22 =	simm.s32 $0xE380;
	s28 =	simm.s32 $0x2;
	s29 =	simm.s32 $0x4  }
0x5: {  	s31 =	simm.s32 $0x0;
	s0 =	sand.u32 $0x1, s0;
	s1 =	sshll.u32 s16, $0x1  }
0x6: {  	[smem:$0x7FF] =	sst s2;
	s1 =	sor.u32 s0, s1;
	s0 =	ssub.s32 $0x2, s0  }
0x7: {  	p0 =	sgt.u32 s16, $0x9;
	s3 =	smul.u32 $0x186, s1;
	s23 =	sshrl.u32 s0, $0x1  }
0x8: {  	_ =	strace $0x8000004A;
	s1 =	smin.u32 s1, $0x14;
	s0 =	ssub.s32 s0, s23  }
0x9: {  	s23 =	simm.s32 $0x8200;
	s1 =	sadd.s32 s1, s3;
	s3 =	sadd.s32 $0xC00, s4  }
0xa: {  	s18 =	smax.u32 s0, $0x1;
	s5 =	smul.u32 $0x30, s1;
	s1 =	sshll.u32 s1, $0x4  }
0xb: {  	s6 =	sadd.s32 $0x410, s1;
	s24 =	sadd.s32 s15, s1;
	s7 =	sadd.s32 $0x820, s1  }
0xc: {  	s8 =	sadd.s32 $0xC30, s1;
	s11 =	sadd.s32 $0x1040, s1;
	s12 =	sadd.s32 $0x1450, s1  }
0xd: {  	s1 =	sadd.s32 $0x1860, s1;
	s4 =	sadd.s32 s5, s4;
	s6 =	sand.u32 $0x1FFFFFF0, s6  }
0xe: {  	[dreg:$0x3] =	wrdreg s24;
	s9 =	sand.u32 $0x1FFFFFF0, s7;
	s10 =	sand.u32 $0x1FFFFFF0, s8  }
0xf: {  	s11 =	sand.u32 $0x1FFFFFF0, s11;
	s13 =	sand.u32 $0x1FFFFFF0, s12;
	s1 =	sand.u32 $0x1FFFFFF0, s1  }
0x10: {  	s24 =	simm.s32 $0x14500;
	s25 =	sadd.s32 s15, s6;
	s26 =	sadd.s32 $0x24AC00, s4  }
0x11: {  	s7 =	sadd.s32 $0x24B830, s4;
	s8 =	sadd.s32 s15, s9;
	s9 =	sadd.s32 $0x24C460, s4  }
.Ltmp0:
0x12: {  	s10 =	sadd.s32 s15, s10;
	s11 =	sadd.s32 s15, s11;
	(pc) =	sbr.rel .LBB2_1-.Ltmp0, $4  }
0x13: {  	s12 =	sadd.s32 $0x24D090, s4;
	s13 =	sadd.s32 s15, s13;
	[dreg:$0x4] =	wrdreg s25  }
0x14: {  	s14 =	sadd.s32 $0x24DCC0, s4;
	s1 =	sadd.s32 s15, s1;
	[dreg:$0x5] =	wrdreg s26  }
0x15: {  	s30 =	sadd.s32 $0x24F520, s4;
	s17 =	sadd.s32 $0x24E8F0, s4;
	[dreg:$0x6] =	wrdreg s1  }
0x16: {  	[dreg:$0x7] =	wrdreg s30;
	s25 =	simm.s32 $0x1;
	s26 =	simm.s32 $0x3  }
.LBB2_15:
0x17: {  	_ =	swait.ge [sflag:s28], $0x6180;
	s31 =	sadd.s32 $0x1, s31  }
0x18: {  	[sflag:s28] =	ssyncset.done $0x0;
	p1 =	sne.s32 s31, s18  }
.Ltmp1:
0x19: {  	[sflag:s28] =	ssyncadd.s32 $0xFFFF9E80;
	(pc) =	sbr.rel @!p1 .LBB2_16-.Ltmp1, $4  }
0x1a: {  	[hbm4b:s17+s2] =	stream.linear.scatter [tilespmem:s24], [sflag:$0x4], $0x6180, $0x38;
	[tilespmem:$0x1A680] =	vst v63  }
0x1b: {  	_ =	swait.ge [sflag:s29], $0x6180  }
0x1c: {  	[sflag:s29] =	ssyncset.done $0x0  }
0x1d: {  	[sflag:s29] =	ssyncadd.s32 $0xFFFF9E80  }
.LBB2_1:
0x1e: {  	s0 =	rddreg [dreg:$0x3]  }
0x1f: {  	[tilespmem:s2], [sflag:$0x5] =	stream.linear.gather [hbm4b:s0+s2], $0x2080, $0x38;
	[tilespmem:$0x1A680] =	vst v63  }
0x20: {  	_ =	swait.ge [sflag:s19], $0x2080  }
0x21: {  	[sflag:s19] =	ssyncset.done $0x0  }
0x22: {  	s1 =	simm.s32 $0x20;
	[sflag:s19] =	ssyncadd.s32 $0xFFFFDF80  }
0x23: {  	v0 =	vld [tilespmem:s1+$0xFFFFFFE0];
	_ =	sdelay $0x2  }
0x24: {  	s5 =	simm.s32 $0x0  }
0x25: {  	s0 =	smul.u32 $0x600, s5  }
0x26: {  	v1 =	vshrl.u32 v0, $0x7  }
0x27: {  	s4 =	simm.s32 $0x0;
	s0 =	sshra.s32 s0, $0x2;
	v1 =	vmul.u32 $0x180, v1  }
0x28: {  	s4 =	sand.u32 $0x40, s4;
	s15 =	sadd.s32 $0x2080, s0;
	v0 =	vand.u32 $0x7F, v0  }
0x29: {  	s16 =	sadd.s32 $0x2100, s0;
	s30 =	sor.u32 s4, s15;
	v0 =	vor.u32 v0, v1  }
0x2a: {  	s5 =	sadd.s32 $0x2180, s0;
	s6 =	sor.u32 s4, s16;
	[tilespmem:s30+$0x0] =	vst v0;
	v1 =	vadd.s32 $0x80, v0  }
0x2b: {  	v0 =	vadd.s32 $0x100, v0;
	[tilespmem:s6+$0x0] =	vst v1;
	s6 =	sor.u32 s4, s5  }
0x2c: {  	[tilespmem:s6+$0x0] =	vst v0  }
0x2d: {  	v0 =	vld [tilespmem:s1+$0xFFFFFFF0];
	_ =	sdelay $0x4  }
0x2e: {  	v1 =	vshrl.u32 v0, $0x7  }
0x2f: {  	s4 =	simm.s32 $0x10;
	v1 =	vmul.u32 $0x180, v1  }
0x30: {  	s0 =	sand.u32 $0x50, s4;
	v0 =	vand.u32 $0x7F, v0  }
0x31: {  	s6 =	sor.u32 s0, s15;
	v0 =	vor.u32 v0, v1  }
0x32: {  	[tilespmem:s6+$0x0] =	vst v0;
	v1 =	vadd.s32 $0x80, v0;
	s6 =	sor.u32 s0, s16  }
0x33: {  	v0 =	vadd.s32 $0x100, v0;
	s0 =	sor.u32 s0, s5;
	[tilespmem:s6+$0x0] =	vst v1  }
0x34: {  	[tilespmem:s0+$0x0] =	vst v0  }
0x35: {  	v0 =	vld [tilespmem:s1+$0x0];
	_ =	sdelay $0x4  }
0x36: {  	v1 =	vshrl.u32 v0, $0x7  }
0x37: {  	s4 =	simm.s32 $0x20;
	v1 =	vmul.u32 $0x180, v1  }
0x38: {  	s0 =	sand.u32 $0x60, s4;
	v0 =	vand.u32 $0x7F, v0  }
0x39: {  	s6 =	sor.u32 s0, s15;
	v0 =	vor.u32 v0, v1  }
0x3a: {  	[tilespmem:s6+$0x0] =	vst v0;
	v1 =	vadd.s32 $0x80, v0;
	s6 =	sor.u32 s0, s16  }
0x3b: {  	v0 =	vadd.s32 $0x100, v0;
	s0 =	sor.u32 s0, s5;
	[tilespmem:s6+$0x0] =	vst v1  }
0x3c: {  	[tilespmem:s0+$0x0] =	vst v0  }
0x3d: {  	v0 =	vld [tilespmem:s1+$0x10];
	_ =	sdelay $0x4  }
0x3e: {  	v1 =	vshrl.u32 v0, $0x7  }
0x3f: {  	s0 =	simm.s32 $0x30;
	v1 =	vmul.u32 $0x180, v1  }
0x40: {  	s6 =	sand.u32 $0x70, s0;
	v0 =	vand.u32 $0x7F, v0  }
0x41: {  	s15 =	sor.u32 s6, s15;
	v0 =	vor.u32 v0, v1  }
0x42: {  	s16 =	sor.u32 s6, s16;
	[tilespmem:s15+$0x0] =	vst v0;
	v1 =	vadd.s32 $0x80, v0  }
0x43: {  	s30 =	simm.s32 $0x0;
	s4 =	sor.u32 s6, s5;
	v0 =	vadd.s32 $0x100, v0;
	[tilespmem:s16+$0x0] =	vst v1  }
.LBB2_2:
0x44: {  	s30 =	sadd.s32 $0x4, s30;
	[tilespmem:s4+$0x0] =	vst v0;
	s0 =	sadd.s32 $0x40, s0;
	s1 =	sadd.s32 $0x40, s1  }
0x45: {  	v0 =	vld [tilespmem:s1+$0xFFFFFFE0];
	s4 =	sshrl.u32 s30, $0x3;
	p1 =	slt.u32 s30, $0x204  }
0x46: {  	s4 =	smul.u32 $0x600, s4;
	_ =	sdelay $0x1  }
0x47: {  	s5 =	sshra.s32 s4, $0x2  }
0x48: {  	s4 =	sadd.s32 $0x2080, s5;
	s16 =	sadd.s32 $0x2100, s5;
	s15 =	sadd.s32 $0x2180, s5  }
0x49: {  	v1 =	vshrl.u32 v0, $0x7  }
0x4a: {  	s5 =	sadd.s32 $0xFFFFFFD0, s0;
	v1 =	vmul.u32 $0x180, v1  }
0x4b: {  	v0 =	vand.u32 $0x7F, v0;
	s5 =	sand.u32 $0x40, s5  }
0x4c: {  	s6 =	sor.u32 s5, s4;
	v0 =	vor.u32 v0, v1  }
0x4d: {  	[tilespmem:s6+$0x0] =	vst v0;
	v1 =	vadd.s32 $0x80, v0;
	s6 =	sor.u32 s5, s16  }
0x4e: {  	v0 =	vadd.s32 $0x100, v0;
	s5 =	sor.u32 s5, s15;
	[tilespmem:s6+$0x0] =	vst v1  }
0x4f: {  	[tilespmem:s5+$0x0] =	vst v0  }
0x50: {  	v0 =	vld [tilespmem:s1+$0xFFFFFFF0];
	_ =	sdelay $0x4  }
0x51: {  	v1 =	vshrl.u32 v0, $0x7  }
0x52: {  	s5 =	sadd.s32 $0xFFFFFFE0, s0;
	v1 =	vmul.u32 $0x180, v1  }
0x53: {  	s5 =	sand.u32 $0x50, s5;
	v0 =	vand.u32 $0x7F, v0  }
0x54: {  	s6 =	sor.u32 s5, s4;
	v0 =	vor.u32 v0, v1  }
0x55: {  	[tilespmem:s6+$0x0] =	vst v0;
	v1 =	vadd.s32 $0x80, v0;
	s6 =	sor.u32 s5, s16  }
0x56: {  	v0 =	vadd.s32 $0x100, v0;
	s5 =	sor.u32 s5, s15;
	[tilespmem:s6+$0x0] =	vst v1  }
0x57: {  	[tilespmem:s5+$0x0] =	vst v0  }
0x58: {  	v0 =	vld [tilespmem:s1+$0x0];
	_ =	sdelay $0x4  }
0x59: {  	v1 =	vshrl.u32 v0, $0x7  }
0x5a: {  	s5 =	sadd.s32 $0xFFFFFFF0, s0;
	v1 =	vmul.u32 $0x180, v1  }
0x5b: {  	s5 =	sand.u32 $0x60, s5;
	v0 =	vand.u32 $0x7F, v0  }
0x5c: {  	s6 =	sor.u32 s5, s4;
	v0 =	vor.u32 v0, v1  }
0x5d: {  	[tilespmem:s6+$0x0] =	vst v0;
	v1 =	vadd.s32 $0x80, v0;
	s6 =	sor.u32 s5, s16  }
0x5e: {  	v0 =	vadd.s32 $0x100, v0;
	s5 =	sor.u32 s5, s15;
	[tilespmem:s6+$0x0] =	vst v1  }
0x5f: {  	[tilespmem:s5+$0x0] =	vst v0  }
0x60: {  	v0 =	vld [tilespmem:s1+$0x10];
	_ =	sdelay $0x4  }
0x61: {  	v1 =	vshrl.u32 v0, $0x7  }
.Ltmp2:
0x62: {  	v1 =	vmul.u32 $0x180, v1;
	(pc) =	sbr.rel @p1 .LBB2_2-.Ltmp2, $4  }
0x63: {  	s5 =	sand.u32 $0x70, s0;
	v0 =	vand.u32 $0x7F, v0  }
0x64: {  	s4 =	sor.u32 s5, s4;
	v0 =	vor.u32 v0, v1  }
0x65: {  	[tilespmem:s4+$0x0] =	vst v0;
	v1 =	vadd.s32 $0x80, v0;
	s4 =	sor.u32 s5, s16  }
0x66: {  	v0 =	vadd.s32 $0x100, v0;
	[tilespmem:s4+$0x0] =	vst v1;
	s4 =	sor.u32 s5, s15  }
0x67: {  	[tilespmem:s4+$0x0] =	vst v0  }
0x68: {  	[tilespmem:s22], [sflag:$0x1] =	stream.indirect.gather [hbm4b:s3+s20], $0x1, s21, s20, $0xb8;
	[tilespmem:$0x1A680] =	vst v63  }
0x69: {  	s0 =	rddreg [dreg:$0x4]  }
0x6a: {  	[tilespmem:s2], [sflag:$0x5] =	stream.linear.gather [hbm4b:s0+s2], $0x2080, $0x38;
	[tilespmem:$0x1A680] =	vst v63  }
0x6b: {  	_ =	swait.ge [sflag:s19], $0x2080  }
0x6c: {  	[sflag:s19] =	ssyncset.done $0x0  }
0x6d: {  	s1 =	simm.s32 $0x20;
	[sflag:s19] =	ssyncadd.s32 $0xFFFFDF80  }
0x6e: {  	v0 =	vld [tilespmem:s1+$0xFFFFFFE0];
	_ =	sdelay $0x2  }
0x6f: {  	s5 =	simm.s32 $0x0  }
0x70: {  	s0 =	smul.u32 $0x600, s5  }
0x71: {  	v1 =	vshrl.u32 v0, $0x7  }
0x72: {  	s6 =	simm.s32 $0x0;
	s0 =	sshra.s32 s0, $0x2;
	v1 =	vmul.u32 $0x180, v1  }
0x73: {  	s4 =	sand.u32 $0x40, s6;
	s5 =	sadd.s32 $0x8200, s0;
	v0 =	vand.u32 $0x7F, v0  }
0x74: {  	s6 =	sadd.s32 $0x8280, s0;
	s15 =	sor.u32 s4, s5;
	v0 =	vor.u32 v0, v1  }
0x75: {  	s16 =	sadd.s32 $0x8300, s0;
	[tilespmem:s15+$0x0] =	vst v0;
	v1 =	vadd.s32 $0x80, v0;
	s15 =	sor.u32 s4, s6  }
0x76: {  	v0 =	vadd.s32 $0x100, v0;
	[tilespmem:s15+$0x0] =	vst v1;
	s15 =	sor.u32 s4, s16  }
0x77: {  	[tilespmem:s15+$0x0] =	vst v0  }
0x78: {  	v0 =	vld [tilespmem:s1+$0xFFFFFFF0];
	_ =	sdelay $0x4  }
0x79: {  	v1 =	vshrl.u32 v0, $0x7  }
0x7a: {  	s4 =	simm.s32 $0x10;
	v1 =	vmul.u32 $0x180, v1  }
0x7b: {  	s0 =	sand.u32 $0x50, s4;
	v0 =	vand.u32 $0x7F, v0  }
0x7c: {  	s15 =	sor.u32 s0, s5;
	v0 =	vor.u32 v0, v1  }
0x7d: {  	[tilespmem:s15+$0x0] =	vst v0;
	v1 =	vadd.s32 $0x80, v0;
	s15 =	sor.u32 s0, s6  }
0x7e: {  	v0 =	vadd.s32 $0x100, v0;
	s0 =	sor.u32 s0, s16;
	[tilespmem:s15+$0x0] =	vst v1  }
0x7f: {  	[tilespmem:s0+$0x0] =	vst v0  }
0x80: {  	v0 =	vld [tilespmem:s1+$0x0];
	_ =	sdelay $0x4  }
0x81: {  	v1 =	vshrl.u32 v0, $0x7  }
0x82: {  	s4 =	simm.s32 $0x20;
	v1 =	vmul.u32 $0x180, v1  }
0x83: {  	s0 =	sand.u32 $0x60, s4;
	v0 =	vand.u32 $0x7F, v0  }
0x84: {  	s15 =	sor.u32 s0, s5;
	v0 =	vor.u32 v0, v1  }
0x85: {  	[tilespmem:s15+$0x0] =	vst v0;
	v1 =	vadd.s32 $0x80, v0;
	s15 =	sor.u32 s0, s6  }
0x86: {  	v0 =	vadd.s32 $0x100, v0;
	s0 =	sor.u32 s0, s16;
	[tilespmem:s15+$0x0] =	vst v1  }
0x87: {  	[tilespmem:s0+$0x0] =	vst v0  }
0x88: {  	v0 =	vld [tilespmem:s1+$0x10];
	_ =	sdelay $0x4  }
0x89: {  	v1 =	vshrl.u32 v0, $0x7  }
0x8a: {  	s0 =	simm.s32 $0x30;
	v1 =	vmul.u32 $0x180, v1  }
0x8b: {  	s4 =	sand.u32 $0x70, s0;
	v0 =	vand.u32 $0x7F, v0  }
0x8c: {  	s5 =	sor.u32 s4, s5;
	v0 =	vor.u32 v0, v1  }
0x8d: {  	s15 =	sor.u32 s4, s6;
	[tilespmem:s5+$0x0] =	vst v0;
	v1 =	vadd.s32 $0x80, v0  }
0x8e: {  	s30 =	simm.s32 $0x0;
	s4 =	sor.u32 s4, s16;
	v0 =	vadd.s32 $0x100, v0;
	[tilespmem:s15+$0x0] =	vst v1  }
.LBB2_4:
0x8f: {  	s30 =	sadd.s32 $0x4, s30;
	[tilespmem:s4+$0x0] =	vst v0;
	s0 =	sadd.s32 $0x40, s0;
	s1 =	sadd.s32 $0x40, s1  }
0x90: {  	v0 =	vld [tilespmem:s1+$0xFFFFFFE0];
	s4 =	sshrl.u32 s30, $0x3;
	p1 =	slt.u32 s30, $0x204  }
0x91: {  	s4 =	smul.u32 $0x600, s4;
	_ =	sdelay $0x1  }
0x92: {  	s5 =	sshra.s32 s4, $0x2  }
0x93: {  	s4 =	sadd.s32 $0x8200, s5;
	s16 =	sadd.s32 $0x8280, s5;
	s15 =	sadd.s32 $0x8300, s5  }
0x94: {  	v1 =	vshrl.u32 v0, $0x7  }
0x95: {  	s5 =	sadd.s32 $0xFFFFFFD0, s0;
	v1 =	vmul.u32 $0x180, v1  }
0x96: {  	v0 =	vand.u32 $0x7F, v0;
	s5 =	sand.u32 $0x40, s5  }
0x97: {  	s6 =	sor.u32 s5, s4;
	v0 =	vor.u32 v0, v1  }
0x98: {  	[tilespmem:s6+$0x0] =	vst v0;
	v1 =	vadd.s32 $0x80, v0;
	s6 =	sor.u32 s5, s16  }
0x99: {  	v0 =	vadd.s32 $0x100, v0;
	s5 =	sor.u32 s5, s15;
	[tilespmem:s6+$0x0] =	vst v1  }
0x9a: {  	[tilespmem:s5+$0x0] =	vst v0  }
0x9b: {  	v0 =	vld [tilespmem:s1+$0xFFFFFFF0];
	_ =	sdelay $0x4  }
0x9c: {  	v1 =	vshrl.u32 v0, $0x7  }
0x9d: {  	s5 =	sadd.s32 $0xFFFFFFE0, s0;
	v1 =	vmul.u32 $0x180, v1  }
0x9e: {  	s5 =	sand.u32 $0x50, s5;
	v0 =	vand.u32 $0x7F, v0  }
0x9f: {  	s6 =	sor.u32 s5, s4;
	v0 =	vor.u32 v0, v1  }
0xa0: {  	[tilespmem:s6+$0x0] =	vst v0;
	v1 =	vadd.s32 $0x80, v0;
	s6 =	sor.u32 s5, s16  }
0xa1: {  	v0 =	vadd.s32 $0x100, v0;
	s5 =	sor.u32 s5, s15;
	[tilespmem:s6+$0x0] =	vst v1  }
0xa2: {  	[tilespmem:s5+$0x0] =	vst v0  }
0xa3: {  	v0 =	vld [tilespmem:s1+$0x0];
	_ =	sdelay $0x4  }
0xa4: {  	v1 =	vshrl.u32 v0, $0x7  }
0xa5: {  	s5 =	sadd.s32 $0xFFFFFFF0, s0;
	v1 =	vmul.u32 $0x180, v1  }
0xa6: {  	s5 =	sand.u32 $0x60, s5;
	v0 =	vand.u32 $0x7F, v0  }
0xa7: {  	s6 =	sor.u32 s5, s4;
	v0 =	vor.u32 v0, v1  }
0xa8: {  	[tilespmem:s6+$0x0] =	vst v0;
	v1 =	vadd.s32 $0x80, v0;
	s6 =	sor.u32 s5, s16  }
0xa9: {  	v0 =	vadd.s32 $0x100, v0;
	s5 =	sor.u32 s5, s15;
	[tilespmem:s6+$0x0] =	vst v1  }
0xaa: {  	[tilespmem:s5+$0x0] =	vst v0  }
0xab: {  	v0 =	vld [tilespmem:s1+$0x10];
	_ =	sdelay $0x4  }
0xac: {  	v1 =	vshrl.u32 v0, $0x7  }
.Ltmp3:
0xad: {  	v1 =	vmul.u32 $0x180, v1;
	(pc) =	sbr.rel @p1 .LBB2_4-.Ltmp3, $4  }
0xae: {  	s5 =	sand.u32 $0x70, s0;
	v0 =	vand.u32 $0x7F, v0  }
0xaf: {  	s4 =	sor.u32 s5, s4;
	v0 =	vor.u32 v0, v1  }
0xb0: {  	[tilespmem:s4+$0x0] =	vst v0;
	v1 =	vadd.s32 $0x80, v0;
	s4 =	sor.u32 s5, s16  }
0xb1: {  	v0 =	vadd.s32 $0x100, v0;
	[tilespmem:s4+$0x0] =	vst v1;
	s4 =	sor.u32 s5, s15  }
0xb2: {  	[tilespmem:s4+$0x0] =	vst v0  }
0xb3: {  	[tilespmem:s24], [sflag:$0x2] =	stream.indirect.gather [hbm4b:s3+s20], $0x1, s23, s20, $0xb8;
	[tilespmem:$0x1A680] =	vst v63  }
0xb4: {  	_ =	swait.ge [sflag:s25], $0x6180  }
0xb5: {  	[sflag:s25] =	ssyncset.done $0x0  }
0xb6: {  	s0 =	rddreg [dreg:$0x5];
	[sflag:s25] =	ssyncadd.s32 $0xFFFF9E80  }
0xb7: {  	[hbm4b:s0+s2] =	stream.linear.scatter [tilespmem:s22], [sflag:$0x3], $0x6180, $0x38;
	[tilespmem:$0x1A680] =	vst v63  }
0xb8: {  	_ = 	snop  }
0xb9: {  	[tilespmem:s2], [sflag:$0x5] =	stream.linear.gather [hbm4b:s8+s2], $0x2080, $0x38;
	[tilespmem:$0x1A680] =	vst v63  }
0xba: {  	_ =	swait.ge [sflag:s19], $0x2080  }
0xbb: {  	[sflag:s19] =	ssyncset.done $0x0  }
0xbc: {  	s1 =	simm.s32 $0x20;
	[sflag:s19] =	ssyncadd.s32 $0xFFFFDF80  }
0xbd: {  	v0 =	vld [tilespmem:s1+$0xFFFFFFE0];
	_ =	sdelay $0x2  }
0xbe: {  	s5 =	simm.s32 $0x0  }
0xbf: {  	s0 =	smul.u32 $0x600, s5  }
0xc0: {  	v1 =	vshrl.u32 v0, $0x7  }
0xc1: {  	s6 =	simm.s32 $0x0;
	s0 =	sshra.s32 s0, $0x2;
	v1 =	vmul.u32 $0x180, v1  }
0xc2: {  	s4 =	sand.u32 $0x40, s6;
	s5 =	sadd.s32 $0x2080, s0;
	v0 =	vand.u32 $0x7F, v0  }
0xc3: {  	s6 =	sadd.s32 $0x2100, s0;
	s15 =	sor.u32 s4, s5;
	v0 =	vor.u32 v0, v1  }
0xc4: {  	s16 =	sadd.s32 $0x2180, s0;
	[tilespmem:s15+$0x0] =	vst v0;
	v1 =	vadd.s32 $0x80, v0;
	s15 =	sor.u32 s4, s6  }
0xc5: {  	v0 =	vadd.s32 $0x100, v0;
	[tilespmem:s15+$0x0] =	vst v1;
	s15 =	sor.u32 s4, s16  }
0xc6: {  	[tilespmem:s15+$0x0] =	vst v0  }
0xc7: {  	v0 =	vld [tilespmem:s1+$0xFFFFFFF0];
	_ =	sdelay $0x4  }
0xc8: {  	v1 =	vshrl.u32 v0, $0x7  }
0xc9: {  	s4 =	simm.s32 $0x10;
	v1 =	vmul.u32 $0x180, v1  }
0xca: {  	s0 =	sand.u32 $0x50, s4;
	v0 =	vand.u32 $0x7F, v0  }
0xcb: {  	s15 =	sor.u32 s0, s5;
	v0 =	vor.u32 v0, v1  }
0xcc: {  	[tilespmem:s15+$0x0] =	vst v0;
	v1 =	vadd.s32 $0x80, v0;
	s15 =	sor.u32 s0, s6  }
0xcd: {  	v0 =	vadd.s32 $0x100, v0;
	s0 =	sor.u32 s0, s16;
	[tilespmem:s15+$0x0] =	vst v1  }
0xce: {  	[tilespmem:s0+$0x0] =	vst v0  }
0xcf: {  	v0 =	vld [tilespmem:s1+$0x0];
	_ =	sdelay $0x4  }
0xd0: {  	v1 =	vshrl.u32 v0, $0x7  }
0xd1: {  	s4 =	simm.s32 $0x20;
	v1 =	vmul.u32 $0x180, v1  }
0xd2: {  	s0 =	sand.u32 $0x60, s4;
	v0 =	vand.u32 $0x7F, v0  }
0xd3: {  	s15 =	sor.u32 s0, s5;
	v0 =	vor.u32 v0, v1  }
0xd4: {  	[tilespmem:s15+$0x0] =	vst v0;
	v1 =	vadd.s32 $0x80, v0;
	s15 =	sor.u32 s0, s6  }
0xd5: {  	v0 =	vadd.s32 $0x100, v0;
	s0 =	sor.u32 s0, s16;
	[tilespmem:s15+$0x0] =	vst v1  }
0xd6: {  	[tilespmem:s0+$0x0] =	vst v0  }
0xd7: {  	v0 =	vld [tilespmem:s1+$0x10];
	_ =	sdelay $0x4  }
0xd8: {  	v1 =	vshrl.u32 v0, $0x7  }
0xd9: {  	s0 =	simm.s32 $0x30;
	v1 =	vmul.u32 $0x180, v1  }
0xda: {  	s4 =	sand.u32 $0x70, s0;
	v0 =	vand.u32 $0x7F, v0  }
0xdb: {  	s5 =	sor.u32 s4, s5;
	v0 =	vor.u32 v0, v1  }
0xdc: {  	s15 =	sor.u32 s4, s6;
	[tilespmem:s5+$0x0] =	vst v0;
	v1 =	vadd.s32 $0x80, v0  }
0xdd: {  	s30 =	simm.s32 $0x0;
	s4 =	sor.u32 s4, s16;
	v0 =	vadd.s32 $0x100, v0;
	[tilespmem:s15+$0x0] =	vst v1  }
.LBB2_6:
0xde: {  	s30 =	sadd.s32 $0x4, s30;
	[tilespmem:s4+$0x0] =	vst v0;
	s0 =	sadd.s32 $0x40, s0;
	s1 =	sadd.s32 $0x40, s1  }
0xdf: {  	v0 =	vld [tilespmem:s1+$0xFFFFFFE0];
	s4 =	sshrl.u32 s30, $0x3;
	p1 =	slt.u32 s30, $0x204  }
0xe0: {  	s4 =	smul.u32 $0x600, s4;
	_ =	sdelay $0x1  }
0xe1: {  	s5 =	sshra.s32 s4, $0x2  }
0xe2: {  	s4 =	sadd.s32 $0x2080, s5;
	s16 =	sadd.s32 $0x2100, s5;
	s15 =	sadd.s32 $0x2180, s5  }
0xe3: {  	v1 =	vshrl.u32 v0, $0x7  }
0xe4: {  	s5 =	sadd.s32 $0xFFFFFFD0, s0;
	v1 =	vmul.u32 $0x180, v1  }
0xe5: {  	v0 =	vand.u32 $0x7F, v0;
	s5 =	sand.u32 $0x40, s5  }
0xe6: {  	s6 =	sor.u32 s5, s4;
	v0 =	vor.u32 v0, v1  }
0xe7: {  	[tilespmem:s6+$0x0] =	vst v0;
	v1 =	vadd.s32 $0x80, v0;
	s6 =	sor.u32 s5, s16  }
0xe8: {  	v0 =	vadd.s32 $0x100, v0;
	s5 =	sor.u32 s5, s15;
	[tilespmem:s6+$0x0] =	vst v1  }
0xe9: {  	[tilespmem:s5+$0x0] =	vst v0  }
0xea: {  	v0 =	vld [tilespmem:s1+$0xFFFFFFF0];
	_ =	sdelay $0x4  }
0xeb: {  	v1 =	vshrl.u32 v0, $0x7  }
0xec: {  	s5 =	sadd.s32 $0xFFFFFFE0, s0;
	v1 =	vmul.u32 $0x180, v1  }
0xed: {  	s5 =	sand.u32 $0x50, s5;
	v0 =	vand.u32 $0x7F, v0  }
0xee: {  	s6 =	sor.u32 s5, s4;
	v0 =	vor.u32 v0, v1  }
0xef: {  	[tilespmem:s6+$0x0] =	vst v0;
	v1 =	vadd.s32 $0x80, v0;
	s6 =	sor.u32 s5, s16  }
0xf0: {  	v0 =	vadd.s32 $0x100, v0;
	s5 =	sor.u32 s5, s15;
	[tilespmem:s6+$0x0] =	vst v1  }
0xf1: {  	[tilespmem:s5+$0x0] =	vst v0  }
0xf2: {  	v0 =	vld [tilespmem:s1+$0x0];
	_ =	sdelay $0x4  }
0xf3: {  	v1 =	vshrl.u32 v0, $0x7  }
0xf4: {  	s5 =	sadd.s32 $0xFFFFFFF0, s0;
	v1 =	vmul.u32 $0x180, v1  }
0xf5: {  	s5 =	sand.u32 $0x60, s5;
	v0 =	vand.u32 $0x7F, v0  }
0xf6: {  	s6 =	sor.u32 s5, s4;
	v0 =	vor.u32 v0, v1  }
0xf7: {  	[tilespmem:s6+$0x0] =	vst v0;
	v1 =	vadd.s32 $0x80, v0;
	s6 =	sor.u32 s5, s16  }
0xf8: {  	v0 =	vadd.s32 $0x100, v0;
	s5 =	sor.u32 s5, s15;
	[tilespmem:s6+$0x0] =	vst v1  }
0xf9: {  	[tilespmem:s5+$0x0] =	vst v0  }
0xfa: {  	v0 =	vld [tilespmem:s1+$0x10];
	_ =	sdelay $0x4  }
0xfb: {  	v1 =	vshrl.u32 v0, $0x7  }
.Ltmp4:
0xfc: {  	v1 =	vmul.u32 $0x180, v1;
	(pc) =	sbr.rel @p1 .LBB2_6-.Ltmp4, $4  }
0xfd: {  	s5 =	sand.u32 $0x70, s0;
	v0 =	vand.u32 $0x7F, v0  }
0xfe: {  	s4 =	sor.u32 s5, s4;
	v0 =	vor.u32 v0, v1  }
0xff: {  	[tilespmem:s4+$0x0] =	vst v0;
	v1 =	vadd.s32 $0x80, v0;
	s4 =	sor.u32 s5, s16  }
0x100: {  	v0 =	vadd.s32 $0x100, v0;
	[tilespmem:s4+$0x0] =	vst v1;
	s4 =	sor.u32 s5, s15  }
0x101: {  	[tilespmem:s4+$0x0] =	vst v0  }
0x102: {  	_ =	swait.ge [sflag:s26], $0x6180  }
0x103: {  	[sflag:s26] =	ssyncset.done $0x0  }
0x104: {  	[sflag:s26] =	ssyncadd.s32 $0xFFFF9E80  }
0x105: {  	[tilespmem:s22], [sflag:$0x1] =	stream.indirect.gather [hbm4b:s3+s20], $0x1, s21, s20, $0xb8;
	[tilespmem:$0x1A680] =	vst v63  }
0x106: {  	_ =	swait.ge [sflag:s28], $0x6180  }
0x107: {  	[sflag:s28] =	ssyncset.done $0x0  }
0x108: {  	[sflag:s28] =	ssyncadd.s32 $0xFFFF9E80  }
0x109: {  	[hbm4b:s7+s2] =	stream.linear.scatter [tilespmem:s24], [sflag:$0x4], $0x6180, $0x38;
	[tilespmem:$0x1A680] =	vst v63  }
0x10a: {  	_ = 	snop  }
0x10b: {  	[tilespmem:s2], [sflag:$0x5] =	stream.linear.gather [hbm4b:s10+s2], $0x2080, $0x38;
	[tilespmem:$0x1A680] =	vst v63  }
0x10c: {  	_ =	swait.ge [sflag:s19], $0x2080  }
0x10d: {  	[sflag:s19] =	ssyncset.done $0x0  }
0x10e: {  	s1 =	simm.s32 $0x20;
	[sflag:s19] =	ssyncadd.s32 $0xFFFFDF80  }
0x10f: {  	v0 =	vld [tilespmem:s1+$0xFFFFFFE0];
	_ =	sdelay $0x2  }
0x110: {  	s0 =	simm.s32 $0x0  }
0x111: {  	s0 =	smul.u32 $0x600, s0  }
0x112: {  	v1 =	vshrl.u32 v0, $0x7  }
0x113: {  	s6 =	simm.s32 $0x0;
	s0 =	sshra.s32 s0, $0x2;
	v1 =	vmul.u32 $0x180, v1  }
0x114: {  	s4 =	sand.u32 $0x40, s6;
	s5 =	sadd.s32 $0x8200, s0;
	v0 =	vand.u32 $0x7F, v0  }
0x115: {  	s6 =	sadd.s32 $0x8280, s0;
	s15 =	sor.u32 s4, s5;
	v0 =	vor.u32 v0, v1  }
0x116: {  	s16 =	sadd.s32 $0x8300, s0;
	[tilespmem:s15+$0x0] =	vst v0;
	v1 =	vadd.s32 $0x80, v0;
	s15 =	sor.u32 s4, s6  }
0x117: {  	v0 =	vadd.s32 $0x100, v0;
	[tilespmem:s15+$0x0] =	vst v1;
	s15 =	sor.u32 s4, s16  }
0x118: {  	[tilespmem:s15+$0x0] =	vst v0  }
0x119: {  	v0 =	vld [tilespmem:s1+$0xFFFFFFF0];
	_ =	sdelay $0x4  }
0x11a: {  	v1 =	vshrl.u32 v0, $0x7  }
0x11b: {  	s4 =	simm.s32 $0x10;
	v1 =	vmul.u32 $0x180, v1  }
0x11c: {  	s0 =	sand.u32 $0x50, s4;
	v0 =	vand.u32 $0x7F, v0  }
0x11d: {  	s15 =	sor.u32 s0, s5;
	v0 =	vor.u32 v0, v1  }
0x11e: {  	[tilespmem:s15+$0x0] =	vst v0;
	v1 =	vadd.s32 $0x80, v0;
	s15 =	sor.u32 s0, s6  }
0x11f: {  	v0 =	vadd.s32 $0x100, v0;
	s0 =	sor.u32 s0, s16;
	[tilespmem:s15+$0x0] =	vst v1  }
0x120: {  	[tilespmem:s0+$0x0] =	vst v0  }
0x121: {  	v0 =	vld [tilespmem:s1+$0x0];
	_ =	sdelay $0x4  }
0x122: {  	v1 =	vshrl.u32 v0, $0x7  }
0x123: {  	s4 =	simm.s32 $0x20;
	v1 =	vmul.u32 $0x180, v1  }
0x124: {  	s0 =	sand.u32 $0x60, s4;
	v0 =	vand.u32 $0x7F, v0  }
0x125: {  	s15 =	sor.u32 s0, s5;
	v0 =	vor.u32 v0, v1  }
0x126: {  	[tilespmem:s15+$0x0] =	vst v0;
	v1 =	vadd.s32 $0x80, v0;
	s15 =	sor.u32 s0, s6  }
0x127: {  	v0 =	vadd.s32 $0x100, v0;
	s0 =	sor.u32 s0, s16;
	[tilespmem:s15+$0x0] =	vst v1  }
0x128: {  	[tilespmem:s0+$0x0] =	vst v0  }
0x129: {  	v0 =	vld [tilespmem:s1+$0x10];
	_ =	sdelay $0x4  }
0x12a: {  	v1 =	vshrl.u32 v0, $0x7  }
0x12b: {  	s0 =	simm.s32 $0x30;
	v1 =	vmul.u32 $0x180, v1  }
0x12c: {  	s4 =	sand.u32 $0x70, s0;
	v0 =	vand.u32 $0x7F, v0  }
0x12d: {  	s5 =	sor.u32 s4, s5;
	v0 =	vor.u32 v0, v1  }
0x12e: {  	s15 =	sor.u32 s4, s6;
	[tilespmem:s5+$0x0] =	vst v0;
	v1 =	vadd.s32 $0x80, v0  }
0x12f: {  	s30 =	simm.s32 $0x0;
	s4 =	sor.u32 s4, s16;
	v0 =	vadd.s32 $0x100, v0;
	[tilespmem:s15+$0x0] =	vst v1  }
.LBB2_8:
0x130: {  	s30 =	sadd.s32 $0x4, s30;
	[tilespmem:s4+$0x0] =	vst v0;
	s0 =	sadd.s32 $0x40, s0;
	s1 =	sadd.s32 $0x40, s1  }
0x131: {  	v0 =	vld [tilespmem:s1+$0xFFFFFFE0];
	s4 =	sshrl.u32 s30, $0x3;
	p1 =	slt.u32 s30, $0x204  }
0x132: {  	s4 =	smul.u32 $0x600, s4;
	_ =	sdelay $0x1  }
0x133: {  	s5 =	sshra.s32 s4, $0x2  }
0x134: {  	s4 =	sadd.s32 $0x8200, s5;
	s16 =	sadd.s32 $0x8280, s5;
	s15 =	sadd.s32 $0x8300, s5  }
0x135: {  	v1 =	vshrl.u32 v0, $0x7  }
0x136: {  	s5 =	sadd.s32 $0xFFFFFFD0, s0;
	v1 =	vmul.u32 $0x180, v1  }
0x137: {  	v0 =	vand.u32 $0x7F, v0;
	s5 =	sand.u32 $0x40, s5  }
0x138: {  	s6 =	sor.u32 s5, s4;
	v0 =	vor.u32 v0, v1  }
0x139: {  	[tilespmem:s6+$0x0] =	vst v0;
	v1 =	vadd.s32 $0x80, v0;
	s6 =	sor.u32 s5, s16  }
0x13a: {  	v0 =	vadd.s32 $0x100, v0;
	s5 =	sor.u32 s5, s15;
	[tilespmem:s6+$0x0] =	vst v1  }
0x13b: {  	[tilespmem:s5+$0x0] =	vst v0  }
0x13c: {  	v0 =	vld [tilespmem:s1+$0xFFFFFFF0];
	_ =	sdelay $0x4  }
0x13d: {  	v1 =	vshrl.u32 v0, $0x7  }
0x13e: {  	s5 =	sadd.s32 $0xFFFFFFE0, s0;
	v1 =	vmul.u32 $0x180, v1  }
0x13f: {  	s5 =	sand.u32 $0x50, s5;
	v0 =	vand.u32 $0x7F, v0  }
0x140: {  	s6 =	sor.u32 s5, s4;
	v0 =	vor.u32 v0, v1  }
0x141: {  	[tilespmem:s6+$0x0] =	vst v0;
	v1 =	vadd.s32 $0x80, v0;
	s6 =	sor.u32 s5, s16  }
0x142: {  	v0 =	vadd.s32 $0x100, v0;
	s5 =	sor.u32 s5, s15;
	[tilespmem:s6+$0x0] =	vst v1  }
0x143: {  	[tilespmem:s5+$0x0] =	vst v0  }
0x144: {  	v0 =	vld [tilespmem:s1+$0x0];
	_ =	sdelay $0x4  }
0x145: {  	v1 =	vshrl.u32 v0, $0x7  }
0x146: {  	s5 =	sadd.s32 $0xFFFFFFF0, s0;
	v1 =	vmul.u32 $0x180, v1  }
0x147: {  	s5 =	sand.u32 $0x60, s5;
	v0 =	vand.u32 $0x7F, v0  }
0x148: {  	s6 =	sor.u32 s5, s4;
	v0 =	vor.u32 v0, v1  }
0x149: {  	[tilespmem:s6+$0x0] =	vst v0;
	v1 =	vadd.s32 $0x80, v0;
	s6 =	sor.u32 s5, s16  }
0x14a: {  	v0 =	vadd.s32 $0x100, v0;
	s5 =	sor.u32 s5, s15;
	[tilespmem:s6+$0x0] =	vst v1  }
0x14b: {  	[tilespmem:s5+$0x0] =	vst v0  }
0x14c: {  	v0 =	vld [tilespmem:s1+$0x10];
	_ =	sdelay $0x4  }
0x14d: {  	v1 =	vshrl.u32 v0, $0x7  }
.Ltmp5:
0x14e: {  	v1 =	vmul.u32 $0x180, v1;
	(pc) =	sbr.rel @p1 .LBB2_8-.Ltmp5, $4  }
0x14f: {  	s5 =	sand.u32 $0x70, s0;
	v0 =	vand.u32 $0x7F, v0  }
0x150: {  	s4 =	sor.u32 s5, s4;
	v0 =	vor.u32 v0, v1  }
0x151: {  	[tilespmem:s4+$0x0] =	vst v0;
	v1 =	vadd.s32 $0x80, v0;
	s4 =	sor.u32 s5, s16  }
0x152: {  	v0 =	vadd.s32 $0x100, v0;
	[tilespmem:s4+$0x0] =	vst v1;
	s4 =	sor.u32 s5, s15  }
0x153: {  	[tilespmem:s4+$0x0] =	vst v0  }
0x154: {  	_ =	swait.ge [sflag:s29], $0x6180  }
0x155: {  	[sflag:s29] =	ssyncset.done $0x0  }
0x156: {  	[sflag:s29] =	ssyncadd.s32 $0xFFFF9E80  }
0x157: {  	[tilespmem:s24], [sflag:$0x2] =	stream.indirect.gather [hbm4b:s3+s20], $0x1, s23, s20, $0xb8;
	[tilespmem:$0x1A680] =	vst v63  }
0x158: {  	_ =	swait.ge [sflag:s25], $0x6180  }
0x159: {  	[sflag:s25] =	ssyncset.done $0x0  }
0x15a: {  	[sflag:s25] =	ssyncadd.s32 $0xFFFF9E80  }
0x15b: {  	[hbm4b:s9+s2] =	stream.linear.scatter [tilespmem:s22], [sflag:$0x3], $0x6180, $0x38;
	[tilespmem:$0x1A680] =	vst v63  }
0x15c: {  	_ = 	snop  }
0x15d: {  	[tilespmem:s2], [sflag:$0x5] =	stream.linear.gather [hbm4b:s11+s2], $0x2080, $0x38;
	[tilespmem:$0x1A680] =	vst v63  }
0x15e: {  	_ =	swait.ge [sflag:s19], $0x2080  }
0x15f: {  	[sflag:s19] =	ssyncset.done $0x0  }
0x160: {  	s1 =	simm.s32 $0x20;
	[sflag:s19] =	ssyncadd.s32 $0xFFFFDF80  }
0x161: {  	v0 =	vld [tilespmem:s1+$0xFFFFFFE0];
	_ =	sdelay $0x2  }
0x162: {  	s0 =	simm.s32 $0x0  }
0x163: {  	s0 =	smul.u32 $0x600, s0  }
0x164: {  	v1 =	vshrl.u32 v0, $0x7  }
0x165: {  	s6 =	simm.s32 $0x0;
	s0 =	sshra.s32 s0, $0x2;
	v1 =	vmul.u32 $0x180, v1  }
0x166: {  	s4 =	sand.u32 $0x40, s6;
	s5 =	sadd.s32 $0x2080, s0;
	v0 =	vand.u32 $0x7F, v0  }
0x167: {  	s6 =	sadd.s32 $0x2100, s0;
	s15 =	sor.u32 s4, s5;
	v0 =	vor.u32 v0, v1  }
0x168: {  	s16 =	sadd.s32 $0x2180, s0;
	[tilespmem:s15+$0x0] =	vst v0;
	v1 =	vadd.s32 $0x80, v0;
	s15 =	sor.u32 s4, s6  }
0x169: {  	v0 =	vadd.s32 $0x100, v0;
	[tilespmem:s15+$0x0] =	vst v1;
	s15 =	sor.u32 s4, s16  }
0x16a: {  	[tilespmem:s15+$0x0] =	vst v0  }
0x16b: {  	v0 =	vld [tilespmem:s1+$0xFFFFFFF0];
	_ =	sdelay $0x4  }
0x16c: {  	v1 =	vshrl.u32 v0, $0x7  }
0x16d: {  	s4 =	simm.s32 $0x10;
	v1 =	vmul.u32 $0x180, v1  }
0x16e: {  	s0 =	sand.u32 $0x50, s4;
	v0 =	vand.u32 $0x7F, v0  }
0x16f: {  	s15 =	sor.u32 s0, s5;
	v0 =	vor.u32 v0, v1  }
0x170: {  	[tilespmem:s15+$0x0] =	vst v0;
	v1 =	vadd.s32 $0x80, v0;
	s15 =	sor.u32 s0, s6  }
0x171: {  	v0 =	vadd.s32 $0x100, v0;
	s0 =	sor.u32 s0, s16;
	[tilespmem:s15+$0x0] =	vst v1  }
0x172: {  	[tilespmem:s0+$0x0] =	vst v0  }
0x173: {  	v0 =	vld [tilespmem:s1+$0x0];
	_ =	sdelay $0x4  }
0x174: {  	v1 =	vshrl.u32 v0, $0x7  }
0x175: {  	s4 =	simm.s32 $0x20;
	v1 =	vmul.u32 $0x180, v1  }
0x176: {  	s0 =	sand.u32 $0x60, s4;
	v0 =	vand.u32 $0x7F, v0  }
0x177: {  	s15 =	sor.u32 s0, s5;
	v0 =	vor.u32 v0, v1  }
0x178: {  	[tilespmem:s15+$0x0] =	vst v0;
	v1 =	vadd.s32 $0x80, v0;
	s15 =	sor.u32 s0, s6  }
0x179: {  	v0 =	vadd.s32 $0x100, v0;
	s0 =	sor.u32 s0, s16;
	[tilespmem:s15+$0x0] =	vst v1  }
0x17a: {  	[tilespmem:s0+$0x0] =	vst v0  }
0x17b: {  	v0 =	vld [tilespmem:s1+$0x10];
	_ =	sdelay $0x4  }
0x17c: {  	v1 =	vshrl.u32 v0, $0x7  }
0x17d: {  	s0 =	simm.s32 $0x30;
	v1 =	vmul.u32 $0x180, v1  }
0x17e: {  	s4 =	sand.u32 $0x70, s0;
	v0 =	vand.u32 $0x7F, v0  }
0x17f: {  	s5 =	sor.u32 s4, s5;
	v0 =	vor.u32 v0, v1  }
0x180: {  	s15 =	sor.u32 s4, s6;
	[tilespmem:s5+$0x0] =	vst v0;
	v1 =	vadd.s32 $0x80, v0  }
0x181: {  	s30 =	simm.s32 $0x0;
	s4 =	sor.u32 s4, s16;
	v0 =	vadd.s32 $0x100, v0;
	[tilespmem:s15+$0x0] =	vst v1  }
.LBB2_10:
0x182: {  	s30 =	sadd.s32 $0x4, s30;
	[tilespmem:s4+$0x0] =	vst v0;
	s0 =	sadd.s32 $0x40, s0;
	s1 =	sadd.s32 $0x40, s1  }
0x183: {  	v0 =	vld [tilespmem:s1+$0xFFFFFFE0];
	s4 =	sshrl.u32 s30, $0x3;
	p1 =	slt.u32 s30, $0x204  }
0x184: {  	s4 =	smul.u32 $0x600, s4;
	_ =	sdelay $0x1  }
0x185: {  	s5 =	sshra.s32 s4, $0x2  }
0x186: {  	s4 =	sadd.s32 $0x2080, s5;
	s16 =	sadd.s32 $0x2100, s5;
	s15 =	sadd.s32 $0x2180, s5  }
0x187: {  	v1 =	vshrl.u32 v0, $0x7  }
0x188: {  	s5 =	sadd.s32 $0xFFFFFFD0, s0;
	v1 =	vmul.u32 $0x180, v1  }
0x189: {  	v0 =	vand.u32 $0x7F, v0;
	s5 =	sand.u32 $0x40, s5  }
0x18a: {  	s6 =	sor.u32 s5, s4;
	v0 =	vor.u32 v0, v1  }
0x18b: {  	[tilespmem:s6+$0x0] =	vst v0;
	v1 =	vadd.s32 $0x80, v0;
	s6 =	sor.u32 s5, s16  }
0x18c: {  	v0 =	vadd.s32 $0x100, v0;
	s5 =	sor.u32 s5, s15;
	[tilespmem:s6+$0x0] =	vst v1  }
0x18d: {  	[tilespmem:s5+$0x0] =	vst v0  }
0x18e: {  	v0 =	vld [tilespmem:s1+$0xFFFFFFF0];
	_ =	sdelay $0x4  }
0x18f: {  	v1 =	vshrl.u32 v0, $0x7  }
0x190: {  	s5 =	sadd.s32 $0xFFFFFFE0, s0;
	v1 =	vmul.u32 $0x180, v1  }
0x191: {  	s5 =	sand.u32 $0x50, s5;
	v0 =	vand.u32 $0x7F, v0  }
0x192: {  	s6 =	sor.u32 s5, s4;
	v0 =	vor.u32 v0, v1  }
0x193: {  	[tilespmem:s6+$0x0] =	vst v0;
	v1 =	vadd.s32 $0x80, v0;
	s6 =	sor.u32 s5, s16  }
0x194: {  	v0 =	vadd.s32 $0x100, v0;
	s5 =	sor.u32 s5, s15;
	[tilespmem:s6+$0x0] =	vst v1  }
0x195: {  	[tilespmem:s5+$0x0] =	vst v0  }
0x196: {  	v0 =	vld [tilespmem:s1+$0x0];
	_ =	sdelay $0x4  }
0x197: {  	v1 =	vshrl.u32 v0, $0x7  }
0x198: {  	s5 =	sadd.s32 $0xFFFFFFF0, s0;
	v1 =	vmul.u32 $0x180, v1  }
0x199: {  	s5 =	sand.u32 $0x60, s5;
	v0 =	vand.u32 $0x7F, v0  }
0x19a: {  	s6 =	sor.u32 s5, s4;
	v0 =	vor.u32 v0, v1  }
0x19b: {  	[tilespmem:s6+$0x0] =	vst v0;
	v1 =	vadd.s32 $0x80, v0;
	s6 =	sor.u32 s5, s16  }
0x19c: {  	v0 =	vadd.s32 $0x100, v0;
	s5 =	sor.u32 s5, s15;
	[tilespmem:s6+$0x0] =	vst v1  }
0x19d: {  	[tilespmem:s5+$0x0] =	vst v0  }
0x19e: {  	v0 =	vld [tilespmem:s1+$0x10];
	_ =	sdelay $0x4  }
0x19f: {  	v1 =	vshrl.u32 v0, $0x7  }
.Ltmp6:
0x1a0: {  	v1 =	vmul.u32 $0x180, v1;
	(pc) =	sbr.rel @p1 .LBB2_10-.Ltmp6, $4  }
0x1a1: {  	s5 =	sand.u32 $0x70, s0;
	v0 =	vand.u32 $0x7F, v0  }
0x1a2: {  	s4 =	sor.u32 s5, s4;
	v0 =	vor.u32 v0, v1  }
0x1a3: {  	[tilespmem:s4+$0x0] =	vst v0;
	v1 =	vadd.s32 $0x80, v0;
	s4 =	sor.u32 s5, s16  }
0x1a4: {  	v0 =	vadd.s32 $0x100, v0;
	[tilespmem:s4+$0x0] =	vst v1;
	s4 =	sor.u32 s5, s15  }
0x1a5: {  	[tilespmem:s4+$0x0] =	vst v0  }
0x1a6: {  	_ =	swait.ge [sflag:s26], $0x6180  }
0x1a7: {  	[sflag:s26] =	ssyncset.done $0x0  }
0x1a8: {  	[sflag:s26] =	ssyncadd.s32 $0xFFFF9E80  }
0x1a9: {  	[tilespmem:s22], [sflag:$0x1] =	stream.indirect.gather [hbm4b:s3+s20], $0x1, s21, s20, $0xb8;
	[tilespmem:$0x1A680] =	vst v63  }
0x1aa: {  	_ =	swait.ge [sflag:s28], $0x6180  }
0x1ab: {  	[sflag:s28] =	ssyncset.done $0x0  }
0x1ac: {  	[sflag:s28] =	ssyncadd.s32 $0xFFFF9E80  }
0x1ad: {  	[hbm4b:s12+s2] =	stream.linear.scatter [tilespmem:s24], [sflag:$0x4], $0x6180, $0x38;
	[tilespmem:$0x1A680] =	vst v63  }
0x1ae: {  	_ = 	snop  }
0x1af: {  	[tilespmem:s2], [sflag:$0x5] =	stream.linear.gather [hbm4b:s13+s2], $0x2080, $0x38;
	[tilespmem:$0x1A680] =	vst v63  }
0x1b0: {  	_ =	swait.ge [sflag:s19], $0x2080  }
0x1b1: {  	[sflag:s19] =	ssyncset.done $0x0  }
0x1b2: {  	s1 =	simm.s32 $0x20;
	[sflag:s19] =	ssyncadd.s32 $0xFFFFDF80  }
0x1b3: {  	v0 =	vld [tilespmem:s1+$0xFFFFFFE0];
	_ =	sdelay $0x2  }
0x1b4: {  	s0 =	simm.s32 $0x0  }
0x1b5: {  	s0 =	smul.u32 $0x600, s0  }
0x1b6: {  	v1 =	vshrl.u32 v0, $0x7  }
0x1b7: {  	s6 =	simm.s32 $0x0;
	s0 =	sshra.s32 s0, $0x2;
	v1 =	vmul.u32 $0x180, v1  }
0x1b8: {  	s4 =	sand.u32 $0x40, s6;
	s5 =	sadd.s32 $0x8200, s0;
	v0 =	vand.u32 $0x7F, v0  }
0x1b9: {  	s6 =	sadd.s32 $0x8280, s0;
	s15 =	sor.u32 s4, s5;
	v0 =	vor.u32 v0, v1  }
0x1ba: {  	s16 =	sadd.s32 $0x8300, s0;
	[tilespmem:s15+$0x0] =	vst v0;
	v1 =	vadd.s32 $0x80, v0;
	s15 =	sor.u32 s4, s6  }
0x1bb: {  	v0 =	vadd.s32 $0x100, v0;
	[tilespmem:s15+$0x0] =	vst v1;
	s15 =	sor.u32 s4, s16  }
0x1bc: {  	[tilespmem:s15+$0x0] =	vst v0  }
0x1bd: {  	v0 =	vld [tilespmem:s1+$0xFFFFFFF0];
	_ =	sdelay $0x4  }
0x1be: {  	v1 =	vshrl.u32 v0, $0x7  }
0x1bf: {  	s4 =	simm.s32 $0x10;
	v1 =	vmul.u32 $0x180, v1  }
0x1c0: {  	s0 =	sand.u32 $0x50, s4;
	v0 =	vand.u32 $0x7F, v0  }
0x1c1: {  	s15 =	sor.u32 s0, s5;
	v0 =	vor.u32 v0, v1  }
0x1c2: {  	[tilespmem:s15+$0x0] =	vst v0;
	v1 =	vadd.s32 $0x80, v0;
	s15 =	sor.u32 s0, s6  }
0x1c3: {  	v0 =	vadd.s32 $0x100, v0;
	s0 =	sor.u32 s0, s16;
	[tilespmem:s15+$0x0] =	vst v1  }
0x1c4: {  	[tilespmem:s0+$0x0] =	vst v0  }
0x1c5: {  	v0 =	vld [tilespmem:s1+$0x0];
	_ =	sdelay $0x4  }
0x1c6: {  	v1 =	vshrl.u32 v0, $0x7  }
0x1c7: {  	s4 =	simm.s32 $0x20;
	v1 =	vmul.u32 $0x180, v1  }
0x1c8: {  	s0 =	sand.u32 $0x60, s4;
	v0 =	vand.u32 $0x7F, v0  }
0x1c9: {  	s15 =	sor.u32 s0, s5;
	v0 =	vor.u32 v0, v1  }
0x1ca: {  	[tilespmem:s15+$0x0] =	vst v0;
	v1 =	vadd.s32 $0x80, v0;
	s15 =	sor.u32 s0, s6  }
0x1cb: {  	v0 =	vadd.s32 $0x100, v0;
	s0 =	sor.u32 s0, s16;
	[tilespmem:s15+$0x0] =	vst v1  }
0x1cc: {  	[tilespmem:s0+$0x0] =	vst v0  }
0x1cd: {  	v0 =	vld [tilespmem:s1+$0x10];
	_ =	sdelay $0x4  }
0x1ce: {  	v1 =	vshrl.u32 v0, $0x7  }
0x1cf: {  	s0 =	simm.s32 $0x30;
	v1 =	vmul.u32 $0x180, v1  }
0x1d0: {  	s4 =	sand.u32 $0x70, s0;
	v0 =	vand.u32 $0x7F, v0  }
0x1d1: {  	s5 =	sor.u32 s4, s5;
	v0 =	vor.u32 v0, v1  }
0x1d2: {  	s15 =	sor.u32 s4, s6;
	[tilespmem:s5+$0x0] =	vst v0;
	v1 =	vadd.s32 $0x80, v0  }
0x1d3: {  	s30 =	simm.s32 $0x0;
	s4 =	sor.u32 s4, s16;
	v0 =	vadd.s32 $0x100, v0;
	[tilespmem:s15+$0x0] =	vst v1  }
.LBB2_12:
0x1d4: {  	s30 =	sadd.s32 $0x4, s30;
	[tilespmem:s4+$0x0] =	vst v0;
	s0 =	sadd.s32 $0x40, s0;
	s1 =	sadd.s32 $0x40, s1  }
0x1d5: {  	v0 =	vld [tilespmem:s1+$0xFFFFFFE0];
	s4 =	sshrl.u32 s30, $0x3;
	p1 =	slt.u32 s30, $0x204  }
0x1d6: {  	s4 =	smul.u32 $0x600, s4;
	_ =	sdelay $0x1  }
0x1d7: {  	s5 =	sshra.s32 s4, $0x2  }
0x1d8: {  	s4 =	sadd.s32 $0x8200, s5;
	s16 =	sadd.s32 $0x8280, s5;
	s15 =	sadd.s32 $0x8300, s5  }
0x1d9: {  	v1 =	vshrl.u32 v0, $0x7  }
0x1da: {  	s5 =	sadd.s32 $0xFFFFFFD0, s0;
	v1 =	vmul.u32 $0x180, v1  }
0x1db: {  	v0 =	vand.u32 $0x7F, v0;
	s5 =	sand.u32 $0x40, s5  }
0x1dc: {  	s6 =	sor.u32 s5, s4;
	v0 =	vor.u32 v0, v1  }
0x1dd: {  	[tilespmem:s6+$0x0] =	vst v0;
	v1 =	vadd.s32 $0x80, v0;
	s6 =	sor.u32 s5, s16  }
0x1de: {  	v0 =	vadd.s32 $0x100, v0;
	s5 =	sor.u32 s5, s15;
	[tilespmem:s6+$0x0] =	vst v1  }
0x1df: {  	[tilespmem:s5+$0x0] =	vst v0  }
0x1e0: {  	v0 =	vld [tilespmem:s1+$0xFFFFFFF0];
	_ =	sdelay $0x4  }
0x1e1: {  	v1 =	vshrl.u32 v0, $0x7  }
0x1e2: {  	s5 =	sadd.s32 $0xFFFFFFE0, s0;
	v1 =	vmul.u32 $0x180, v1  }
0x1e3: {  	s5 =	sand.u32 $0x50, s5;
	v0 =	vand.u32 $0x7F, v0  }
0x1e4: {  	s6 =	sor.u32 s5, s4;
	v0 =	vor.u32 v0, v1  }
0x1e5: {  	[tilespmem:s6+$0x0] =	vst v0;
	v1 =	vadd.s32 $0x80, v0;
	s6 =	sor.u32 s5, s16  }
0x1e6: {  	v0 =	vadd.s32 $0x100, v0;
	s5 =	sor.u32 s5, s15;
	[tilespmem:s6+$0x0] =	vst v1  }
0x1e7: {  	[tilespmem:s5+$0x0] =	vst v0  }
0x1e8: {  	v0 =	vld [tilespmem:s1+$0x0];
	_ =	sdelay $0x4  }
0x1e9: {  	v1 =	vshrl.u32 v0, $0x7  }
0x1ea: {  	s5 =	sadd.s32 $0xFFFFFFF0, s0;
	v1 =	vmul.u32 $0x180, v1  }
0x1eb: {  	s5 =	sand.u32 $0x60, s5;
	v0 =	vand.u32 $0x7F, v0  }
0x1ec: {  	s6 =	sor.u32 s5, s4;
	v0 =	vor.u32 v0, v1  }
0x1ed: {  	[tilespmem:s6+$0x0] =	vst v0;
	v1 =	vadd.s32 $0x80, v0;
	s6 =	sor.u32 s5, s16  }
0x1ee: {  	v0 =	vadd.s32 $0x100, v0;
	s5 =	sor.u32 s5, s15;
	[tilespmem:s6+$0x0] =	vst v1  }
0x1ef: {  	[tilespmem:s5+$0x0] =	vst v0  }
0x1f0: {  	v0 =	vld [tilespmem:s1+$0x10];
	_ =	sdelay $0x4  }
0x1f1: {  	v1 =	vshrl.u32 v0, $0x7  }
.Ltmp7:
0x1f2: {  	v1 =	vmul.u32 $0x180, v1;
	(pc) =	sbr.rel @p1 .LBB2_12-.Ltmp7, $4  }
0x1f3: {  	s5 =	sand.u32 $0x70, s0;
	v0 =	vand.u32 $0x7F, v0  }
0x1f4: {  	s4 =	sor.u32 s5, s4;
	v0 =	vor.u32 v0, v1  }
0x1f5: {  	[tilespmem:s4+$0x0] =	vst v0;
	v1 =	vadd.s32 $0x80, v0;
	s4 =	sor.u32 s5, s16  }
0x1f6: {  	v0 =	vadd.s32 $0x100, v0;
	[tilespmem:s4+$0x0] =	vst v1;
	s4 =	sor.u32 s5, s15  }
0x1f7: {  	[tilespmem:s4+$0x0] =	vst v0  }
0x1f8: {  	_ =	swait.ge [sflag:s29], $0x6180  }
0x1f9: {  	[sflag:s29] =	ssyncset.done $0x0  }
0x1fa: {  	[sflag:s29] =	ssyncadd.s32 $0xFFFF9E80  }
0x1fb: {  	[tilespmem:s24], [sflag:$0x2] =	stream.indirect.gather [hbm4b:s3+s20], $0x1, s23, s20, $0xb8;
	[tilespmem:$0x1A680] =	vst v63  }
0x1fc: {  	_ =	swait.ge [sflag:s25], $0x6180  }
0x1fd: {  	[sflag:s25] =	ssyncset.done $0x0  }
.Ltmp8:
0x1fe: {  	[sflag:s25] =	ssyncadd.s32 $0xFFFF9E80;
	(pc) =	sbr.rel @p0 .LBB2_15-.Ltmp8, $4  }
0x1ff: {  	[hbm4b:s14+s2] =	stream.linear.scatter [tilespmem:s22], [sflag:$0x3], $0x6180, $0x38;
	[tilespmem:$0x1A680] =	vst v63  }
0x200: {  	_ =	swait.ge [sflag:s26], $0x6180  }
0x201: {  	[sflag:s26] =	ssyncset.done $0x0  }
0x202: {  	[sflag:s26] =	ssyncadd.s32 $0xFFFF9E80  }
0x203: {  	s0 =	rddreg [dreg:$0x6]  }
0x204: {  	[tilespmem:s2], [sflag:$0x5] =	stream.linear.gather [hbm4b:s0+s2], $0x80, $0x38;
	[tilespmem:$0x1A680] =	vst v63  }
0x205: {  	_ =	swait.ge [sflag:s19], $0x80  }
0x206: {  	[sflag:s19] =	ssyncset.done $0x0  }
0x207: {  	[sflag:s19] =	ssyncadd.s32 $0xFFFFFF80  }
0x208: {  	v0 =	vld [tilespmem:$0x0]  }
0x209: {  	v55 =	vld [tilespmem:$0x70];
	_ =	sdelay $0x2  }
0x20a: {  	v1 =	vld [tilespmem:$0x10]  }
0x20b: {  	v2 =	vshrl.u32 v0, $0x7  }
0x20c: {  	v60 =	vshrl.u32 v55, $0x7;
	v2 =	vmul.u32 $0x180, v2  }
0x20d: {  	v3 =	vld [tilespmem:$0x20];
	v0 =	vand.u32 $0x7F, v0;
	v61 =	vmul.u32 $0x180, v60  }
0x20e: {  	v4 =	vld [tilespmem:$0x30];
	v62 =	vand.u32 $0x7F, v55;
	v0 =	vor.u32 v0, v2  }
0x20f: {  	v38 =	vshrl.u32 v1, $0x7;
	v63 =	vor.u32 v62, v61;
	[tilespmem:$0x2080] =	vst v0  }
0x210: {  	v2 =	vmul.u32 $0x180, v38;
	v5 =	vadd.s32 $0x80, v0;
	[tilespmem:$0x20F0] =	vst v63  }
0x211: {  	v1 =	vand.u32 $0x7F, v1;
	v0 =	vadd.s32 $0x100, v0;
	[tilespmem:$0x2100] =	vst v5  }
0x212: {  	v40 =	vshrl.u32 v3, $0x7;
	[tilespmem:$0x2180] =	vst v0;
	v39 =	vor.u32 v1, v2  }
0x213: {  	v41 =	vld [tilespmem:$0x40];
	v43 =	vshrl.u32 v4, $0x7;
	v1 =	vmul.u32 $0x180, v40;
	[tilespmem:$0x2090] =	vst v39;
	v42 =	vadd.s32 $0x80, v39  }
0x214: {  	v46 =	vld [tilespmem:$0x50];
	v3 =	vand.u32 $0x7F, v3;
	v45 =	vmul.u32 $0x180, v43;
	v0 =	vadd.s32 $0x100, v39;
	[tilespmem:$0x2110] =	vst v42  }
0x215: {  	v4 =	vand.u32 $0x7F, v4;
	[tilespmem:$0x2190] =	vst v0;
	v44 =	vor.u32 v3, v1  }
0x216: {  	v1 =	vor.u32 v4, v45;
	[tilespmem:$0x20A0] =	vst v44  }
0x217: {  	v47 =	vadd.s32 $0x80, v44;
	[tilespmem:$0x20B0] =	vst v1  }
0x218: {  	v48 =	vshrl.u32 v41, $0x7;
	v0 =	vadd.s32 $0x100, v44;
	[tilespmem:$0x2120] =	vst v47  }
0x219: {  	v50 =	vld [tilespmem:$0x60];
	v52 =	vshrl.u32 v46, $0x7;
	v4 =	vmul.u32 $0x180, v48;
	v49 =	vadd.s32 $0x80, v1;
	[tilespmem:$0x21A0] =	vst v0  }
0x21a: {  	v51 =	vand.u32 $0x7F, v41;
	v2 =	vmul.u32 $0x180, v52;
	v1 =	vadd.s32 $0x100, v1;
	[tilespmem:$0x2130] =	vst v49  }
0x21b: {  	v54 =	vand.u32 $0x7F, v46;
	v0 =	vor.u32 v51, v4;
	[tilespmem:$0x21B0] =	vst v1  }
0x21c: {  	v1 =	vor.u32 v54, v2;
	[tilespmem:$0x20C0] =	vst v0  }
0x21d: {  	v53 =	vadd.s32 $0x80, v0;
	[tilespmem:$0x20D0] =	vst v1  }
0x21e: {  	v56 =	vshrl.u32 v50, $0x7;
	v0 =	vadd.s32 $0x100, v0;
	[tilespmem:$0x2140] =	vst v53  }
0x21f: {  	v2 =	vmul.u32 $0x180, v56;
	v57 =	vadd.s32 $0x80, v1;
	[tilespmem:$0x21C0] =	vst v0  }
0x220: {  	v58 =	vand.u32 $0x7F, v50;
	v1 =	vadd.s32 $0x100, v1;
	[tilespmem:$0x2150] =	vst v57  }
0x221: {  	v0 =	vor.u32 v58, v2;
	[tilespmem:$0x21D0] =	vst v1  }
0x222: {  	v1 =	vadd.s32 $0x80, v63;
	[tilespmem:$0x20E0] =	vst v0  }
0x223: {  	v59 =	vadd.s32 $0x80, v0;
	[tilespmem:$0x2170] =	vst v1  }
0x224: {  	v0 =	vadd.s32 $0x100, v0;
	[tilespmem:$0x2160] =	vst v59  }
0x225: {  	[tilespmem:$0x21E0] =	vst v0;
	v0 =	vadd.s32 $0x100, v63  }
0x226: {  	s16 =	simm.s32 $0x180;
	[tilespmem:$0x21F0] =	vst v0  }
0x227: {  	[tilespmem:s22], [sflag:$0x1] =	stream.indirect.gather [hbm4b:s3+s16], $0x1, s21, s16, $0xb8;
	[tilespmem:$0x1A680] =	vst v63  }
0x228: {  	_ =	swait.ge [sflag:s25], $0x180  }
0x229: {  	[sflag:s25] =	ssyncset.done $0x0  }
.Ltmp9:
0x22a: {  	s30 =	rddreg [dreg:$0x7];
	[sflag:s25] =	ssyncadd.s32 $0xFFFFFE80;
	(pc) =	sbr.rel .LBB2_15-.Ltmp9, $4  }
0x22b: {  	[hbm4b:s30+s2] =	stream.linear.scatter [tilespmem:s22], [sflag:$0x5], $0x180, $0x38;
	[tilespmem:$0x1A680] =	vst v63  }
0x22c: {  	_ =	swait.ge [sflag:s19], $0x180  }
0x22d: {  	[sflag:s19] =	ssyncset.done $0x0  }
0x22e: {  	[sflag:s19] =	ssyncadd.s32 $0xFFFFFE80  }
.LBB2_16:
0x22f: {  	_ =	sfence.sel $0x180000  }
0x230: {  	[bflag:$0x0] =	sbarrier.arrive $0xFFFF  }
0x231: {  	_ =	strace $0x9000004A  }
0x232: {  	s0 =	stileid.u32;
	[bflag:$0x2] =	sbarrier.arrive $0xFFFF  }
0x233: {  	p0 =	sne.s32 s0, $0x0;
	s0 =	rddreg [dreg:$0x2]  }
0x234: {  	s0 =	sadd.s32 @!p0 $0x100000, s0  }
0x235: {  	[sflag:s0] =	ssyncadd.tile.s32 @!p0 $0x1;
	_ =	shalt  }
.Lfunc_end2:
_tile_overlayer_lowered:
.L_overlay_start_2:
0x236: {  	(tag) =	ssettag $0x2  }
0x237: {  	s0 =	rddreg [dreg:$0x0];
	s2 =	stileid.u32  }
0x238: {  	s1 =	rddreg [dreg:$0x1];
	p0 =	sne.s32 s2, $0x0  }
0x239: {  	s3 =	rddreg [dreg:$0x2];
	[bflag:$0x3] =	sbarrier.arrive $0xFFFF;
	s2 =	simm.s32 @!p0 $0x1C05  }
0x23a: {  	[timem:s3], [sflag:s2] =	dma.local @!p0 [hbm:s0], s1  }
0x23b: {  	s0 =	simm.s32 @!p0 $0x5  }
0x23c: {  	_ =	swait.ge @!p0 [sflag:s0], s1  }
0x23d: {  	s1 =	ssub.s32 @!p0 $0x0, s1;
	[sflag:s0] =	ssyncset.done @!p0 $0x0  }
0x23e: {  	[sflag:s0] =	ssyncadd.s32 @!p0 s1  }
0x23f: {  	[bflag:$0x3] =	sbarrier.arrive $0xFFFF  }
0x240: {  	_ =	shalt  }

</sc_bundles>
